<compile_context>
chip_gen: v7x
topology: tpu7x:2x2x1
jax: 0.10.2.dev20260603
libtpu: 0.0.44.dev20260713+nightly
codegen_flags: <defaults>
</compile_context>

<pallas_src>
import dataclasses
import functools

import jax
import jax.numpy as jnp
from jax import lax
from jax.experimental import pallas as pl
from jax.experimental.pallas import tpu as pltpu
from jax.experimental.pallas import tpu_sc as plsc

N = 10000
E = 320000
H = 128
NORM = 100.0

NC = 2
NS = 16
NW = NC * NS
EW = E // NW
SLICES = ((0, 160000), (160000, 160000))
MLP_BLK = 6400
CH_G = 40
CH_S = 2000
NCH_S = EW // CH_S
VL = 16


@functools.lru_cache(maxsize=None)
def _sc_mesh():
    return plsc.VectorSubcoreMesh(core_axis_name="c", subcore_axis_name="s",
                                  num_cores=NC, num_subcores=NS)


@functools.lru_cache(maxsize=None)
def _sc_params():
    cp = pltpu.CompilerParams()
    if "needs_layout_passes" in pltpu.CompilerParams.__dataclass_fields__:
        cp = dataclasses.replace(cp, needs_layout_passes=False)
    return cp



def _proj_body(h_ref, wa_ref, wb_ref, b0_ref, ha_ref, hb_ref):
    hb16 = h_ref[...].astype(jnp.bfloat16)
    ha_ref[...] = (
        jnp.dot(hb16, wa_ref[...], preferred_element_type=jnp.float32)
        + b0_ref[...]
    )
    hb_ref[...] = jnp.dot(hb16, wb_ref[...], preferred_element_type=jnp.float32)


def _project(h, wa_t, wb_t, b0_row):
    blk = 2000
    grid = N // blk
    return pl.pallas_call(
        _proj_body,
        grid=(grid,),
        in_specs=[
            pl.BlockSpec((blk, H), lambda i: (i, 0)),
            pl.BlockSpec((H, H), lambda i: (0, 0)),
            pl.BlockSpec((H, H), lambda i: (0, 0)),
            pl.BlockSpec((1, H), lambda i: (0, 0)),
        ],
        out_specs=[
            pl.BlockSpec((blk, H), lambda i: (i, 0)),
            pl.BlockSpec((blk, H), lambda i: (i, 0)),
        ],
        out_shape=[
            jax.ShapeDtypeStruct((N, H), jnp.float32),
            jax.ShapeDtypeStruct((N, H), jnp.float32),
        ],
    )(h, wa_t, wb_t, b0_row)



KG = 4


def _sc_gather(ha, hb, row, col, e0, es):
    ews = es // NW
    nch = ews // CH_G
    nch_main = (nch // KG) * KG
    scratch = []
    for _ in range(KG):
        scratch += [pltpu.VMEM((CH_G,), jnp.int32),
                    pltpu.VMEM((CH_G,), jnp.int32),
                    pltpu.VMEM((CH_G, H), jnp.float32),
                    pltpu.VMEM((CH_G, H), jnp.float32)]
    scratch += [pltpu.SemaphoreType.DMA] * (3 * KG)

    @functools.partial(
        pl.kernel,
        mesh=_sc_mesh(),
        out_type=[
            jax.ShapeDtypeStruct((es, H), jnp.float32),
            jax.ShapeDtypeStruct((es, H), jnp.float32),
        ],
        scratch_types=scratch,
    )
    def body(ha_hbm, hb_hbm, row_hbm, col_hbm, ga_hbm, gb_hbm, *s):
        idxr = [s[4 * b] for b in range(KG)]
        idxc = [s[4 * b + 1] for b in range(KG)]
        bufa = [s[4 * b + 2] for b in range(KG)]
        bufb = [s[4 * b + 3] for b in range(KG)]
        semi = [s[4 * KG + b] for b in range(KG)]
        semg = [s[5 * KG + b] for b in range(KG)]
        semw = [s[6 * KG + b] for b in range(KG)]
        wid = lax.axis_index("s") * NC + lax.axis_index("c")

        def chunk_base(ci, b):
            return wid * ews + (ci + b) * CH_G

        @pl.loop(0, nch_main, step=KG)
        def _(ci):
            hi = []
            for b in range(KG):
                base = chunk_base(ci, b)
                hi.append((
                    pltpu.async_copy(row_hbm.at[pl.ds(e0 + base, CH_G)],
                                     idxr[b], semi[b]),
                    pltpu.async_copy(col_hbm.at[pl.ds(e0 + base, CH_G)],
                                     idxc[b], semi[b]),
                ))
            hg = []
            for b in range(KG):
                hi[b][0].wait()
                hi[b][1].wait()
                hg.append((
                    pltpu.async_copy(ha_hbm.at[idxr[b]], bufa[b], semg[b]),
                    pltpu.async_copy(hb_hbm.at[idxc[b]], bufb[b], semg[b]),
                ))
            hw = []
            for b in range(KG):
                base = chunk_base(ci, b)
                hg[b][0].wait()
                hg[b][1].wait()
                hw.append((
                    pltpu.async_copy(bufa[b], ga_hbm.at[pl.ds(base, CH_G)],
                                     semw[b]),
                    pltpu.async_copy(bufb[b], gb_hbm.at[pl.ds(base, CH_G)],
                                     semw[b]),
                ))
            for b in range(KG):
                hw[b][0].wait()
                hw[b][1].wait()

        @pl.loop(nch_main, nch)
        def _(ci):
            base = wid * ews + ci * CH_G
            pltpu.sync_copy(row_hbm.at[pl.ds(e0 + base, CH_G)], idxr[0])
            pltpu.sync_copy(col_hbm.at[pl.ds(e0 + base, CH_G)], idxc[0])
            cpa = pltpu.async_copy(ha_hbm.at[idxr[0]], bufa[0], semg[0])
            cpb = pltpu.async_copy(hb_hbm.at[idxc[0]], bufb[0], semg[0])
            cpa.wait()
            cpb.wait()
            pltpu.sync_copy(bufa[0], ga_hbm.at[pl.ds(base, CH_G)])
            pltpu.sync_copy(bufb[0], gb_hbm.at[pl.ds(base, CH_G)])

    return body(ha, hb, row, col)



def _mlp_body(ga_ref, gb_ref, attr_ref, cdt_ref, w0c_ref, w1t_ref, b1_ref,
              w2_ref, outx_ref, outy_ref, outz_ref):
    pre0 = (ga_ref[...].astype(jnp.float32) + gb_ref[...].astype(jnp.float32)
            + attr_ref[...] * w0c_ref[...])
    m0 = pre0 * jax.nn.sigmoid(pre0)
    mm = (
        jnp.dot(m0.astype(jnp.bfloat16), w1t_ref[...],
                preferred_element_type=jnp.float32)
        + b1_ref[...]
    )
    m1 = mm * jax.nn.sigmoid(mm)
    phi_t = jax.lax.dot_general(
        w2_ref[...], m1.astype(jnp.bfloat16),
        dimension_numbers=(((1,), (1,)), ((), ())),
        preferred_element_type=jnp.float32)
    t = cdt_ref[...] * phi_t
    base = pl.program_id(0) * t.shape[1]
    outx_ref[pl.ds(base, t.shape[1])] = t[0]
    outy_ref[pl.ds(base, t.shape[1])] = t[1]
    outz_ref[pl.ds(base, t.shape[1])] = t[2]


def _edge_mlp(ga, gb, edge_attr, cdt, w0c_row, w1t, b1_row, w2b, e0, es):
    blk = MLP_BLK
    grid = es // blk
    off = e0 // blk
    return pl.pallas_call(
        _mlp_body,
        grid=(grid,),
        in_specs=[
            pl.BlockSpec((blk, H), lambda i: (i, 0)),
            pl.BlockSpec((blk, H), lambda i: (i, 0)),
            pl.BlockSpec((blk, 1), lambda i: (i + off, 0)),
            pl.BlockSpec((3, blk), lambda i: (0, i + off)),
            pl.BlockSpec((1, H), lambda i: (0, 0)),
            pl.BlockSpec((H, H), lambda i: (0, 0)),
            pl.BlockSpec((1, H), lambda i: (0, 0)),
            pl.BlockSpec((1, H), lambda i: (0, 0)),
        ],
        out_specs=[
            pl.BlockSpec((es,), lambda i: (0,)),
            pl.BlockSpec((es,), lambda i: (0,)),
            pl.BlockSpec((es,), lambda i: (0,)),
        ],
        out_shape=[
            jax.ShapeDtypeStruct((es,), jnp.float32),
            jax.ShapeDtypeStruct((es,), jnp.float32),
            jax.ShapeDtypeStruct((es,), jnp.float32),
        ],
    )(ga, gb, edge_attr, cdt, w0c_row, w1t, b1_row, w2b)



def _sc_scatter(tx, ty, tz, row):
    @functools.partial(
        pl.kernel,
        mesh=_sc_mesh(),
        compiler_params=_sc_params(),
        out_type=[
            jax.ShapeDtypeStruct((NW, 1, N), jnp.float32),
            jax.ShapeDtypeStruct((NW, 1, N), jnp.float32),
            jax.ShapeDtypeStruct((NW, 1, N), jnp.float32),
        ],
        scratch_types=[
            pltpu.VMEM((CH_S,), jnp.int32),
            pltpu.VMEM((CH_S,), jnp.float32),
            pltpu.VMEM((CH_S,), jnp.float32),
            pltpu.VMEM((CH_S,), jnp.float32),
            pltpu.VMEM((N,), jnp.float32),
            pltpu.VMEM((N,), jnp.float32),
            pltpu.VMEM((N,), jnp.float32),
        ],
    )
    def body(tx_hbm, ty_hbm, tz_hbm, row_hbm, outx_hbm, outy_hbm, outz_hbm,
             idx_v, tx_v, ty_v, tz_v, accx_v, accy_v, accz_v):
        wid = lax.axis_index("s") * NC + lax.axis_index("c")
        zero16 = jnp.zeros((VL,), jnp.float32)

        @pl.loop(0, N, step=VL)
        def _(k):
            accx_v[pl.ds(k, VL)] = zero16
            accy_v[pl.ds(k, VL)] = zero16
            accz_v[pl.ds(k, VL)] = zero16

        @pl.loop(0, NCH_S)
        def _(ci):
            base = wid * EW + ci * CH_S
            pltpu.sync_copy(row_hbm.at[pl.ds(base, CH_S)], idx_v)
            pltpu.sync_copy(tx_hbm.at[pl.ds(base, CH_S)], tx_v)
            pltpu.sync_copy(ty_hbm.at[pl.ds(base, CH_S)], ty_v)
            pltpu.sync_copy(tz_hbm.at[pl.ds(base, CH_S)], tz_v)

            @pl.loop(0, CH_S, step=VL)
            def _(k):
                i16 = idx_v[pl.ds(k, VL)]
                plsc.addupdate_scatter(accx_v, [i16], tx_v[pl.ds(k, VL)])
                plsc.addupdate_scatter(accy_v, [i16], ty_v[pl.ds(k, VL)])
                plsc.addupdate_scatter(accz_v, [i16], tz_v[pl.ds(k, VL)])

        pltpu.sync_copy(accx_v, outx_hbm.at[wid, 0])
        pltpu.sync_copy(accy_v, outy_hbm.at[wid, 0])
        pltpu.sync_copy(accz_v, outz_hbm.at[wid, 0])

    return body(tx, ty, tz, row)



def _combine_body(coordt_ref, px_ref, py_ref, pz_ref, out_ref):
    agg = jnp.concatenate(
        [jnp.sum(px_ref[...], axis=0, keepdims=True),
         jnp.sum(py_ref[...], axis=0, keepdims=True),
         jnp.sum(pz_ref[...], axis=0, keepdims=True)], axis=0)
    out_ref[...] = coordt_ref[...] + agg * (1.0 / NORM)


def _combine(coordt, px, py, pz):
    return pl.pallas_call(
        _combine_body,
        in_specs=[
            pl.BlockSpec((3, N), lambda: (0, 0)),
            pl.BlockSpec((NW, N), lambda: (0, 0)),
            pl.BlockSpec((NW, N), lambda: (0, 0)),
            pl.BlockSpec((NW, N), lambda: (0, 0)),
        ],
        out_specs=pl.BlockSpec((3, N), lambda: (0, 0)),
        out_shape=jax.ShapeDtypeStruct((3, N), jnp.float32),
    )(coordt, px, py, pz)



def kernel(h, coord, edge_index, coord_diff, coord_cross, edge_attr,
           w0, b0, w1, b1, w2):
    row = edge_index[0]
    col = edge_index[1]
    wa_t = jnp.transpose(w0[:, :H]).astype(jnp.bfloat16)
    wb_t = jnp.transpose(w0[:, H:2 * H]).astype(jnp.bfloat16)
    w0c_row = jnp.transpose(w0[:, 2 * H:])
    w1t = jnp.transpose(w1).astype(jnp.bfloat16)
    w2b = w2.astype(jnp.bfloat16)
    b0_row = b0.reshape(1, H)
    b1_row = b1.reshape(1, H)
    cdt = jnp.transpose(coord_diff)
    coordt = jnp.transpose(coord)

    ha, hb = _project(h, wa_t, wb_t, b0_row)

    gathered = [_sc_gather(ha, hb, row, col, e0, es) for e0, es in SLICES]
    txs, tys, tzs = [], [], []
    for (e0, es), (ga, gb) in zip(SLICES, gathered):
        tx_s, ty_s, tz_s = _edge_mlp(ga, gb, edge_attr, cdt, w0c_row, w1t,
                                     b1_row, w2b, e0, es)
        txs.append(tx_s)
        tys.append(ty_s)
        tzs.append(tz_s)
    tx = jnp.concatenate(txs)
    ty = jnp.concatenate(tys)
    tz = jnp.concatenate(tzs)
    px, py, pz = _sc_scatter(tx, ty, tz, row)
    out_t = _combine(coordt, px.reshape(NW, N), py.reshape(NW, N),
                     pz.reshape(NW, N))
    return jnp.transpose(out_t)

# --- scband reference (transcript-rebuilt; emitter-appended) ---
"""Pipeline reference for scband-equivariant-update-79267916415020 (READ-ONLY COPY).

The authoritative reference and input builder live on the scoring server;
editing this copy changes nothing except your own understanding.
"""

import jax, jax.numpy as jnp
import numpy as np

N = 10000
E = 320000
H = 128
D_EDGE = 1
NORM = 100.0
IN_EDGE = 2 * H + D_EDGE


def setup_inputs(seed: int = 0) -> dict:
    key = jax.random.key(seed)
    ks = jax.random.split(key, 12)
    h = jax.random.normal(ks[0], (N, H), dtype=jnp.float32)
    coord = jax.random.normal(ks[1], (N, 3), dtype=jnp.float32)
    edge_index = jax.random.randint(ks[2], (2, E), 0, N, dtype=jnp.int32)
    coord_diff = jax.random.normal(ks[3], (E, 3), dtype=jnp.float32)
    coord_cross = jax.random.normal(ks[4], (E, 3), dtype=jnp.float32)
    edge_attr = jax.random.normal(ks[5], (E, D_EDGE), dtype=jnp.float32)
    # coord_mlp params: Linear(IN_EDGE,H), SiLU, Linear(H,H), SiLU, Linear(H,1,bias=False xavier gain 0.001)
    w0 = jax.random.normal(ks[6], (H, IN_EDGE), dtype=jnp.float32) * (1.0 / np.sqrt(IN_EDGE))
    b0 = jnp.zeros((H,), dtype=jnp.float32)
    w1 = jax.random.normal(ks[7], (H, H), dtype=jnp.float32) * (1.0 / np.sqrt(H))
    b1 = jnp.zeros((H,), dtype=jnp.float32)
    w2 = jax.random.normal(ks[8], (1, H), dtype=jnp.float32) * 0.001
    return {"h": h, "coord": coord, "edge_index": edge_index, "coord_diff": coord_diff,
            "coord_cross": coord_cross, "edge_attr": edge_attr,
            "w0": w0, "b0": b0, "w1": w1, "b1": b1, "w2": w2}


def reference(h, coord, edge_index, coord_diff, coord_cross, edge_attr, w0, b0, w1, b1, w2):
    # reflection_equiv=True, tanh=False, aggregation_method='sum', normalization_factor=100.0
    row = edge_index[0]
    col = edge_index[1]
    inp = jnp.concatenate([h[row], h[col], edge_attr], axis=1)  # [E, 2H+1]
    m = jax.nn.silu(inp @ w0.T + b0)
    m = jax.nn.silu(m @ w1.T + b1)
    phi = m @ w2.T  # [E, 1]
    trans = coord_diff * phi  # [E, 3]
    agg = jax.ops.segment_sum(trans, row, num_segments=coord.shape[0]) / NORM
    return coord + agg

if __name__ == "__main__":
    import jax
    _d = setup_inputs()
    print(jax.jit(kernel)(*tuple(_d.values())))

</pallas_src>

<mosaic_0001>
#map = affine_map<(d0, d1) -> (0, 0)>
#map1 = affine_map<(d0, d1) -> (0)>
module attributes {stable_mosaic.version = 14 : i64} {
  func.func @body(%arg0: i32, %arg1: i32, %arg2: memref<10000x128xf32, #tpu.memory_space<hbm>>, %arg3: memref<10000x128xf32, #tpu.memory_space<hbm>>, %arg4: memref<320000xi32, #tpu.memory_space<hbm>>, %arg5: memref<320000xi32, #tpu.memory_space<hbm>>, %arg6: memref<160000x128xf32, #tpu.memory_space<hbm>>, %arg7: memref<160000x128xf32, #tpu.memory_space<hbm>>, %arg8: memref<40xi32, #tpu.memory_space<vmem>>, %arg9: memref<40xi32, #tpu.memory_space<vmem>>, %arg10: memref<40x128xf32, #tpu.memory_space<vmem>>, %arg11: memref<40x128xf32, #tpu.memory_space<vmem>>, %arg12: memref<40xi32, #tpu.memory_space<vmem>>, %arg13: memref<40xi32, #tpu.memory_space<vmem>>, %arg14: memref<40x128xf32, #tpu.memory_space<vmem>>, %arg15: memref<40x128xf32, #tpu.memory_space<vmem>>, %arg16: memref<40xi32, #tpu.memory_space<vmem>>, %arg17: memref<40xi32, #tpu.memory_space<vmem>>, %arg18: memref<40x128xf32, #tpu.memory_space<vmem>>, %arg19: memref<40x128xf32, #tpu.memory_space<vmem>>, %arg20: memref<40xi32, #tpu.memory_space<vmem>>, %arg21: memref<40xi32, #tpu.memory_space<vmem>>, %arg22: memref<40x128xf32, #tpu.memory_space<vmem>>, %arg23: memref<40x128xf32, #tpu.memory_space<vmem>>, %arg24: memref<!tpu.dma_semaphore, #tpu.memory_space<semaphore_mem>>, %arg25: memref<!tpu.dma_semaphore, #tpu.memory_space<semaphore_mem>>, %arg26: memref<!tpu.dma_semaphore, #tpu.memory_space<semaphore_mem>>, %arg27: memref<!tpu.dma_semaphore, #tpu.memory_space<semaphore_mem>>, %arg28: memref<!tpu.dma_semaphore, #tpu.memory_space<semaphore_mem>>, %arg29: memref<!tpu.dma_semaphore, #tpu.memory_space<semaphore_mem>>, %arg30: memref<!tpu.dma_semaphore, #tpu.memory_space<semaphore_mem>>, %arg31: memref<!tpu.dma_semaphore, #tpu.memory_space<semaphore_mem>>, %arg32: memref<!tpu.dma_semaphore, #tpu.memory_space<semaphore_mem>>, %arg33: memref<!tpu.dma_semaphore, #tpu.memory_space<semaphore_mem>>, %arg34: memref<!tpu.dma_semaphore, #tpu.memory_space<semaphore_mem>>, %arg35: memref<!tpu.dma_semaphore, #tpu.memory_space<semaphore_mem>>) attributes {dimension_semantics = [#tpu.dimension_semantics<core_parallel>, #tpu.dimension_semantics<subcore_parallel>], iteration_bounds = array<i64: 2, 16>, scalar_prefetch = 0 : i64, scratch_operands = 28 : i64, tpu.core_type = #tpu.core_type<sc_vector_subcore>, window_params = [{transform_indices = #map}, {transform_indices = #map}, {transform_indices = #map1}, {transform_indices = #map1}, {transform_indices = #map}, {transform_indices = #map}]} {
    %mul3A = arith.constant 2 : i32
    %mul3A_0 = arith.muli %arg1, %mul3A : i32
    %add3A = arith.addi %mul3A_0, %arg0 : i32
    %scan3A = arith.constant 0 : i32
    %scan3A_1 = arith.constant 31 : i32
    %scan3A_2 = arith.addi %scan3A, %scan3A_1 : i32
    %scan3A_3 = arith.constant 1 : i32
    scf.for %scan3A_30 = %scan3A to %scan3A_2 step %scan3A_3  : i32 {
      %mul3A_31 = arith.constant 4 : i32
      %mul3A_32 = arith.muli %scan3A_30, %mul3A_31 : i32
      %add3A_33 = arith.constant 0 : i32
      %add3A_34 = arith.addi %add3A_33, %mul3A_32 : i32
      %mul3A_35 = arith.constant 5000 : i32
      %mul3A_36 = arith.muli %add3A, %mul3A_35 : i32
      %add3A_37 = arith.constant 0 : i32
      %add3A_38 = arith.addi %add3A_34, %add3A_37 : i32
      %mul3A_39 = arith.constant 40 : i32
      %mul3A_40 = arith.muli %add3A_38, %mul3A_39 : i32
      %add3A_41 = arith.addi %mul3A_36, %mul3A_40 : i32
      %add3A_42 = arith.constant 160000 : i32
      %add3A_43 = arith.addi %add3A_42, %add3A_41 : i32
      %dma_start3A_44 = tpu.memref_slice %arg4[%add3A_43] : memref<320000xi32, #tpu.memory_space<hbm>> -> memref<40xi32, #tpu.memory_space<hbm>>
      %dma_start3A_45 = tpu.memref_slice %arg4[%add3A_43] : memref<320000xi32, #tpu.memory_space<hbm>> -> memref<40xi32, #tpu.memory_space<hbm>>
      tpu.enqueue_dma source(%dma_start3A_45 : memref<40xi32, #tpu.memory_space<hbm>>) target(%arg8 : memref<40xi32, #tpu.memory_space<vmem>>) target_semaphore(%arg24 : memref<!tpu.dma_semaphore, #tpu.memory_space<semaphore_mem>>)
      %add3A_46 = arith.constant 160000 : i32
      %add3A_47 = arith.addi %add3A_46, %add3A_41 : i32
      %dma_start3A_48 = tpu.memref_slice %arg5[%add3A_47] : memref<320000xi32, #tpu.memory_space<hbm>> -> memref<40xi32, #tpu.memory_space<hbm>>
      %dma_start3A_49 = tpu.memref_slice %arg5[%add3A_47] : memref<320000xi32, #tpu.memory_space<hbm>> -> memref<40xi32, #tpu.memory_space<hbm>>
      tpu.enqueue_dma source(%dma_start3A_49 : memref<40xi32, #tpu.memory_space<hbm>>) target(%arg9 : memref<40xi32, #tpu.memory_space<vmem>>) target_semaphore(%arg24 : memref<!tpu.dma_semaphore, #tpu.memory_space<semaphore_mem>>)
      %mul3A_50 = arith.constant 5000 : i32
      %mul3A_51 = arith.muli %add3A, %mul3A_50 : i32
      %add3A_52 = arith.constant 1 : i32
      %add3A_53 = arith.addi %add3A_34, %add3A_52 : i32
      %mul3A_54 = arith.constant 40 : i32
      %mul3A_55 = arith.muli %add3A_53, %mul3A_54 : i32
      %add3A_56 = arith.addi %mul3A_51, %mul3A_55 : i32
      %add3A_57 = arith.constant 160000 : i32
      %add3A_58 = arith.addi %add3A_57, %add3A_56 : i32
      %dma_start3A_59 = tpu.memref_slice %arg4[%add3A_58] : memref<320000xi32, #tpu.memory_space<hbm>> -> memref<40xi32, #tpu.memory_space<hbm>>
      %dma_start3A_60 = tpu.memref_slice %arg4[%add3A_58] : memref<320000xi32, #tpu.memory_space<hbm>> -> memref<40xi32, #tpu.memory_space<hbm>>
      tpu.enqueue_dma source(%dma_start3A_60 : memref<40xi32, #tpu.memory_space<hbm>>) target(%arg12 : memref<40xi32, #tpu.memory_space<vmem>>) target_semaphore(%arg25 : memref<!tpu.dma_semaphore, #tpu.memory_space<semaphore_mem>>)
      %add3A_61 = arith.constant 160000 : i32
      %add3A_62 = arith.addi %add3A_61, %add3A_56 : i32
      %dma_start3A_63 = tpu.memref_slice %arg5[%add3A_62] : memref<320000xi32, #tpu.memory_space<hbm>> -> memref<40xi32, #tpu.memory_space<hbm>>
      %dma_start3A_64 = tpu.memref_slice %arg5[%add3A_62] : memref<320000xi32, #tpu.memory_space<hbm>> -> memref<40xi32, #tpu.memory_space<hbm>>
      tpu.enqueue_dma source(%dma_start3A_64 : memref<40xi32, #tpu.memory_space<hbm>>) target(%arg13 : memref<40xi32, #tpu.memory_space<vmem>>) target_semaphore(%arg25 : memref<!tpu.dma_semaphore, #tpu.memory_space<semaphore_mem>>)
      %mul3A_65 = arith.constant 5000 : i32
      %mul3A_66 = arith.muli %add3A, %mul3A_65 : i32
      %add3A_67 = arith.constant 2 : i32
      %add3A_68 = arith.addi %add3A_34, %add3A_67 : i32
      %mul3A_69 = arith.constant 40 : i32
      %mul3A_70 = arith.muli %add3A_68, %mul3A_69 : i32
      %add3A_71 = arith.addi %mul3A_66, %mul3A_70 : i32
      %add3A_72 = arith.constant 160000 : i32
      %add3A_73 = arith.addi %add3A_72, %add3A_71 : i32
      %dma_start3A_74 = tpu.memref_slice %arg4[%add3A_73] : memref<320000xi32, #tpu.memory_space<hbm>> -> memref<40xi32, #tpu.memory_space<hbm>>
      %dma_start3A_75 = tpu.memref_slice %arg4[%add3A_73] : memref<320000xi32, #tpu.memory_space<hbm>> -> memref<40xi32, #tpu.memory_space<hbm>>
      tpu.enqueue_dma source(%dma_start3A_75 : memref<40xi32, #tpu.memory_space<hbm>>) target(%arg16 : memref<40xi32, #tpu.memory_space<vmem>>) target_semaphore(%arg26 : memref<!tpu.dma_semaphore, #tpu.memory_space<semaphore_mem>>)
      %add3A_76 = arith.constant 160000 : i32
      %add3A_77 = arith.addi %add3A_76, %add3A_71 : i32
      %dma_start3A_78 = tpu.memref_slice %arg5[%add3A_77] : memref<320000xi32, #tpu.memory_space<hbm>> -> memref<40xi32, #tpu.memory_space<hbm>>
      %dma_start3A_79 = tpu.memref_slice %arg5[%add3A_77] : memref<320000xi32, #tpu.memory_space<hbm>> -> memref<40xi32, #tpu.memory_space<hbm>>
      tpu.enqueue_dma source(%dma_start3A_79 : memref<40xi32, #tpu.memory_space<hbm>>) target(%arg17 : memref<40xi32, #tpu.memory_space<vmem>>) target_semaphore(%arg26 : memref<!tpu.dma_semaphore, #tpu.memory_space<semaphore_mem>>)
      %mul3A_80 = arith.constant 5000 : i32
      %mul3A_81 = arith.muli %add3A, %mul3A_80 : i32
      %add3A_82 = arith.constant 3 : i32
      %add3A_83 = arith.addi %add3A_34, %add3A_82 : i32
      %mul3A_84 = arith.constant 40 : i32
      %mul3A_85 = arith.muli %add3A_83, %mul3A_84 : i32
      %add3A_86 = arith.addi %mul3A_81, %mul3A_85 : i32
      %add3A_87 = arith.constant 160000 : i32
      %add3A_88 = arith.addi %add3A_87, %add3A_86 : i32
      %dma_start3A_89 = tpu.memref_slice %arg4[%add3A_88] : memref<320000xi32, #tpu.memory_space<hbm>> -> memref<40xi32, #tpu.memory_space<hbm>>
      %dma_start3A_90 = tpu.memref_slice %arg4[%add3A_88] : memref<320000xi32, #tpu.memory_space<hbm>> -> memref<40xi32, #tpu.memory_space<hbm>>
      tpu.enqueue_dma source(%dma_start3A_90 : memref<40xi32, #tpu.memory_space<hbm>>) target(%arg20 : memref<40xi32, #tpu.memory_space<vmem>>) target_semaphore(%arg27 : memref<!tpu.dma_semaphore, #tpu.memory_space<semaphore_mem>>)
      %add3A_91 = arith.constant 160000 : i32
      %add3A_92 = arith.addi %add3A_91, %add3A_86 : i32
      %dma_start3A_93 = tpu.memref_slice %arg5[%add3A_92] : memref<320000xi32, #tpu.memory_space<hbm>> -> memref<40xi32, #tpu.memory_space<hbm>>
      %dma_start3A_94 = tpu.memref_slice %arg5[%add3A_92] : memref<320000xi32, #tpu.memory_space<hbm>> -> memref<40xi32, #tpu.memory_space<hbm>>
      tpu.enqueue_dma source(%dma_start3A_94 : memref<40xi32, #tpu.memory_space<hbm>>) target(%arg21 : memref<40xi32, #tpu.memory_space<vmem>>) target_semaphore(%arg27 : memref<!tpu.dma_semaphore, #tpu.memory_space<semaphore_mem>>)
      %dma_wait3A_95 = tpu.memref_slice %arg4[%add3A_43] : memref<320000xi32, #tpu.memory_space<hbm>> -> memref<40xi32, #tpu.memory_space<hbm>>
      %dma_wait3A_96 = tpu.memref_slice %arg4[%add3A_43] : memref<320000xi32, #tpu.memory_space<hbm>> -> memref<40xi32, #tpu.memory_space<hbm>>
      tpu.wait_dma2 semaphore(%arg24 : memref<!tpu.dma_semaphore, #tpu.memory_space<semaphore_mem>>) src(%dma_wait3A_96 : memref<40xi32, #tpu.memory_space<hbm>>) dst(%arg8 : memref<40xi32, #tpu.memory_space<vmem>>)
      %dma_wait3A_97 = tpu.memref_slice %arg5[%add3A_47] : memref<320000xi32, #tpu.memory_space<hbm>> -> memref<40xi32, #tpu.memory_space<hbm>>
      %dma_wait3A_98 = tpu.memref_slice %arg5[%add3A_47] : memref<320000xi32, #tpu.memory_space<hbm>> -> memref<40xi32, #tpu.memory_space<hbm>>
      tpu.wait_dma2 semaphore(%arg24 : memref<!tpu.dma_semaphore, #tpu.memory_space<semaphore_mem>>) src(%dma_wait3A_98 : memref<40xi32, #tpu.memory_space<hbm>>) dst(%arg9 : memref<40xi32, #tpu.memory_space<vmem>>)
      %dma_start3A_99 = arith.constant 0 : i32
      %dma_start3A_100 = arith.constant 0 : i32
      %dma_start3A_101 = tpu.memref_slice %arg2[%dma_start3A_99, %dma_start3A_100] : memref<10000x128xf32, #tpu.memory_space<hbm>> -> memref<10000x128xf32, #tpu.memory_space<hbm>>
      tpu.enqueue_indirect_dma source(%dma_start3A_101 : memref<10000x128xf32, #tpu.memory_space<hbm>>) target(%arg10 : memref<40x128xf32, #tpu.memory_space<vmem>>) offsets(%arg8 : memref<40xi32, #tpu.memory_space<vmem>>) semaphore(%arg28 : memref<!tpu.dma_semaphore, #tpu.memory_space<semaphore_mem>>)
      %dma_start3A_102 = arith.constant 0 : i32
      %dma_start3A_103 = arith.constant 0 : i32
      %dma_start3A_104 = tpu.memref_slice %arg3[%dma_start3A_102, %dma_start3A_103] : memref<10000x128xf32, #tpu.memory_space<hbm>> -> memref<10000x128xf32, #tpu.memory_space<hbm>>
      tpu.enqueue_indirect_dma source(%dma_start3A_104 : memref<10000x128xf32, #tpu.memory_space<hbm>>) target(%arg11 : memref<40x128xf32, #tpu.memory_space<vmem>>) offsets(%arg9 : memref<40xi32, #tpu.memory_space<vmem>>) semaphore(%arg28 : memref<!tpu.dma_semaphore, #tpu.memory_space<semaphore_mem>>)
      %dma_wait3A_105 = tpu.memref_slice %arg4[%add3A_58] : memref<320000xi32, #tpu.memory_space<hbm>> -> memref<40xi32, #tpu.memory_space<hbm>>
      %dma_wait3A_106 = tpu.memref_slice %arg4[%add3A_58] : memref<320000xi32, #tpu.memory_space<hbm>> -> memref<40xi32, #tpu.memory_space<hbm>>
      tpu.wait_dma2 semaphore(%arg25 : memref<!tpu.dma_semaphore, #tpu.memory_space<semaphore_mem>>) src(%dma_wait3A_106 : memref<40xi32, #tpu.memory_space<hbm>>) dst(%arg12 : memref<40xi32, #tpu.memory_space<vmem>>)
      %dma_wait3A_107 = tpu.memref_slice %arg5[%add3A_62] : memref<320000xi32, #tpu.memory_space<hbm>> -> memref<40xi32, #tpu.memory_space<hbm>>
      %dma_wait3A_108 = tpu.memref_slice %arg5[%add3A_62] : memref<320000xi32, #tpu.memory_space<hbm>> -> memref<40xi32, #tpu.memory_space<hbm>>
      tpu.wait_dma2 semaphore(%arg25 : memref<!tpu.dma_semaphore, #tpu.memory_space<semaphore_mem>>) src(%dma_wait3A_108 : memref<40xi32, #tpu.memory_space<hbm>>) dst(%arg13 : memref<40xi32, #tpu.memory_space<vmem>>)
      %dma_start3A_109 = arith.constant 0 : i32
      %dma_start3A_110 = arith.constant 0 : i32
      %dma_start3A_111 = tpu.memref_slice %arg2[%dma_start3A_109, %dma_start3A_110] : memref<10000x128xf32, #tpu.memory_space<hbm>> -> memref<10000x128xf32, #tpu.memory_space<hbm>>
      tpu.enqueue_indirect_dma source(%dma_start3A_111 : memref<10000x128xf32, #tpu.memory_space<hbm>>) target(%arg14 : memref<40x128xf32, #tpu.memory_space<vmem>>) offsets(%arg12 : memref<40xi32, #tpu.memory_space<vmem>>) semaphore(%arg29 : memref<!tpu.dma_semaphore, #tpu.memory_space<semaphore_mem>>)
      %dma_start3A_112 = arith.constant 0 : i32
      %dma_start3A_113 = arith.constant 0 : i32
      %dma_start3A_114 = tpu.memref_slice %arg3[%dma_start3A_112, %dma_start3A_113] : memref<10000x128xf32, #tpu.memory_space<hbm>> -> memref<10000x128xf32, #tpu.memory_space<hbm>>
      tpu.enqueue_indirect_dma source(%dma_start3A_114 : memref<10000x128xf32, #tpu.memory_space<hbm>>) target(%arg15 : memref<40x128xf32, #tpu.memory_space<vmem>>) offsets(%arg13 : memref<40xi32, #tpu.memory_space<vmem>>) semaphore(%arg29 : memref<!tpu.dma_semaphore, #tpu.memory_space<semaphore_mem>>)
      %dma_wait3A_115 = tpu.memref_slice %arg4[%add3A_73] : memref<320000xi32, #tpu.memory_space<hbm>> -> memref<40xi32, #tpu.memory_space<hbm>>
      %dma_wait3A_116 = tpu.memref_slice %arg4[%add3A_73] : memref<320000xi32, #tpu.memory_space<hbm>> -> memref<40xi32, #tpu.memory_space<hbm>>
      tpu.wait_dma2 semaphore(%arg26 : memref<!tpu.dma_semaphore, #tpu.memory_space<semaphore_mem>>) src(%dma_wait3A_116 : memref<40xi32, #tpu.memory_space<hbm>>) dst(%arg16 : memref<40xi32, #tpu.memory_space<vmem>>)
      %dma_wait3A_117 = tpu.memref_slice %arg5[%add3A_77] : memref<320000xi32, #tpu.memory_space<hbm>> -> memref<40xi32, #tpu.memory_space<hbm>>
      %dma_wait3A_118 = tpu.memref_slice %arg5[%add3A_77] : memref<320000xi32, #tpu.memory_space<hbm>> -> memref<40xi32, #tpu.memory_space<hbm>>
      tpu.wait_dma2 semaphore(%arg26 : memref<!tpu.dma_semaphore, #tpu.memory_space<semaphore_mem>>) src(%dma_wait3A_118 : memref<40xi32, #tpu.memory_space<hbm>>) dst(%arg17 : memref<40xi32, #tpu.memory_space<vmem>>)
      %dma_start3A_119 = arith.constant 0 : i32
      %dma_start3A_120 = arith.constant 0 : i32
      %dma_start3A_121 = tpu.memref_slice %arg2[%dma_start3A_119, %dma_start3A_120] : memref<10000x128xf32, #tpu.memory_space<hbm>> -> memref<10000x128xf32, #tpu.memory_space<hbm>>
      tpu.enqueue_indirect_dma source(%dma_start3A_121 : memref<10000x128xf32, #tpu.memory_space<hbm>>) target(%arg18 : memref<40x128xf32, #tpu.memory_space<vmem>>) offsets(%arg16 : memref<40xi32, #tpu.memory_space<vmem>>) semaphore(%arg30 : memref<!tpu.dma_semaphore, #tpu.memory_space<semaphore_mem>>)
      %dma_start3A_122 = arith.constant 0 : i32
      %dma_start3A_123 = arith.constant 0 : i32
      %dma_start3A_124 = tpu.memref_slice %arg3[%dma_start3A_122, %dma_start3A_123] : memref<10000x128xf32, #tpu.memory_space<hbm>> -> memref<10000x128xf32, #tpu.memory_space<hbm>>
      tpu.enqueue_indirect_dma source(%dma_start3A_124 : memref<10000x128xf32, #tpu.memory_space<hbm>>) target(%arg19 : memref<40x128xf32, #tpu.memory_space<vmem>>) offsets(%arg17 : memref<40xi32, #tpu.memory_space<vmem>>) semaphore(%arg30 : memref<!tpu.dma_semaphore, #tpu.memory_space<semaphore_mem>>)
      %dma_wait3A_125 = tpu.memref_slice %arg4[%add3A_88] : memref<320000xi32, #tpu.memory_space<hbm>> -> memref<40xi32, #tpu.memory_space<hbm>>
      %dma_wait3A_126 = tpu.memref_slice %arg4[%add3A_88] : memref<320000xi32, #tpu.memory_space<hbm>> -> memref<40xi32, #tpu.memory_space<hbm>>
      tpu.wait_dma2 semaphore(%arg27 : memref<!tpu.dma_semaphore, #tpu.memory_space<semaphore_mem>>) src(%dma_wait3A_126 : memref<40xi32, #tpu.memory_space<hbm>>) dst(%arg20 : memref<40xi32, #tpu.memory_space<vmem>>)
      %dma_wait3A_127 = tpu.memref_slice %arg5[%add3A_92] : memref<320000xi32, #tpu.memory_space<hbm>> -> memref<40xi32, #tpu.memory_space<hbm>>
      %dma_wait3A_128 = tpu.memref_slice %arg5[%add3A_92] : memref<320000xi32, #tpu.memory_space<hbm>> -> memref<40xi32, #tpu.memory_space<hbm>>
      tpu.wait_dma2 semaphore(%arg27 : memref<!tpu.dma_semaphore, #tpu.memory_space<semaphore_mem>>) src(%dma_wait3A_128 : memref<40xi32, #tpu.memory_space<hbm>>) dst(%arg21 : memref<40xi32, #tpu.memory_space<vmem>>)
      %dma_start3A_129 = arith.constant 0 : i32
      %dma_start3A_130 = arith.constant 0 : i32
      %dma_start3A_131 = tpu.memref_slice %arg2[%dma_start3A_129, %dma_start3A_130] : memref<10000x128xf32, #tpu.memory_space<hbm>> -> memref<10000x128xf32, #tpu.memory_space<hbm>>
      tpu.enqueue_indirect_dma source(%dma_start3A_131 : memref<10000x128xf32, #tpu.memory_space<hbm>>) target(%arg22 : memref<40x128xf32, #tpu.memory_space<vmem>>) offsets(%arg20 : memref<40xi32, #tpu.memory_space<vmem>>) semaphore(%arg31 : memref<!tpu.dma_semaphore, #tpu.memory_space<semaphore_mem>>)
      %dma_start3A_132 = arith.constant 0 : i32
      %dma_start3A_133 = arith.constant 0 : i32
      %dma_start3A_134 = tpu.memref_slice %arg3[%dma_start3A_132, %dma_start3A_133] : memref<10000x128xf32, #tpu.memory_space<hbm>> -> memref<10000x128xf32, #tpu.memory_space<hbm>>
      tpu.enqueue_indirect_dma source(%dma_start3A_134 : memref<10000x128xf32, #tpu.memory_space<hbm>>) target(%arg23 : memref<40x128xf32, #tpu.memory_space<vmem>>) offsets(%arg21 : memref<40xi32, #tpu.memory_space<vmem>>) semaphore(%arg31 : memref<!tpu.dma_semaphore, #tpu.memory_space<semaphore_mem>>)
      %mul3A_135 = arith.constant 5000 : i32
      %mul3A_136 = arith.muli %add3A, %mul3A_135 : i32
      %add3A_137 = arith.constant 0 : i32
      %add3A_138 = arith.addi %add3A_34, %add3A_137 : i32
      %mul3A_139 = arith.constant 40 : i32
      %mul3A_140 = arith.muli %add3A_138, %mul3A_139 : i32
      %add3A_141 = arith.addi %mul3A_136, %mul3A_140 : i32
      %dma_wait3A_142 = arith.constant 0 : i32
      %dma_wait3A_143 = arith.constant 0 : i32
      %dma_wait3A_144 = tpu.memref_slice %arg2[%dma_wait3A_142, %dma_wait3A_143] : memref<10000x128xf32, #tpu.memory_space<hbm>> -> memref<10000x128xf32, #tpu.memory_space<hbm>>
      tpu.wait_indirect_dma semaphore(%arg28 : memref<!tpu.dma_semaphore, #tpu.memory_space<semaphore_mem>>) src(%dma_wait3A_144 : memref<10000x128xf32, #tpu.memory_space<hbm>>) dst(%arg10 : memref<40x128xf32, #tpu.memory_space<vmem>>)
      %dma_wait3A_145 = arith.constant 0 : i32
      %dma_wait3A_146 = arith.constant 0 : i32
      %dma_wait3A_147 = tpu.memref_slice %arg3[%dma_wait3A_145, %dma_wait3A_146] : memref<10000x128xf32, #tpu.memory_space<hbm>> -> memref<10000x128xf32, #tpu.memory_space<hbm>>
      tpu.wait_indirect_dma semaphore(%arg28 : memref<!tpu.dma_semaphore, #tpu.memory_space<semaphore_mem>>) src(%dma_wait3A_147 : memref<10000x128xf32, #tpu.memory_space<hbm>>) dst(%arg11 : memref<40x128xf32, #tpu.memory_space<vmem>>)
      %dma_start3A_148 = arith.constant 0 : i32
      %dma_start3A_149 = tpu.memref_slice %arg6[%add3A_141, %dma_start3A_148] : memref<160000x128xf32, #tpu.memory_space<hbm>> -> memref<40x128xf32, #tpu.memory_space<hbm>>
      %dma_start3A_150 = arith.constant 0 : i32
      %dma_start3A_151 = tpu.memref_slice %arg6[%add3A_141, %dma_start3A_150] : memref<160000x128xf32, #tpu.memory_space<hbm>> -> memref<40x128xf32, #tpu.memory_space<hbm>>
      tpu.enqueue_dma source(%arg10 : memref<40x128xf32, #tpu.memory_space<vmem>>) target(%dma_start3A_151 : memref<40x128xf32, #tpu.memory_space<hbm>>) target_semaphore(%arg32 : memref<!tpu.dma_semaphore, #tpu.memory_space<semaphore_mem>>)
      %dma_start3A_152 = arith.constant 0 : i32
      %dma_start3A_153 = tpu.memref_slice %arg7[%add3A_141, %dma_start3A_152] : memref<160000x128xf32, #tpu.memory_space<hbm>> -> memref<40x128xf32, #tpu.memory_space<hbm>>
      %dma_start3A_154 = arith.constant 0 : i32
      %dma_start3A_155 = tpu.memref_slice %arg7[%add3A_141, %dma_start3A_154] : memref<160000x128xf32, #tpu.memory_space<hbm>> -> memref<40x128xf32, #tpu.memory_space<hbm>>
      tpu.enqueue_dma source(%arg11 : memref<40x128xf32, #tpu.memory_space<vmem>>) target(%dma_start3A_155 : memref<40x128xf32, #tpu.memory_space<hbm>>) target_semaphore(%arg32 : memref<!tpu.dma_semaphore, #tpu.memory_space<semaphore_mem>>)
      %mul3A_156 = arith.constant 5000 : i32
      %mul3A_157 = arith.muli %add3A, %mul3A_156 : i32
      %add3A_158 = arith.constant 1 : i32
      %add3A_159 = arith.addi %add3A_34, %add3A_158 : i32
      %mul3A_160 = arith.constant 40 : i32
      %mul3A_161 = arith.muli %add3A_159, %mul3A_160 : i32
      %add3A_162 = arith.addi %mul3A_157, %mul3A_161 : i32
      %dma_wait3A_163 = arith.constant 0 : i32
      %dma_wait3A_164 = arith.constant 0 : i32
      %dma_wait3A_165 = tpu.memref_slice %arg2[%dma_wait3A_163, %dma_wait3A_164] : memref<10000x128xf32, #tpu.memory_space<hbm>> -> memref<10000x128xf32, #tpu.memory_space<hbm>>
      tpu.wait_indirect_dma semaphore(%arg29 : memref<!tpu.dma_semaphore, #tpu.memory_space<semaphore_mem>>) src(%dma_wait3A_165 : memref<10000x128xf32, #tpu.memory_space<hbm>>) dst(%arg14 : memref<40x128xf32, #tpu.memory_space<vmem>>)
      %dma_wait3A_166 = arith.constant 0 : i32
      %dma_wait3A_167 = arith.constant 0 : i32
      %dma_wait3A_168 = tpu.memref_slice %arg3[%dma_wait3A_166, %dma_wait3A_167] : memref<10000x128xf32, #tpu.memory_space<hbm>> -> memref<10000x128xf32, #tpu.memory_space<hbm>>
      tpu.wait_indirect_dma semaphore(%arg29 : memref<!tpu.dma_semaphore, #tpu.memory_space<semaphore_mem>>) src(%dma_wait3A_168 : memref<10000x128xf32, #tpu.memory_space<hbm>>) dst(%arg15 : memref<40x128xf32, #tpu.memory_space<vmem>>)
      %dma_start3A_169 = arith.constant 0 : i32
      %dma_start3A_170 = tpu.memref_slice %arg6[%add3A_162, %dma_start3A_169] : memref<160000x128xf32, #tpu.memory_space<hbm>> -> memref<40x128xf32, #tpu.memory_space<hbm>>
      %dma_start3A_171 = arith.constant 0 : i32
      %dma_start3A_172 = tpu.memref_slice %arg6[%add3A_162, %dma_start3A_171] : memref<160000x128xf32, #tpu.memory_space<hbm>> -> memref<40x128xf32, #tpu.memory_space<hbm>>
      tpu.enqueue_dma source(%arg14 : memref<40x128xf32, #tpu.memory_space<vmem>>) target(%dma_start3A_172 : memref<40x128xf32, #tpu.memory_space<hbm>>) target_semaphore(%arg33 : memref<!tpu.dma_semaphore, #tpu.memory_space<semaphore_mem>>)
      %dma_start3A_173 = arith.constant 0 : i32
      %dma_start3A_174 = tpu.memref_slice %arg7[%add3A_162, %dma_start3A_173] : memref<160000x128xf32, #tpu.memory_space<hbm>> -> memref<40x128xf32, #tpu.memory_space<hbm>>
      %dma_start3A_175 = arith.constant 0 : i32
      %dma_start3A_176 = tpu.memref_slice %arg7[%add3A_162, %dma_start3A_175] : memref<160000x128xf32, #tpu.memory_space<hbm>> -> memref<40x128xf32, #tpu.memory_space<hbm>>
      tpu.enqueue_dma source(%arg15 : memref<40x128xf32, #tpu.memory_space<vmem>>) target(%dma_start3A_176 : memref<40x128xf32, #tpu.memory_space<hbm>>) target_semaphore(%arg33 : memref<!tpu.dma_semaphore, #tpu.memory_space<semaphore_mem>>)
      %mul3A_177 = arith.constant 5000 : i32
      %mul3A_178 = arith.muli %add3A, %mul3A_177 : i32
      %add3A_179 = arith.constant 2 : i32
      %add3A_180 = arith.addi %add3A_34, %add3A_179 : i32
      %mul3A_181 = arith.constant 40 : i32
      %mul3A_182 = arith.muli %add3A_180, %mul3A_181 : i32
      %add3A_183 = arith.addi %mul3A_178, %mul3A_182 : i32
      %dma_wait3A_184 = arith.constant 0 : i32
      %dma_wait3A_185 = arith.constant 0 : i32
      %dma_wait3A_186 = tpu.memref_slice %arg2[%dma_wait3A_184, %dma_wait3A_185] : memref<10000x128xf32, #tpu.memory_space<hbm>> -> memref<10000x128xf32, #tpu.memory_space<hbm>>
      tpu.wait_indirect_dma semaphore(%arg30 : memref<!tpu.dma_semaphore, #tpu.memory_space<semaphore_mem>>) src(%dma_wait3A_186 : memref<10000x128xf32, #tpu.memory_space<hbm>>) dst(%arg18 : memref<40x128xf32, #tpu.memory_space<vmem>>)
      %dma_wait3A_187 = arith.constant 0 : i32
      %dma_wait3A_188 = arith.constant 0 : i32
      %dma_wait3A_189 = tpu.memref_slice %arg3[%dma_wait3A_187, %dma_wait3A_188] : memref<10000x128xf32, #tpu.memory_space<hbm>> -> memref<10000x128xf32, #tpu.memory_space<hbm>>
      tpu.wait_indirect_dma semaphore(%arg30 : memref<!tpu.dma_semaphore, #tpu.memory_space<semaphore_mem>>) src(%dma_wait3A_189 : memref<10000x128xf32, #tpu.memory_space<hbm>>) dst(%arg19 : memref<40x128xf32, #tpu.memory_space<vmem>>)
      %dma_start3A_190 = arith.constant 0 : i32
      %dma_start3A_191 = tpu.memref_slice %arg6[%add3A_183, %dma_start3A_190] : memref<160000x128xf32, #tpu.memory_space<hbm>> -> memref<40x128xf32, #tpu.memory_space<hbm>>
      %dma_start3A_192 = arith.constant 0 : i32
      %dma_start3A_193 = tpu.memref_slice %arg6[%add3A_183, %dma_start3A_192] : memref<160000x128xf32, #tpu.memory_space<hbm>> -> memref<40x128xf32, #tpu.memory_space<hbm>>
      tpu.enqueue_dma source(%arg18 : memref<40x128xf32, #tpu.memory_space<vmem>>) target(%dma_start3A_193 : memref<40x128xf32, #tpu.memory_space<hbm>>) target_semaphore(%arg34 : memref<!tpu.dma_semaphore, #tpu.memory_space<semaphore_mem>>)
      %dma_start3A_194 = arith.constant 0 : i32
      %dma_start3A_195 = tpu.memref_slice %arg7[%add3A_183, %dma_start3A_194] : memref<160000x128xf32, #tpu.memory_space<hbm>> -> memref<40x128xf32, #tpu.memory_space<hbm>>
      %dma_start3A_196 = arith.constant 0 : i32
      %dma_start3A_197 = tpu.memref_slice %arg7[%add3A_183, %dma_start3A_196] : memref<160000x128xf32, #tpu.memory_space<hbm>> -> memref<40x128xf32, #tpu.memory_space<hbm>>
      tpu.enqueue_dma source(%arg19 : memref<40x128xf32, #tpu.memory_space<vmem>>) target(%dma_start3A_197 : memref<40x128xf32, #tpu.memory_space<hbm>>) target_semaphore(%arg34 : memref<!tpu.dma_semaphore, #tpu.memory_space<semaphore_mem>>)
      %mul3A_198 = arith.constant 5000 : i32
      %mul3A_199 = arith.muli %add3A, %mul3A_198 : i32
      %add3A_200 = arith.constant 3 : i32
      %add3A_201 = arith.addi %add3A_34, %add3A_200 : i32
      %mul3A_202 = arith.constant 40 : i32
      %mul3A_203 = arith.muli %add3A_201, %mul3A_202 : i32
      %add3A_204 = arith.addi %mul3A_199, %mul3A_203 : i32
      %dma_wait3A_205 = arith.constant 0 : i32
      %dma_wait3A_206 = arith.constant 0 : i32
      %dma_wait3A_207 = tpu.memref_slice %arg2[%dma_wait3A_205, %dma_wait3A_206] : memref<10000x128xf32, #tpu.memory_space<hbm>> -> memref<10000x128xf32, #tpu.memory_space<hbm>>
      tpu.wait_indirect_dma semaphore(%arg31 : memref<!tpu.dma_semaphore, #tpu.memory_space<semaphore_mem>>) src(%dma_wait3A_207 : memref<10000x128xf32, #tpu.memory_space<hbm>>) dst(%arg22 : memref<40x128xf32, #tpu.memory_space<vmem>>)
      %dma_wait3A_208 = arith.constant 0 : i32
      %dma_wait3A_209 = arith.constant 0 : i32
      %dma_wait3A_210 = tpu.memref_slice %arg3[%dma_wait3A_208, %dma_wait3A_209] : memref<10000x128xf32, #tpu.memory_space<hbm>> -> memref<10000x128xf32, #tpu.memory_space<hbm>>
      tpu.wait_indirect_dma semaphore(%arg31 : memref<!tpu.dma_semaphore, #tpu.memory_space<semaphore_mem>>) src(%dma_wait3A_210 : memref<10000x128xf32, #tpu.memory_space<hbm>>) dst(%arg23 : memref<40x128xf32, #tpu.memory_space<vmem>>)
      %dma_start3A_211 = arith.constant 0 : i32
      %dma_start3A_212 = tpu.memref_slice %arg6[%add3A_204, %dma_start3A_211] : memref<160000x128xf32, #tpu.memory_space<hbm>> -> memref<40x128xf32, #tpu.memory_space<hbm>>
      %dma_start3A_213 = arith.constant 0 : i32
      %dma_start3A_214 = tpu.memref_slice %arg6[%add3A_204, %dma_start3A_213] : memref<160000x128xf32, #tpu.memory_space<hbm>> -> memref<40x128xf32, #tpu.memory_space<hbm>>
      tpu.enqueue_dma source(%arg22 : memref<40x128xf32, #tpu.memory_space<vmem>>) target(%dma_start3A_214 : memref<40x128xf32, #tpu.memory_space<hbm>>) target_semaphore(%arg35 : memref<!tpu.dma_semaphore, #tpu.memory_space<semaphore_mem>>)
      %dma_start3A_215 = arith.constant 0 : i32
      %dma_start3A_216 = tpu.memref_slice %arg7[%add3A_204, %dma_start3A_215] : memref<160000x128xf32, #tpu.memory_space<hbm>> -> memref<40x128xf32, #tpu.memory_space<hbm>>
      %dma_start3A_217 = arith.constant 0 : i32
      %dma_start3A_218 = tpu.memref_slice %arg7[%add3A_204, %dma_start3A_217] : memref<160000x128xf32, #tpu.memory_space<hbm>> -> memref<40x128xf32, #tpu.memory_space<hbm>>
      tpu.enqueue_dma source(%arg23 : memref<40x128xf32, #tpu.memory_space<vmem>>) target(%dma_start3A_218 : memref<40x128xf32, #tpu.memory_space<hbm>>) target_semaphore(%arg35 : memref<!tpu.dma_semaphore, #tpu.memory_space<semaphore_mem>>)
      %dma_wait3A_219 = arith.constant 0 : i32
      %dma_wait3A_220 = tpu.memref_slice %arg6[%add3A_141, %dma_wait3A_219] : memref<160000x128xf32, #tpu.memory_space<hbm>> -> memref<40x128xf32, #tpu.memory_space<hbm>>
      %dma_wait3A_221 = arith.constant 0 : i32
      %dma_wait3A_222 = tpu.memref_slice %arg6[%add3A_141, %dma_wait3A_221] : memref<160000x128xf32, #tpu.memory_space<hbm>> -> memref<40x128xf32, #tpu.memory_space<hbm>>
      tpu.wait_dma2 semaphore(%arg32 : memref<!tpu.dma_semaphore, #tpu.memory_space<semaphore_mem>>) src(%arg10 : memref<40x128xf32, #tpu.memory_space<vmem>>) dst(%dma_wait3A_222 : memref<40x128xf32, #tpu.memory_space<hbm>>)
      %dma_wait3A_223 = arith.constant 0 : i32
      %dma_wait3A_224 = tpu.memref_slice %arg7[%add3A_141, %dma_wait3A_223] : memref<160000x128xf32, #tpu.memory_space<hbm>> -> memref<40x128xf32, #tpu.memory_space<hbm>>
      %dma_wait3A_225 = arith.constant 0 : i32
      %dma_wait3A_226 = tpu.memref_slice %arg7[%add3A_141, %dma_wait3A_225] : memref<160000x128xf32, #tpu.memory_space<hbm>> -> memref<40x128xf32, #tpu.memory_space<hbm>>
      tpu.wait_dma2 semaphore(%arg32 : memref<!tpu.dma_semaphore, #tpu.memory_space<semaphore_mem>>) src(%arg11 : memref<40x128xf32, #tpu.memory_space<vmem>>) dst(%dma_wait3A_226 : memref<40x128xf32, #tpu.memory_space<hbm>>)
      %dma_wait3A_227 = arith.constant 0 : i32
      %dma_wait3A_228 = tpu.memref_slice %arg6[%add3A_162, %dma_wait3A_227] : memref<160000x128xf32, #tpu.memory_space<hbm>> -> memref<40x128xf32, #tpu.memory_space<hbm>>
      %dma_wait3A_229 = arith.constant 0 : i32
      %dma_wait3A_230 = tpu.memref_slice %arg6[%add3A_162, %dma_wait3A_229] : memref<160000x128xf32, #tpu.memory_space<hbm>> -> memref<40x128xf32, #tpu.memory_space<hbm>>
      tpu.wait_dma2 semaphore(%arg33 : memref<!tpu.dma_semaphore, #tpu.memory_space<semaphore_mem>>) src(%arg14 : memref<40x128xf32, #tpu.memory_space<vmem>>) dst(%dma_wait3A_230 : memref<40x128xf32, #tpu.memory_space<hbm>>)
      %dma_wait3A_231 = arith.constant 0 : i32
      %dma_wait3A_232 = tpu.memref_slice %arg7[%add3A_162, %dma_wait3A_231] : memref<160000x128xf32, #tpu.memory_space<hbm>> -> memref<40x128xf32, #tpu.memory_space<hbm>>
      %dma_wait3A_233 = arith.constant 0 : i32
      %dma_wait3A_234 = tpu.memref_slice %arg7[%add3A_162, %dma_wait3A_233] : memref<160000x128xf32, #tpu.memory_space<hbm>> -> memref<40x128xf32, #tpu.memory_space<hbm>>
      tpu.wait_dma2 semaphore(%arg33 : memref<!tpu.dma_semaphore, #tpu.memory_space<semaphore_mem>>) src(%arg15 : memref<40x128xf32, #tpu.memory_space<vmem>>) dst(%dma_wait3A_234 : memref<40x128xf32, #tpu.memory_space<hbm>>)
      %dma_wait3A_235 = arith.constant 0 : i32
      %dma_wait3A_236 = tpu.memref_slice %arg6[%add3A_183, %dma_wait3A_235] : memref<160000x128xf32, #tpu.memory_space<hbm>> -> memref<40x128xf32, #tpu.memory_space<hbm>>
      %dma_wait3A_237 = arith.constant 0 : i32
      %dma_wait3A_238 = tpu.memref_slice %arg6[%add3A_183, %dma_wait3A_237] : memref<160000x128xf32, #tpu.memory_space<hbm>> -> memref<40x128xf32, #tpu.memory_space<hbm>>
      tpu.wait_dma2 semaphore(%arg34 : memref<!tpu.dma_semaphore, #tpu.memory_space<semaphore_mem>>) src(%arg18 : memref<40x128xf32, #tpu.memory_space<vmem>>) dst(%dma_wait3A_238 : memref<40x128xf32, #tpu.memory_space<hbm>>)
      %dma_wait3A_239 = arith.constant 0 : i32
      %dma_wait3A_240 = tpu.memref_slice %arg7[%add3A_183, %dma_wait3A_239] : memref<160000x128xf32, #tpu.memory_space<hbm>> -> memref<40x128xf32, #tpu.memory_space<hbm>>
      %dma_wait3A_241 = arith.constant 0 : i32
      %dma_wait3A_242 = tpu.memref_slice %arg7[%add3A_183, %dma_wait3A_241] : memref<160000x128xf32, #tpu.memory_space<hbm>> -> memref<40x128xf32, #tpu.memory_space<hbm>>
      tpu.wait_dma2 semaphore(%arg34 : memref<!tpu.dma_semaphore, #tpu.memory_space<semaphore_mem>>) src(%arg19 : memref<40x128xf32, #tpu.memory_space<vmem>>) dst(%dma_wait3A_242 : memref<40x128xf32, #tpu.memory_space<hbm>>)
      %dma_wait3A_243 = arith.constant 0 : i32
      %dma_wait3A_244 = tpu.memref_slice %arg6[%add3A_204, %dma_wait3A_243] : memref<160000x128xf32, #tpu.memory_space<hbm>> -> memref<40x128xf32, #tpu.memory_space<hbm>>
      %dma_wait3A_245 = arith.constant 0 : i32
      %dma_wait3A_246 = tpu.memref_slice %arg6[%add3A_204, %dma_wait3A_245] : memref<160000x128xf32, #tpu.memory_space<hbm>> -> memref<40x128xf32, #tpu.memory_space<hbm>>
      tpu.wait_dma2 semaphore(%arg35 : memref<!tpu.dma_semaphore, #tpu.memory_space<semaphore_mem>>) src(%arg22 : memref<40x128xf32, #tpu.memory_space<vmem>>) dst(%dma_wait3A_246 : memref<40x128xf32, #tpu.memory_space<hbm>>)
      %dma_wait3A_247 = arith.constant 0 : i32
      %dma_wait3A_248 = tpu.memref_slice %arg7[%add3A_204, %dma_wait3A_247] : memref<160000x128xf32, #tpu.memory_space<hbm>> -> memref<40x128xf32, #tpu.memory_space<hbm>>
      %dma_wait3A_249 = arith.constant 0 : i32
      %dma_wait3A_250 = tpu.memref_slice %arg7[%add3A_204, %dma_wait3A_249] : memref<160000x128xf32, #tpu.memory_space<hbm>> -> memref<40x128xf32, #tpu.memory_space<hbm>>
      tpu.wait_dma2 semaphore(%arg35 : memref<!tpu.dma_semaphore, #tpu.memory_space<semaphore_mem>>) src(%arg23 : memref<40x128xf32, #tpu.memory_space<vmem>>) dst(%dma_wait3A_250 : memref<40x128xf32, #tpu.memory_space<hbm>>)
    }
    %scan3A_4 = arith.constant 31 : i32
    %scan3A_5 = arith.constant 0 : i32
    %mul3A_6 = arith.constant 1 : i32
    %mul3A_7 = arith.muli %scan3A_5, %mul3A_6 : i32
    %add3A_8 = arith.constant 124 : i32
    %add3A_9 = arith.addi %add3A_8, %mul3A_7 : i32
    %mul3A_10 = arith.constant 5000 : i32
    %mul3A_11 = arith.muli %add3A, %mul3A_10 : i32
    %mul3A_12 = arith.constant 40 : i32
    %mul3A_13 = arith.muli %add3A_9, %mul3A_12 : i32
    %add3A_14 = arith.addi %mul3A_11, %mul3A_13 : i32
    %add3A_15 = arith.constant 160000 : i32
    %add3A_16 = arith.addi %add3A_15, %add3A_14 : i32
    "tpu.region"() ({
      %run_scoped3A = tpu.sem_alloc : memref<!tpu.dma_semaphore, #tpu.memory_space<semaphore_mem>>
      %dma_start3A_30 = tpu.memref_slice %arg4[%add3A_16] : memref<320000xi32, #tpu.memory_space<hbm>> -> memref<40xi32, #tpu.memory_space<hbm>>
      %dma_start3A_31 = tpu.memref_slice %arg4[%add3A_16] : memref<320000xi32, #tpu.memory_space<hbm>> -> memref<40xi32, #tpu.memory_space<hbm>>
      tpu.enqueue_dma source(%dma_start3A_31 : memref<40xi32, #tpu.memory_space<hbm>>) target(%arg8 : memref<40xi32, #tpu.memory_space<vmem>>) target_semaphore(%run_scoped3A : memref<!tpu.dma_semaphore, #tpu.memory_space<semaphore_mem>>)
      %dma_wait3A_32 = tpu.memref_slice %arg4[%add3A_16] : memref<320000xi32, #tpu.memory_space<hbm>> -> memref<40xi32, #tpu.memory_space<hbm>>
      %dma_wait3A_33 = tpu.memref_slice %arg4[%add3A_16] : memref<320000xi32, #tpu.memory_space<hbm>> -> memref<40xi32, #tpu.memory_space<hbm>>
      tpu.wait_dma2 semaphore(%run_scoped3A : memref<!tpu.dma_semaphore, #tpu.memory_space<semaphore_mem>>) src(%dma_wait3A_33 : memref<40xi32, #tpu.memory_space<hbm>>) dst(%arg8 : memref<40xi32, #tpu.memory_space<vmem>>)
      tpu.yield
    }) : () -> ()
    %add3A_17 = arith.constant 160000 : i32
    %add3A_18 = arith.addi %add3A_17, %add3A_14 : i32
    "tpu.region"() ({
      %run_scoped3A = tpu.sem_alloc : memref<!tpu.dma_semaphore, #tpu.memory_space<semaphore_mem>>
      %dma_start3A_30 = tpu.memref_slice %arg5[%add3A_18] : memref<320000xi32, #tpu.memory_space<hbm>> -> memref<40xi32, #tpu.memory_space<hbm>>
      %dma_start3A_31 = tpu.memref_slice %arg5[%add3A_18] : memref<320000xi32, #tpu.memory_space<hbm>> -> memref<40xi32, #tpu.memory_space<hbm>>
      tpu.enqueue_dma source(%dma_start3A_31 : memref<40xi32, #tpu.memory_space<hbm>>) target(%arg9 : memref<40xi32, #tpu.memory_space<vmem>>) target_semaphore(%run_scoped3A : memref<!tpu.dma_semaphore, #tpu.memory_space<semaphore_mem>>)
      %dma_wait3A_32 = tpu.memref_slice %arg5[%add3A_18] : memref<320000xi32, #tpu.memory_space<hbm>> -> memref<40xi32, #tpu.memory_space<hbm>>
      %dma_wait3A_33 = tpu.memref_slice %arg5[%add3A_18] : memref<320000xi32, #tpu.memory_space<hbm>> -> memref<40xi32, #tpu.memory_space<hbm>>
      tpu.wait_dma2 semaphore(%run_scoped3A : memref<!tpu.dma_semaphore, #tpu.memory_space<semaphore_mem>>) src(%dma_wait3A_33 : memref<40xi32, #tpu.memory_space<hbm>>) dst(%arg9 : memref<40xi32, #tpu.memory_space<vmem>>)
      tpu.yield
    }) : () -> ()
    %dma_start3A = arith.constant 0 : i32
    %dma_start3A_19 = arith.constant 0 : i32
    %dma_start3A_20 = tpu.memref_slice %arg2[%dma_start3A, %dma_start3A_19] : memref<10000x128xf32, #tpu.memory_space<hbm>> -> memref<10000x128xf32, #tpu.memory_space<hbm>>
    tpu.enqueue_indirect_dma source(%dma_start3A_20 : memref<10000x128xf32, #tpu.memory_space<hbm>>) target(%arg10 : memref<40x128xf32, #tpu.memory_space<vmem>>) offsets(%arg8 : memref<40xi32, #tpu.memory_space<vmem>>) semaphore(%arg28 : memref<!tpu.dma_semaphore, #tpu.memory_space<semaphore_mem>>)
    %dma_start3A_21 = arith.constant 0 : i32
    %dma_start3A_22 = arith.constant 0 : i32
    %dma_start3A_23 = tpu.memref_slice %arg3[%dma_start3A_21, %dma_start3A_22] : memref<10000x128xf32, #tpu.memory_space<hbm>> -> memref<10000x128xf32, #tpu.memory_space<hbm>>
    tpu.enqueue_indirect_dma source(%dma_start3A_23 : memref<10000x128xf32, #tpu.memory_space<hbm>>) target(%arg11 : memref<40x128xf32, #tpu.memory_space<vmem>>) offsets(%arg9 : memref<40xi32, #tpu.memory_space<vmem>>) semaphore(%arg28 : memref<!tpu.dma_semaphore, #tpu.memory_space<semaphore_mem>>)
    %dma_wait3A = arith.constant 0 : i32
    %dma_wait3A_24 = arith.constant 0 : i32
    %dma_wait3A_25 = tpu.memref_slice %arg2[%dma_wait3A, %dma_wait3A_24] : memref<10000x128xf32, #tpu.memory_space<hbm>> -> memref<10000x128xf32, #tpu.memory_space<hbm>>
    tpu.wait_indirect_dma semaphore(%arg28 : memref<!tpu.dma_semaphore, #tpu.memory_space<semaphore_mem>>) src(%dma_wait3A_25 : memref<10000x128xf32, #tpu.memory_space<hbm>>) dst(%arg10 : memref<40x128xf32, #tpu.memory_space<vmem>>)
    %dma_wait3A_26 = arith.constant 0 : i32
    %dma_wait3A_27 = arith.constant 0 : i32
    %dma_wait3A_28 = tpu.memref_slice %arg3[%dma_wait3A_26, %dma_wait3A_27] : memref<10000x128xf32, #tpu.memory_space<hbm>> -> memref<10000x128xf32, #tpu.memory_space<hbm>>
    tpu.wait_indirect_dma semaphore(%arg28 : memref<!tpu.dma_semaphore, #tpu.memory_space<semaphore_mem>>) src(%dma_wait3A_28 : memref<10000x128xf32, #tpu.memory_space<hbm>>) dst(%arg11 : memref<40x128xf32, #tpu.memory_space<vmem>>)
    "tpu.region"() ({
      %run_scoped3A = tpu.sem_alloc : memref<!tpu.dma_semaphore, #tpu.memory_space<semaphore_mem>>
      %dma_start3A_30 = arith.constant 0 : i32
      %dma_start3A_31 = tpu.memref_slice %arg6[%add3A_14, %dma_start3A_30] : memref<160000x128xf32, #tpu.memory_space<hbm>> -> memref<40x128xf32, #tpu.memory_space<hbm>>
      %dma_start3A_32 = arith.constant 0 : i32
      %dma_start3A_33 = tpu.memref_slice %arg6[%add3A_14, %dma_start3A_32] : memref<160000x128xf32, #tpu.memory_space<hbm>> -> memref<40x128xf32, #tpu.memory_space<hbm>>
      tpu.enqueue_dma source(%arg10 : memref<40x128xf32, #tpu.memory_space<vmem>>) target(%dma_start3A_33 : memref<40x128xf32, #tpu.memory_space<hbm>>) target_semaphore(%run_scoped3A : memref<!tpu.dma_semaphore, #tpu.memory_space<semaphore_mem>>)
      %dma_wait3A_34 = arith.constant 0 : i32
      %dma_wait3A_35 = tpu.memref_slice %arg6[%add3A_14, %dma_wait3A_34] : memref<160000x128xf32, #tpu.memory_space<hbm>> -> memref<40x128xf32, #tpu.memory_space<hbm>>
      %dma_wait3A_36 = arith.constant 0 : i32
      %dma_wait3A_37 = tpu.memref_slice %arg6[%add3A_14, %dma_wait3A_36] : memref<160000x128xf32, #tpu.memory_space<hbm>> -> memref<40x128xf32, #tpu.memory_space<hbm>>
      tpu.wait_dma2 semaphore(%run_scoped3A : memref<!tpu.dma_semaphore, #tpu.memory_space<semaphore_mem>>) src(%arg10 : memref<40x128xf32, #tpu.memory_space<vmem>>) dst(%dma_wait3A_37 : memref<40x128xf32, #tpu.memory_space<hbm>>)
      tpu.yield
    }) : () -> ()
    "tpu.region"() ({
      %run_scoped3A = tpu.sem_alloc : memref<!tpu.dma_semaphore, #tpu.memory_space<semaphore_mem>>
      %dma_start3A_30 = arith.constant 0 : i32
      %dma_start3A_31 = tpu.memref_slice %arg7[%add3A_14, %dma_start3A_30] : memref<160000x128xf32, #tpu.memory_space<hbm>> -> memref<40x128xf32, #tpu.memory_space<hbm>>
      %dma_start3A_32 = arith.constant 0 : i32
      %dma_start3A_33 = tpu.memref_slice %arg7[%add3A_14, %dma_start3A_32] : memref<160000x128xf32, #tpu.memory_space<hbm>> -> memref<40x128xf32, #tpu.memory_space<hbm>>
      tpu.enqueue_dma source(%arg11 : memref<40x128xf32, #tpu.memory_space<vmem>>) target(%dma_start3A_33 : memref<40x128xf32, #tpu.memory_space<hbm>>) target_semaphore(%run_scoped3A : memref<!tpu.dma_semaphore, #tpu.memory_space<semaphore_mem>>)
      %dma_wait3A_34 = arith.constant 0 : i32
      %dma_wait3A_35 = tpu.memref_slice %arg7[%add3A_14, %dma_wait3A_34] : memref<160000x128xf32, #tpu.memory_space<hbm>> -> memref<40x128xf32, #tpu.memory_space<hbm>>
      %dma_wait3A_36 = arith.constant 0 : i32
      %dma_wait3A_37 = tpu.memref_slice %arg7[%add3A_14, %dma_wait3A_36] : memref<160000x128xf32, #tpu.memory_space<hbm>> -> memref<40x128xf32, #tpu.memory_space<hbm>>
      tpu.wait_dma2 semaphore(%run_scoped3A : memref<!tpu.dma_semaphore, #tpu.memory_space<semaphore_mem>>) src(%arg11 : memref<40x128xf32, #tpu.memory_space<vmem>>) dst(%dma_wait3A_37 : memref<40x128xf32, #tpu.memory_space<hbm>>)
      tpu.yield
    }) : () -> ()
    %scan3A_29 = arith.constant 1 : i32
    return
  }
}

#map = affine_map<(d0, d1) -> (0)>
#map1 = affine_map<(d0, d1) -> (0, 0, 0)>
module attributes {stable_mosaic.version = 14 : i64} {
  func.func @body(%arg0: i32, %arg1: i32, %arg2: memref<320000xf32, #tpu.memory_space<hbm>>, %arg3: memref<320000xf32, #tpu.memory_space<hbm>>, %arg4: memref<320000xf32, #tpu.memory_space<hbm>>, %arg5: memref<320000xi32, #tpu.memory_space<hbm>>, %arg6: memref<32x1x10000xf32, #tpu.memory_space<hbm>>, %arg7: memref<32x1x10000xf32, #tpu.memory_space<hbm>>, %arg8: memref<32x1x10000xf32, #tpu.memory_space<hbm>>, %arg9: memref<2000xi32, #tpu.memory_space<vmem>>, %arg10: memref<2000xf32, #tpu.memory_space<vmem>>, %arg11: memref<2000xf32, #tpu.memory_space<vmem>>, %arg12: memref<2000xf32, #tpu.memory_space<vmem>>, %arg13: memref<10000xf32, #tpu.memory_space<vmem>>, %arg14: memref<10000xf32, #tpu.memory_space<vmem>>, %arg15: memref<10000xf32, #tpu.memory_space<vmem>>) attributes {dimension_semantics = [#tpu.dimension_semantics<core_parallel>, #tpu.dimension_semantics<subcore_parallel>], iteration_bounds = array<i64: 2, 16>, scalar_prefetch = 0 : i64, scratch_operands = 7 : i64, tpu.core_type = #tpu.core_type<sc_vector_subcore>, window_params = [{transform_indices = #map}, {transform_indices = #map}, {transform_indices = #map}, {transform_indices = #map}, {transform_indices = #map1}, {transform_indices = #map1}, {transform_indices = #map1}]} {
    %mul3A = arith.constant 2 : i32
    %mul3A_0 = arith.muli %arg1, %mul3A : i32
    %add3A = arith.addi %mul3A_0, %arg0 : i32
    %broadcast_in_dim3A = arith.constant 0.000000e+00 : f32
    %broadcast_in_dim3A_1 = vector.broadcast %broadcast_in_dim3A : f32 to vector<16xf32>
    %scan3A = arith.constant 0 : i32
    %scan3A_2 = arith.constant 625 : i32
    %scan3A_3 = arith.addi %scan3A, %scan3A_2 : i32
    %scan3A_4 = arith.constant 1 : i32
    scf.for %scan3A_13 = %scan3A to %scan3A_3 step %scan3A_4  : i32 {
      %mul3A_14 = arith.constant 16 : i32
      %mul3A_15 = arith.muli %scan3A_13, %mul3A_14 : i32
      %add3A_16 = arith.constant 0 : i32
      %add3A_17 = arith.addi %add3A_16, %mul3A_15 : i32
      %swap3A = arith.index_cast %add3A_17 : i32 to index
      %swap3A_18 = tpu.vector_load %arg13[%swap3A] {strides = array<i32>} : memref<10000xf32, #tpu.memory_space<vmem>>, vector<16xf32>,
      tpu.vector_store %arg13[%swap3A], %broadcast_in_dim3A_1 {strides = array<i32>} : memref<10000xf32, #tpu.memory_space<vmem>>, vector<16xf32>,
      %swap3A_19 = arith.index_cast %add3A_17 : i32 to index
      %swap3A_20 = tpu.vector_load %arg14[%swap3A_19] {strides = array<i32>} : memref<10000xf32, #tpu.memory_space<vmem>>, vector<16xf32>,
      tpu.vector_store %arg14[%swap3A_19], %broadcast_in_dim3A_1 {strides = array<i32>} : memref<10000xf32, #tpu.memory_space<vmem>>, vector<16xf32>,
      %swap3A_21 = arith.index_cast %add3A_17 : i32 to index
      %swap3A_22 = tpu.vector_load %arg15[%swap3A_21] {strides = array<i32>} : memref<10000xf32, #tpu.memory_space<vmem>>, vector<16xf32>,
      tpu.vector_store %arg15[%swap3A_21], %broadcast_in_dim3A_1 {strides = array<i32>} : memref<10000xf32, #tpu.memory_space<vmem>>, vector<16xf32>,
    }
    %scan3A_5 = arith.constant 625 : i32
    %scan3A_6 = arith.constant 0 : i32
    %scan3A_7 = arith.constant 5 : i32
    %scan3A_8 = arith.addi %scan3A_6, %scan3A_7 : i32
    %scan3A_9 = arith.constant 1 : i32
    scf.for %scan3A_13 = %scan3A_6 to %scan3A_8 step %scan3A_9  : i32 {
      %mul3A_14 = arith.constant 1 : i32
      %mul3A_15 = arith.muli %scan3A_13, %mul3A_14 : i32
      %add3A_16 = arith.constant 0 : i32
      %add3A_17 = arith.addi %add3A_16, %mul3A_15 : i32
      %mul3A_18 = arith.constant 10000 : i32
      %mul3A_19 = arith.muli %add3A, %mul3A_18 : i32
      %mul3A_20 = arith.constant 2000 : i32
      %mul3A_21 = arith.muli %add3A_17, %mul3A_20 : i32
      %add3A_22 = arith.addi %mul3A_19, %mul3A_21 : i32
      "tpu.region"() ({
        %run_scoped3A_28 = tpu.sem_alloc : memref<!tpu.dma_semaphore, #tpu.memory_space<semaphore_mem>>
        %dma_start3A = tpu.memref_slice %arg5[%add3A_22] : memref<320000xi32, #tpu.memory_space<hbm>> -> memref<2000xi32, #tpu.memory_space<hbm>>
        %dma_start3A_29 = tpu.memref_slice %arg5[%add3A_22] : memref<320000xi32, #tpu.memory_space<hbm>> -> memref<2000xi32, #tpu.memory_space<hbm>>
        tpu.enqueue_dma source(%dma_start3A_29 : memref<2000xi32, #tpu.memory_space<hbm>>) target(%arg9 : memref<2000xi32, #tpu.memory_space<vmem>>) target_semaphore(%run_scoped3A_28 : memref<!tpu.dma_semaphore, #tpu.memory_space<semaphore_mem>>)
        %dma_wait3A = tpu.memref_slice %arg5[%add3A_22] : memref<320000xi32, #tpu.memory_space<hbm>> -> memref<2000xi32, #tpu.memory_space<hbm>>
        %dma_wait3A_30 = tpu.memref_slice %arg5[%add3A_22] : memref<320000xi32, #tpu.memory_space<hbm>> -> memref<2000xi32, #tpu.memory_space<hbm>>
        tpu.wait_dma2 semaphore(%run_scoped3A_28 : memref<!tpu.dma_semaphore, #tpu.memory_space<semaphore_mem>>) src(%dma_wait3A_30 : memref<2000xi32, #tpu.memory_space<hbm>>) dst(%arg9 : memref<2000xi32, #tpu.memory_space<vmem>>)
        tpu.yield
      }) : () -> ()
      "tpu.region"() ({
        %run_scoped3A_28 = tpu.sem_alloc : memref<!tpu.dma_semaphore, #tpu.memory_space<semaphore_mem>>
        %dma_start3A = tpu.memref_slice %arg2[%add3A_22] : memref<320000xf32, #tpu.memory_space<hbm>> -> memref<2000xf32, #tpu.memory_space<hbm>>
        %dma_start3A_29 = tpu.memref_slice %arg2[%add3A_22] : memref<320000xf32, #tpu.memory_space<hbm>> -> memref<2000xf32, #tpu.memory_space<hbm>>
        tpu.enqueue_dma source(%dma_start3A_29 : memref<2000xf32, #tpu.memory_space<hbm>>) target(%arg10 : memref<2000xf32, #tpu.memory_space<vmem>>) target_semaphore(%run_scoped3A_28 : memref<!tpu.dma_semaphore, #tpu.memory_space<semaphore_mem>>)
        %dma_wait3A = tpu.memref_slice %arg2[%add3A_22] : memref<320000xf32, #tpu.memory_space<hbm>> -> memref<2000xf32, #tpu.memory_space<hbm>>
        %dma_wait3A_30 = tpu.memref_slice %arg2[%add3A_22] : memref<320000xf32, #tpu.memory_space<hbm>> -> memref<2000xf32, #tpu.memory_space<hbm>>
        tpu.wait_dma2 semaphore(%run_scoped3A_28 : memref<!tpu.dma_semaphore, #tpu.memory_space<semaphore_mem>>) src(%dma_wait3A_30 : memref<2000xf32, #tpu.memory_space<hbm>>) dst(%arg10 : memref<2000xf32, #tpu.memory_space<vmem>>)
        tpu.yield
      }) : () -> ()
      "tpu.region"() ({
        %run_scoped3A_28 = tpu.sem_alloc : memref<!tpu.dma_semaphore, #tpu.memory_space<semaphore_mem>>
        %dma_start3A = tpu.memref_slice %arg3[%add3A_22] : memref<320000xf32, #tpu.memory_space<hbm>> -> memref<2000xf32, #tpu.memory_space<hbm>>
        %dma_start3A_29 = tpu.memref_slice %arg3[%add3A_22] : memref<320000xf32, #tpu.memory_space<hbm>> -> memref<2000xf32, #tpu.memory_space<hbm>>
        tpu.enqueue_dma source(%dma_start3A_29 : memref<2000xf32, #tpu.memory_space<hbm>>) target(%arg11 : memref<2000xf32, #tpu.memory_space<vmem>>) target_semaphore(%run_scoped3A_28 : memref<!tpu.dma_semaphore, #tpu.memory_space<semaphore_mem>>)
        %dma_wait3A = tpu.memref_slice %arg3[%add3A_22] : memref<320000xf32, #tpu.memory_space<hbm>> -> memref<2000xf32, #tpu.memory_space<hbm>>
        %dma_wait3A_30 = tpu.memref_slice %arg3[%add3A_22] : memref<320000xf32, #tpu.memory_space<hbm>> -> memref<2000xf32, #tpu.memory_space<hbm>>
        tpu.wait_dma2 semaphore(%run_scoped3A_28 : memref<!tpu.dma_semaphore, #tpu.memory_space<semaphore_mem>>) src(%dma_wait3A_30 : memref<2000xf32, #tpu.memory_space<hbm>>) dst(%arg11 : memref<2000xf32, #tpu.memory_space<vmem>>)
        tpu.yield
      }) : () -> ()
      "tpu.region"() ({
        %run_scoped3A_28 = tpu.sem_alloc : memref<!tpu.dma_semaphore, #tpu.memory_space<semaphore_mem>>
        %dma_start3A = tpu.memref_slice %arg4[%add3A_22] : memref<320000xf32, #tpu.memory_space<hbm>> -> memref<2000xf32, #tpu.memory_space<hbm>>
        %dma_start3A_29 = tpu.memref_slice %arg4[%add3A_22] : memref<320000xf32, #tpu.memory_space<hbm>> -> memref<2000xf32, #tpu.memory_space<hbm>>
        tpu.enqueue_dma source(%dma_start3A_29 : memref<2000xf32, #tpu.memory_space<hbm>>) target(%arg12 : memref<2000xf32, #tpu.memory_space<vmem>>) target_semaphore(%run_scoped3A_28 : memref<!tpu.dma_semaphore, #tpu.memory_space<semaphore_mem>>)
        %dma_wait3A = tpu.memref_slice %arg4[%add3A_22] : memref<320000xf32, #tpu.memory_space<hbm>> -> memref<2000xf32, #tpu.memory_space<hbm>>
        %dma_wait3A_30 = tpu.memref_slice %arg4[%add3A_22] : memref<320000xf32, #tpu.memory_space<hbm>> -> memref<2000xf32, #tpu.memory_space<hbm>>
        tpu.wait_dma2 semaphore(%run_scoped3A_28 : memref<!tpu.dma_semaphore, #tpu.memory_space<semaphore_mem>>) src(%dma_wait3A_30 : memref<2000xf32, #tpu.memory_space<hbm>>) dst(%arg12 : memref<2000xf32, #tpu.memory_space<vmem>>)
        tpu.yield
      }) : () -> ()
      %scan3A_23 = arith.constant 0 : i32
      %scan3A_24 = arith.constant 125 : i32
      %scan3A_25 = arith.addi %scan3A_23, %scan3A_24 : i32
      %scan3A_26 = arith.constant 1 : i32
      scf.for %scan3A_28 = %scan3A_23 to %scan3A_25 step %scan3A_26  : i32 {
        %mul3A_29 = arith.constant 16 : i32
        %mul3A_30 = arith.muli %scan3A_28, %mul3A_29 : i32
        %add3A_31 = arith.constant 0 : i32
        %add3A_32 = arith.addi %add3A_31, %mul3A_30 : i32
        %get3A = arith.index_cast %add3A_32 : i32 to index
        %get3A_33 = tpu.vector_load %arg9[%get3A] {strides = array<i32>} : memref<2000xi32, #tpu.memory_space<vmem>>, vector<16xi32>,
        %get3A_34 = arith.index_cast %add3A_32 : i32 to index
        %get3A_35 = tpu.vector_load %arg10[%get3A_34] {strides = array<i32>} : memref<2000xf32, #tpu.memory_space<vmem>>, vector<16xf32>,
        tpu.vector_store_idx %arg13[%get3A_33], %get3A_35 {add = true} : memref<10000xf32, #tpu.memory_space<vmem>>[vector<16xi32>], vector<16xf32>,
        %get3A_36 = arith.index_cast %add3A_32 : i32 to index
        %get3A_37 = tpu.vector_load %arg11[%get3A_36] {strides = array<i32>} : memref<2000xf32, #tpu.memory_space<vmem>>, vector<16xf32>,
        tpu.vector_store_idx %arg14[%get3A_33], %get3A_37 {add = true} : memref<10000xf32, #tpu.memory_space<vmem>>[vector<16xi32>], vector<16xf32>,
        %get3A_38 = arith.index_cast %add3A_32 : i32 to index
        %get3A_39 = tpu.vector_load %arg12[%get3A_38] {strides = array<i32>} : memref<2000xf32, #tpu.memory_space<vmem>>, vector<16xf32>,
        tpu.vector_store_idx %arg15[%get3A_33], %get3A_39 {add = true} : memref<10000xf32, #tpu.memory_space<vmem>>[vector<16xi32>], vector<16xf32>,
      }
      %scan3A_27 = arith.constant 125 : i32
    }
    %scan3A_10 = arith.constant 5 : i32
    %run_scoped3A = arith.constant 0 : i32
    "tpu.region"() ({
      %run_scoped3A_13 = tpu.sem_alloc : memref<!tpu.dma_semaphore, #tpu.memory_space<semaphore_mem>>
      %dma_start3A = arith.constant 0 : i32
      %dma_start3A_14 = tpu.memref_slice %arg6[%add3A, %run_scoped3A, %dma_start3A] : memref<32x1x10000xf32, #tpu.memory_space<hbm>> -> memref<1x1x10000xf32, #tpu.memory_space<hbm>>
      %dma_start3A_15 = tpu.memref_squeeze %dma_start3A_14 : memref<1x1x10000xf32, #tpu.memory_space<hbm>> -> memref<10000xf32, #tpu.memory_space<hbm>>
      %dma_start3A_16 = arith.constant 0 : i32
      %dma_start3A_17 = tpu.memref_slice %arg6[%add3A, %run_scoped3A, %dma_start3A_16] : memref<32x1x10000xf32, #tpu.memory_space<hbm>> -> memref<1x1x10000xf32, #tpu.memory_space<hbm>>
      %dma_start3A_18 = tpu.memref_squeeze %dma_start3A_17 : memref<1x1x10000xf32, #tpu.memory_space<hbm>> -> memref<10000xf32, #tpu.memory_space<hbm>>
      tpu.enqueue_dma source(%arg13 : memref<10000xf32, #tpu.memory_space<vmem>>) target(%dma_start3A_18 : memref<10000xf32, #tpu.memory_space<hbm>>) target_semaphore(%run_scoped3A_13 : memref<!tpu.dma_semaphore, #tpu.memory_space<semaphore_mem>>)
      %dma_wait3A = arith.constant 0 : i32
      %dma_wait3A_19 = tpu.memref_slice %arg6[%add3A, %run_scoped3A, %dma_wait3A] : memref<32x1x10000xf32, #tpu.memory_space<hbm>> -> memref<1x1x10000xf32, #tpu.memory_space<hbm>>
      %dma_wait3A_20 = tpu.memref_squeeze %dma_wait3A_19 : memref<1x1x10000xf32, #tpu.memory_space<hbm>> -> memref<10000xf32, #tpu.memory_space<hbm>>
      %dma_wait3A_21 = arith.constant 0 : i32
      %dma_wait3A_22 = tpu.memref_slice %arg6[%add3A, %run_scoped3A, %dma_wait3A_21] : memref<32x1x10000xf32, #tpu.memory_space<hbm>> -> memref<1x1x10000xf32, #tpu.memory_space<hbm>>
      %dma_wait3A_23 = tpu.memref_squeeze %dma_wait3A_22 : memref<1x1x10000xf32, #tpu.memory_space<hbm>> -> memref<10000xf32, #tpu.memory_space<hbm>>
      tpu.wait_dma2 semaphore(%run_scoped3A_13 : memref<!tpu.dma_semaphore, #tpu.memory_space<semaphore_mem>>) src(%arg13 : memref<10000xf32, #tpu.memory_space<vmem>>) dst(%dma_wait3A_23 : memref<10000xf32, #tpu.memory_space<hbm>>)
      tpu.yield
    }) : () -> ()
    %run_scoped3A_11 = arith.constant 0 : i32
    "tpu.region"() ({
      %run_scoped3A_13 = tpu.sem_alloc : memref<!tpu.dma_semaphore, #tpu.memory_space<semaphore_mem>>
      %dma_start3A = arith.constant 0 : i32
      %dma_start3A_14 = tpu.memref_slice %arg7[%add3A, %run_scoped3A_11, %dma_start3A] : memref<32x1x10000xf32, #tpu.memory_space<hbm>> -> memref<1x1x10000xf32, #tpu.memory_space<hbm>>
      %dma_start3A_15 = tpu.memref_squeeze %dma_start3A_14 : memref<1x1x10000xf32, #tpu.memory_space<hbm>> -> memref<10000xf32, #tpu.memory_space<hbm>>
      %dma_start3A_16 = arith.constant 0 : i32
      %dma_start3A_17 = tpu.memref_slice %arg7[%add3A, %run_scoped3A_11, %dma_start3A_16] : memref<32x1x10000xf32, #tpu.memory_space<hbm>> -> memref<1x1x10000xf32, #tpu.memory_space<hbm>>
      %dma_start3A_18 = tpu.memref_squeeze %dma_start3A_17 : memref<1x1x10000xf32, #tpu.memory_space<hbm>> -> memref<10000xf32, #tpu.memory_space<hbm>>
      tpu.enqueue_dma source(%arg14 : memref<10000xf32, #tpu.memory_space<vmem>>) target(%dma_start3A_18 : memref<10000xf32, #tpu.memory_space<hbm>>) target_semaphore(%run_scoped3A_13 : memref<!tpu.dma_semaphore, #tpu.memory_space<semaphore_mem>>)
      %dma_wait3A = arith.constant 0 : i32
      %dma_wait3A_19 = tpu.memref_slice %arg7[%add3A, %run_scoped3A_11, %dma_wait3A] : memref<32x1x10000xf32, #tpu.memory_space<hbm>> -> memref<1x1x10000xf32, #tpu.memory_space<hbm>>
      %dma_wait3A_20 = tpu.memref_squeeze %dma_wait3A_19 : memref<1x1x10000xf32, #tpu.memory_space<hbm>> -> memref<10000xf32, #tpu.memory_space<hbm>>
      %dma_wait3A_21 = arith.constant 0 : i32
      %dma_wait3A_22 = tpu.memref_slice %arg7[%add3A, %run_scoped3A_11, %dma_wait3A_21] : memref<32x1x10000xf32, #tpu.memory_space<hbm>> -> memref<1x1x10000xf32, #tpu.memory_space<hbm>>
      %dma_wait3A_23 = tpu.memref_squeeze %dma_wait3A_22 : memref<1x1x10000xf32, #tpu.memory_space<hbm>> -> memref<10000xf32, #tpu.memory_space<hbm>>
      tpu.wait_dma2 semaphore(%run_scoped3A_13 : memref<!tpu.dma_semaphore, #tpu.memory_space<semaphore_mem>>) src(%arg14 : memref<10000xf32, #tpu.memory_space<vmem>>) dst(%dma_wait3A_23 : memref<10000xf32, #tpu.memory_space<hbm>>)
      tpu.yield
    }) : () -> ()
    %run_scoped3A_12 = arith.constant 0 : i32
    "tpu.region"() ({
      %run_scoped3A_13 = tpu.sem_alloc : memref<!tpu.dma_semaphore, #tpu.memory_space<semaphore_mem>>
      %dma_start3A = arith.constant 0 : i32
      %dma_start3A_14 = tpu.memref_slice %arg8[%add3A, %run_scoped3A_12, %dma_start3A] : memref<32x1x10000xf32, #tpu.memory_space<hbm>> -> memref<1x1x10000xf32, #tpu.memory_space<hbm>>
      %dma_start3A_15 = tpu.memref_squeeze %dma_start3A_14 : memref<1x1x10000xf32, #tpu.memory_space<hbm>> -> memref<10000xf32, #tpu.memory_space<hbm>>
      %dma_start3A_16 = arith.constant 0 : i32
      %dma_start3A_17 = tpu.memref_slice %arg8[%add3A, %run_scoped3A_12, %dma_start3A_16] : memref<32x1x10000xf32, #tpu.memory_space<hbm>> -> memref<1x1x10000xf32, #tpu.memory_space<hbm>>
      %dma_start3A_18 = tpu.memref_squeeze %dma_start3A_17 : memref<1x1x10000xf32, #tpu.memory_space<hbm>> -> memref<10000xf32, #tpu.memory_space<hbm>>
      tpu.enqueue_dma source(%arg15 : memref<10000xf32, #tpu.memory_space<vmem>>) target(%dma_start3A_18 : memref<10000xf32, #tpu.memory_space<hbm>>) target_semaphore(%run_scoped3A_13 : memref<!tpu.dma_semaphore, #tpu.memory_space<semaphore_mem>>)
      %dma_wait3A = arith.constant 0 : i32
      %dma_wait3A_19 = tpu.memref_slice %arg8[%add3A, %run_scoped3A_12, %dma_wait3A] : memref<32x1x10000xf32, #tpu.memory_space<hbm>> -> memref<1x1x10000xf32, #tpu.memory_space<hbm>>
      %dma_wait3A_20 = tpu.memref_squeeze %dma_wait3A_19 : memref<1x1x10000xf32, #tpu.memory_space<hbm>> -> memref<10000xf32, #tpu.memory_space<hbm>>
      %dma_wait3A_21 = arith.constant 0 : i32
      %dma_wait3A_22 = tpu.memref_slice %arg8[%add3A, %run_scoped3A_12, %dma_wait3A_21] : memref<32x1x10000xf32, #tpu.memory_space<hbm>> -> memref<1x1x10000xf32, #tpu.memory_space<hbm>>
      %dma_wait3A_23 = tpu.memref_squeeze %dma_wait3A_22 : memref<1x1x10000xf32, #tpu.memory_space<hbm>> -> memref<10000xf32, #tpu.memory_space<hbm>>
      tpu.wait_dma2 semaphore(%run_scoped3A_13 : memref<!tpu.dma_semaphore, #tpu.memory_space<semaphore_mem>>) src(%arg15 : memref<10000xf32, #tpu.memory_space<vmem>>) dst(%dma_wait3A_23 : memref<10000xf32, #tpu.memory_space<hbm>>)
      tpu.yield
    }) : () -> ()
    return
  }
}

#map = affine_map<(d0, d1) -> (0, 0)>
#map1 = affine_map<(d0, d1) -> (0)>
module attributes {stable_mosaic.version = 14 : i64} {
  func.func @body(%arg0: i32, %arg1: i32, %arg2: memref<10000x128xf32, #tpu.memory_space<hbm>>, %arg3: memref<10000x128xf32, #tpu.memory_space<hbm>>, %arg4: memref<320000xi32, #tpu.memory_space<hbm>>, %arg5: memref<320000xi32, #tpu.memory_space<hbm>>, %arg6: memref<160000x128xf32, #tpu.memory_space<hbm>>, %arg7: memref<160000x128xf32, #tpu.memory_space<hbm>>, %arg8: memref<40xi32, #tpu.memory_space<vmem>>, %arg9: memref<40xi32, #tpu.memory_space<vmem>>, %arg10: memref<40x128xf32, #tpu.memory_space<vmem>>, %arg11: memref<40x128xf32, #tpu.memory_space<vmem>>, %arg12: memref<40xi32, #tpu.memory_space<vmem>>, %arg13: memref<40xi32, #tpu.memory_space<vmem>>, %arg14: memref<40x128xf32, #tpu.memory_space<vmem>>, %arg15: memref<40x128xf32, #tpu.memory_space<vmem>>, %arg16: memref<40xi32, #tpu.memory_space<vmem>>, %arg17: memref<40xi32, #tpu.memory_space<vmem>>, %arg18: memref<40x128xf32, #tpu.memory_space<vmem>>, %arg19: memref<40x128xf32, #tpu.memory_space<vmem>>, %arg20: memref<40xi32, #tpu.memory_space<vmem>>, %arg21: memref<40xi32, #tpu.memory_space<vmem>>, %arg22: memref<40x128xf32, #tpu.memory_space<vmem>>, %arg23: memref<40x128xf32, #tpu.memory_space<vmem>>, %arg24: memref<!tpu.dma_semaphore, #tpu.memory_space<semaphore_mem>>, %arg25: memref<!tpu.dma_semaphore, #tpu.memory_space<semaphore_mem>>, %arg26: memref<!tpu.dma_semaphore, #tpu.memory_space<semaphore_mem>>, %arg27: memref<!tpu.dma_semaphore, #tpu.memory_space<semaphore_mem>>, %arg28: memref<!tpu.dma_semaphore, #tpu.memory_space<semaphore_mem>>, %arg29: memref<!tpu.dma_semaphore, #tpu.memory_space<semaphore_mem>>, %arg30: memref<!tpu.dma_semaphore, #tpu.memory_space<semaphore_mem>>, %arg31: memref<!tpu.dma_semaphore, #tpu.memory_space<semaphore_mem>>, %arg32: memref<!tpu.dma_semaphore, #tpu.memory_space<semaphore_mem>>, %arg33: memref<!tpu.dma_semaphore, #tpu.memory_space<semaphore_mem>>, %arg34: memref<!tpu.dma_semaphore, #tpu.memory_space<semaphore_mem>>, %arg35: memref<!tpu.dma_semaphore, #tpu.memory_space<semaphore_mem>>) attributes {dimension_semantics = [#tpu.dimension_semantics<core_parallel>, #tpu.dimension_semantics<subcore_parallel>], iteration_bounds = array<i64: 2, 16>, scalar_prefetch = 0 : i64, scratch_operands = 28 : i64, tpu.core_type = #tpu.core_type<sc_vector_subcore>, window_params = [{transform_indices = #map}, {transform_indices = #map}, {transform_indices = #map1}, {transform_indices = #map1}, {transform_indices = #map}, {transform_indices = #map}]} {
    %mul3A = arith.constant 2 : i32
    %mul3A_0 = arith.muli %arg1, %mul3A : i32
    %add3A = arith.addi %mul3A_0, %arg0 : i32
    %scan3A = arith.constant 0 : i32
    %scan3A_1 = arith.constant 31 : i32
    %scan3A_2 = arith.addi %scan3A, %scan3A_1 : i32
    %scan3A_3 = arith.constant 1 : i32
    scf.for %scan3A_30 = %scan3A to %scan3A_2 step %scan3A_3  : i32 {
      %mul3A_31 = arith.constant 4 : i32
      %mul3A_32 = arith.muli %scan3A_30, %mul3A_31 : i32
      %add3A_33 = arith.constant 0 : i32
      %add3A_34 = arith.addi %add3A_33, %mul3A_32 : i32
      %mul3A_35 = arith.constant 5000 : i32
      %mul3A_36 = arith.muli %add3A, %mul3A_35 : i32
      %add3A_37 = arith.constant 0 : i32
      %add3A_38 = arith.addi %add3A_34, %add3A_37 : i32
      %mul3A_39 = arith.constant 40 : i32
      %mul3A_40 = arith.muli %add3A_38, %mul3A_39 : i32
      %add3A_41 = arith.addi %mul3A_36, %mul3A_40 : i32
      %add3A_42 = arith.constant 0 : i32
      %add3A_43 = arith.addi %add3A_42, %add3A_41 : i32
      %dma_start3A_44 = tpu.memref_slice %arg4[%add3A_43] : memref<320000xi32, #tpu.memory_space<hbm>> -> memref<40xi32, #tpu.memory_space<hbm>>
      %dma_start3A_45 = tpu.memref_slice %arg4[%add3A_43] : memref<320000xi32, #tpu.memory_space<hbm>> -> memref<40xi32, #tpu.memory_space<hbm>>
      tpu.enqueue_dma source(%dma_start3A_45 : memref<40xi32, #tpu.memory_space<hbm>>) target(%arg8 : memref<40xi32, #tpu.memory_space<vmem>>) target_semaphore(%arg24 : memref<!tpu.dma_semaphore, #tpu.memory_space<semaphore_mem>>)
      %add3A_46 = arith.constant 0 : i32
      %add3A_47 = arith.addi %add3A_46, %add3A_41 : i32
      %dma_start3A_48 = tpu.memref_slice %arg5[%add3A_47] : memref<320000xi32, #tpu.memory_space<hbm>> -> memref<40xi32, #tpu.memory_space<hbm>>
      %dma_start3A_49 = tpu.memref_slice %arg5[%add3A_47] : memref<320000xi32, #tpu.memory_space<hbm>> -> memref<40xi32, #tpu.memory_space<hbm>>
      tpu.enqueue_dma source(%dma_start3A_49 : memref<40xi32, #tpu.memory_space<hbm>>) target(%arg9 : memref<40xi32, #tpu.memory_space<vmem>>) target_semaphore(%arg24 : memref<!tpu.dma_semaphore, #tpu.memory_space<semaphore_mem>>)
      %mul3A_50 = arith.constant 5000 : i32
      %mul3A_51 = arith.muli %add3A, %mul3A_50 : i32
      %add3A_52 = arith.constant 1 : i32
      %add3A_53 = arith.addi %add3A_34, %add3A_52 : i32
      %mul3A_54 = arith.constant 40 : i32
      %mul3A_55 = arith.muli %add3A_53, %mul3A_54 : i32
      %add3A_56 = arith.addi %mul3A_51, %mul3A_55 : i32
      %add3A_57 = arith.constant 0 : i32
      %add3A_58 = arith.addi %add3A_57, %add3A_56 : i32
      %dma_start3A_59 = tpu.memref_slice %arg4[%add3A_58] : memref<320000xi32, #tpu.memory_space<hbm>> -> memref<40xi32, #tpu.memory_space<hbm>>
      %dma_start3A_60 = tpu.memref_slice %arg4[%add3A_58] : memref<320000xi32, #tpu.memory_space<hbm>> -> memref<40xi32, #tpu.memory_space<hbm>>
      tpu.enqueue_dma source(%dma_start3A_60 : memref<40xi32, #tpu.memory_space<hbm>>) target(%arg12 : memref<40xi32, #tpu.memory_space<vmem>>) target_semaphore(%arg25 : memref<!tpu.dma_semaphore, #tpu.memory_space<semaphore_mem>>)
      %add3A_61 = arith.constant 0 : i32
      %add3A_62 = arith.addi %add3A_61, %add3A_56 : i32
      %dma_start3A_63 = tpu.memref_slice %arg5[%add3A_62] : memref<320000xi32, #tpu.memory_space<hbm>> -> memref<40xi32, #tpu.memory_space<hbm>>
      %dma_start3A_64 = tpu.memref_slice %arg5[%add3A_62] : memref<320000xi32, #tpu.memory_space<hbm>> -> memref<40xi32, #tpu.memory_space<hbm>>
      tpu.enqueue_dma source(%dma_start3A_64 : memref<40xi32, #tpu.memory_space<hbm>>) target(%arg13 : memref<40xi32, #tpu.memory_space<vmem>>) target_semaphore(%arg25 : memref<!tpu.dma_semaphore, #tpu.memory_space<semaphore_mem>>)
      %mul3A_65 = arith.constant 5000 : i32
      %mul3A_66 = arith.muli %add3A, %mul3A_65 : i32
      %add3A_67 = arith.constant 2 : i32
      %add3A_68 = arith.addi %add3A_34, %add3A_67 : i32
      %mul3A_69 = arith.constant 40 : i32
      %mul3A_70 = arith.muli %add3A_68, %mul3A_69 : i32
      %add3A_71 = arith.addi %mul3A_66, %mul3A_70 : i32
      %add3A_72 = arith.constant 0 : i32
      %add3A_73 = arith.addi %add3A_72, %add3A_71 : i32
      %dma_start3A_74 = tpu.memref_slice %arg4[%add3A_73] : memref<320000xi32, #tpu.memory_space<hbm>> -> memref<40xi32, #tpu.memory_space<hbm>>
      %dma_start3A_75 = tpu.memref_slice %arg4[%add3A_73] : memref<320000xi32, #tpu.memory_space<hbm>> -> memref<40xi32, #tpu.memory_space<hbm>>
      tpu.enqueue_dma source(%dma_start3A_75 : memref<40xi32, #tpu.memory_space<hbm>>) target(%arg16 : memref<40xi32, #tpu.memory_space<vmem>>) target_semaphore(%arg26 : memref<!tpu.dma_semaphore, #tpu.memory_space<semaphore_mem>>)
      %add3A_76 = arith.constant 0 : i32
      %add3A_77 = arith.addi %add3A_76, %add3A_71 : i32
      %dma_start3A_78 = tpu.memref_slice %arg5[%add3A_77] : memref<320000xi32, #tpu.memory_space<hbm>> -> memref<40xi32, #tpu.memory_space<hbm>>
      %dma_start3A_79 = tpu.memref_slice %arg5[%add3A_77] : memref<320000xi32, #tpu.memory_space<hbm>> -> memref<40xi32, #tpu.memory_space<hbm>>
      tpu.enqueue_dma source(%dma_start3A_79 : memref<40xi32, #tpu.memory_space<hbm>>) target(%arg17 : memref<40xi32, #tpu.memory_space<vmem>>) target_semaphore(%arg26 : memref<!tpu.dma_semaphore, #tpu.memory_space<semaphore_mem>>)
      %mul3A_80 = arith.constant 5000 : i32
      %mul3A_81 = arith.muli %add3A, %mul3A_80 : i32
      %add3A_82 = arith.constant 3 : i32
      %add3A_83 = arith.addi %add3A_34, %add3A_82 : i32
      %mul3A_84 = arith.constant 40 : i32
      %mul3A_85 = arith.muli %add3A_83, %mul3A_84 : i32
      %add3A_86 = arith.addi %mul3A_81, %mul3A_85 : i32
      %add3A_87 = arith.constant 0 : i32
      %add3A_88 = arith.addi %add3A_87, %add3A_86 : i32
      %dma_start3A_89 = tpu.memref_slice %arg4[%add3A_88] : memref<320000xi32, #tpu.memory_space<hbm>> -> memref<40xi32, #tpu.memory_space<hbm>>
      %dma_start3A_90 = tpu.memref_slice %arg4[%add3A_88] : memref<320000xi32, #tpu.memory_space<hbm>> -> memref<40xi32, #tpu.memory_space<hbm>>
      tpu.enqueue_dma source(%dma_start3A_90 : memref<40xi32, #tpu.memory_space<hbm>>) target(%arg20 : memref<40xi32, #tpu.memory_space<vmem>>) target_semaphore(%arg27 : memref<!tpu.dma_semaphore, #tpu.memory_space<semaphore_mem>>)
      %add3A_91 = arith.constant 0 : i32
      %add3A_92 = arith.addi %add3A_91, %add3A_86 : i32
      %dma_start3A_93 = tpu.memref_slice %arg5[%add3A_92] : memref<320000xi32, #tpu.memory_space<hbm>> -> memref<40xi32, #tpu.memory_space<hbm>>
      %dma_start3A_94 = tpu.memref_slice %arg5[%add3A_92] : memref<320000xi32, #tpu.memory_space<hbm>> -> memref<40xi32, #tpu.memory_space<hbm>>
      tpu.enqueue_dma source(%dma_start3A_94 : memref<40xi32, #tpu.memory_space<hbm>>) target(%arg21 : memref<40xi32, #tpu.memory_space<vmem>>) target_semaphore(%arg27 : memref<!tpu.dma_semaphore, #tpu.memory_space<semaphore_mem>>)
      %dma_wait3A_95 = tpu.memref_slice %arg4[%add3A_43] : memref<320000xi32, #tpu.memory_space<hbm>> -> memref<40xi32, #tpu.memory_space<hbm>>
      %dma_wait3A_96 = tpu.memref_slice %arg4[%add3A_43] : memref<320000xi32, #tpu.memory_space<hbm>> -> memref<40xi32, #tpu.memory_space<hbm>>
      tpu.wait_dma2 semaphore(%arg24 : memref<!tpu.dma_semaphore, #tpu.memory_space<semaphore_mem>>) src(%dma_wait3A_96 : memref<40xi32, #tpu.memory_space<hbm>>) dst(%arg8 : memref<40xi32, #tpu.memory_space<vmem>>)
      %dma_wait3A_97 = tpu.memref_slice %arg5[%add3A_47] : memref<320000xi32, #tpu.memory_space<hbm>> -> memref<40xi32, #tpu.memory_space<hbm>>
      %dma_wait3A_98 = tpu.memref_slice %arg5[%add3A_47] : memref<320000xi32, #tpu.memory_space<hbm>> -> memref<40xi32, #tpu.memory_space<hbm>>
      tpu.wait_dma2 semaphore(%arg24 : memref<!tpu.dma_semaphore, #tpu.memory_space<semaphore_mem>>) src(%dma_wait3A_98 : memref<40xi32, #tpu.memory_space<hbm>>) dst(%arg9 : memref<40xi32, #tpu.memory_space<vmem>>)
      %dma_start3A_99 = arith.constant 0 : i32
      %dma_start3A_100 = arith.constant 0 : i32
      %dma_start3A_101 = tpu.memref_slice %arg2[%dma_start3A_99, %dma_start3A_100] : memref<10000x128xf32, #tpu.memory_space<hbm>> -> memref<10000x128xf32, #tpu.memory_space<hbm>>
      tpu.enqueue_indirect_dma source(%dma_start3A_101 : memref<10000x128xf32, #tpu.memory_space<hbm>>) target(%arg10 : memref<40x128xf32, #tpu.memory_space<vmem>>) offsets(%arg8 : memref<40xi32, #tpu.memory_space<vmem>>) semaphore(%arg28 : memref<!tpu.dma_semaphore, #tpu.memory_space<semaphore_mem>>)
      %dma_start3A_102 = arith.constant 0 : i32
      %dma_start3A_103 = arith.constant 0 : i32
      %dma_start3A_104 = tpu.memref_slice %arg3[%dma_start3A_102, %dma_start3A_103] : memref<10000x128xf32, #tpu.memory_space<hbm>> -> memref<10000x128xf32, #tpu.memory_space<hbm>>
      tpu.enqueue_indirect_dma source(%dma_start3A_104 : memref<10000x128xf32, #tpu.memory_space<hbm>>) target(%arg11 : memref<40x128xf32, #tpu.memory_space<vmem>>) offsets(%arg9 : memref<40xi32, #tpu.memory_space<vmem>>) semaphore(%arg28 : memref<!tpu.dma_semaphore, #tpu.memory_space<semaphore_mem>>)
      %dma_wait3A_105 = tpu.memref_slice %arg4[%add3A_58] : memref<320000xi32, #tpu.memory_space<hbm>> -> memref<40xi32, #tpu.memory_space<hbm>>
      %dma_wait3A_106 = tpu.memref_slice %arg4[%add3A_58] : memref<320000xi32, #tpu.memory_space<hbm>> -> memref<40xi32, #tpu.memory_space<hbm>>
      tpu.wait_dma2 semaphore(%arg25 : memref<!tpu.dma_semaphore, #tpu.memory_space<semaphore_mem>>) src(%dma_wait3A_106 : memref<40xi32, #tpu.memory_space<hbm>>) dst(%arg12 : memref<40xi32, #tpu.memory_space<vmem>>)
      %dma_wait3A_107 = tpu.memref_slice %arg5[%add3A_62] : memref<320000xi32, #tpu.memory_space<hbm>> -> memref<40xi32, #tpu.memory_space<hbm>>
      %dma_wait3A_108 = tpu.memref_slice %arg5[%add3A_62] : memref<320000xi32, #tpu.memory_space<hbm>> -> memref<40xi32, #tpu.memory_space<hbm>>
      tpu.wait_dma2 semaphore(%arg25 : memref<!tpu.dma_semaphore, #tpu.memory_space<semaphore_mem>>) src(%dma_wait3A_108 : memref<40xi32, #tpu.memory_space<hbm>>) dst(%arg13 : memref<40xi32, #tpu.memory_space<vmem>>)
      %dma_start3A_109 = arith.constant 0 : i32
      %dma_start3A_110 = arith.constant 0 : i32
      %dma_start3A_111 = tpu.memref_slice %arg2[%dma_start3A_109, %dma_start3A_110] : memref<10000x128xf32, #tpu.memory_space<hbm>> -> memref<10000x128xf32, #tpu.memory_space<hbm>>
      tpu.enqueue_indirect_dma source(%dma_start3A_111 : memref<10000x128xf32, #tpu.memory_space<hbm>>) target(%arg14 : memref<40x128xf32, #tpu.memory_space<vmem>>) offsets(%arg12 : memref<40xi32, #tpu.memory_space<vmem>>) semaphore(%arg29 : memref<!tpu.dma_semaphore, #tpu.memory_space<semaphore_mem>>)
      %dma_start3A_112 = arith.constant 0 : i32
      %dma_start3A_113 = arith.constant 0 : i32
      %dma_start3A_114 = tpu.memref_slice %arg3[%dma_start3A_112, %dma_start3A_113] : memref<10000x128xf32, #tpu.memory_space<hbm>> -> memref<10000x128xf32, #tpu.memory_space<hbm>>
      tpu.enqueue_indirect_dma source(%dma_start3A_114 : memref<10000x128xf32, #tpu.memory_space<hbm>>) target(%arg15 : memref<40x128xf32, #tpu.memory_space<vmem>>) offsets(%arg13 : memref<40xi32, #tpu.memory_space<vmem>>) semaphore(%arg29 : memref<!tpu.dma_semaphore, #tpu.memory_space<semaphore_mem>>)
      %dma_wait3A_115 = tpu.memref_slice %arg4[%add3A_73] : memref<320000xi32, #tpu.memory_space<hbm>> -> memref<40xi32, #tpu.memory_space<hbm>>
      %dma_wait3A_116 = tpu.memref_slice %arg4[%add3A_73] : memref<320000xi32, #tpu.memory_space<hbm>> -> memref<40xi32, #tpu.memory_space<hbm>>
      tpu.wait_dma2 semaphore(%arg26 : memref<!tpu.dma_semaphore, #tpu.memory_space<semaphore_mem>>) src(%dma_wait3A_116 : memref<40xi32, #tpu.memory_space<hbm>>) dst(%arg16 : memref<40xi32, #tpu.memory_space<vmem>>)
      %dma_wait3A_117 = tpu.memref_slice %arg5[%add3A_77] : memref<320000xi32, #tpu.memory_space<hbm>> -> memref<40xi32, #tpu.memory_space<hbm>>
      %dma_wait3A_118 = tpu.memref_slice %arg5[%add3A_77] : memref<320000xi32, #tpu.memory_space<hbm>> -> memref<40xi32, #tpu.memory_space<hbm>>
      tpu.wait_dma2 semaphore(%arg26 : memref<!tpu.dma_semaphore, #tpu.memory_space<semaphore_mem>>) src(%dma_wait3A_118 : memref<40xi32, #tpu.memory_space<hbm>>) dst(%arg17 : memref<40xi32, #tpu.memory_space<vmem>>)
      %dma_start3A_119 = arith.constant 0 : i32
      %dma_start3A_120 = arith.constant 0 : i32
      %dma_start3A_121 = tpu.memref_slice %arg2[%dma_start3A_119, %dma_start3A_120] : memref<10000x128xf32, #tpu.memory_space<hbm>> -> memref<10000x128xf32, #tpu.memory_space<hbm>>
      tpu.enqueue_indirect_dma source(%dma_start3A_121 : memref<10000x128xf32, #tpu.memory_space<hbm>>) target(%arg18 : memref<40x128xf32, #tpu.memory_space<vmem>>) offsets(%arg16 : memref<40xi32, #tpu.memory_space<vmem>>) semaphore(%arg30 : memref<!tpu.dma_semaphore, #tpu.memory_space<semaphore_mem>>)
      %dma_start3A_122 = arith.constant 0 : i32
      %dma_start3A_123 = arith.constant 0 : i32
      %dma_start3A_124 = tpu.memref_slice %arg3[%dma_start3A_122, %dma_start3A_123] : memref<10000x128xf32, #tpu.memory_space<hbm>> -> memref<10000x128xf32, #tpu.memory_space<hbm>>
      tpu.enqueue_indirect_dma source(%dma_start3A_124 : memref<10000x128xf32, #tpu.memory_space<hbm>>) target(%arg19 : memref<40x128xf32, #tpu.memory_space<vmem>>) offsets(%arg17 : memref<40xi32, #tpu.memory_space<vmem>>) semaphore(%arg30 : memref<!tpu.dma_semaphore, #tpu.memory_space<semaphore_mem>>)
      %dma_wait3A_125 = tpu.memref_slice %arg4[%add3A_88] : memref<320000xi32, #tpu.memory_space<hbm>> -> memref<40xi32, #tpu.memory_space<hbm>>
      %dma_wait3A_126 = tpu.memref_slice %arg4[%add3A_88] : memref<320000xi32, #tpu.memory_space<hbm>> -> memref<40xi32, #tpu.memory_space<hbm>>
      tpu.wait_dma2 semaphore(%arg27 : memref<!tpu.dma_semaphore, #tpu.memory_space<semaphore_mem>>) src(%dma_wait3A_126 : memref<40xi32, #tpu.memory_space<hbm>>) dst(%arg20 : memref<40xi32, #tpu.memory_space<vmem>>)
      %dma_wait3A_127 = tpu.memref_slice %arg5[%add3A_92] : memref<320000xi32, #tpu.memory_space<hbm>> -> memref<40xi32, #tpu.memory_space<hbm>>
      %dma_wait3A_128 = tpu.memref_slice %arg5[%add3A_92] : memref<320000xi32, #tpu.memory_space<hbm>> -> memref<40xi32, #tpu.memory_space<hbm>>
      tpu.wait_dma2 semaphore(%arg27 : memref<!tpu.dma_semaphore, #tpu.memory_space<semaphore_mem>>) src(%dma_wait3A_128 : memref<40xi32, #tpu.memory_space<hbm>>) dst(%arg21 : memref<40xi32, #tpu.memory_space<vmem>>)
      %dma_start3A_129 = arith.constant 0 : i32
      %dma_start3A_130 = arith.constant 0 : i32
      %dma_start3A_131 = tpu.memref_slice %arg2[%dma_start3A_129, %dma_start3A_130] : memref<10000x128xf32, #tpu.memory_space<hbm>> -> memref<10000x128xf32, #tpu.memory_space<hbm>>
      tpu.enqueue_indirect_dma source(%dma_start3A_131 : memref<10000x128xf32, #tpu.memory_space<hbm>>) target(%arg22 : memref<40x128xf32, #tpu.memory_space<vmem>>) offsets(%arg20 : memref<40xi32, #tpu.memory_space<vmem>>) semaphore(%arg31 : memref<!tpu.dma_semaphore, #tpu.memory_space<semaphore_mem>>)
      %dma_start3A_132 = arith.constant 0 : i32
      %dma_start3A_133 = arith.constant 0 : i32
      %dma_start3A_134 = tpu.memref_slice %arg3[%dma_start3A_132, %dma_start3A_133] : memref<10000x128xf32, #tpu.memory_space<hbm>> -> memref<10000x128xf32, #tpu.memory_space<hbm>>
      tpu.enqueue_indirect_dma source(%dma_start3A_134 : memref<10000x128xf32, #tpu.memory_space<hbm>>) target(%arg23 : memref<40x128xf32, #tpu.memory_space<vmem>>) offsets(%arg21 : memref<40xi32, #tpu.memory_space<vmem>>) semaphore(%arg31 : memref<!tpu.dma_semaphore, #tpu.memory_space<semaphore_mem>>)
      %mul3A_135 = arith.constant 5000 : i32
      %mul3A_136 = arith.muli %add3A, %mul3A_135 : i32
      %add3A_137 = arith.constant 0 : i32
      %add3A_138 = arith.addi %add3A_34, %add3A_137 : i32
      %mul3A_139 = arith.constant 40 : i32
      %mul3A_140 = arith.muli %add3A_138, %mul3A_139 : i32
      %add3A_141 = arith.addi %mul3A_136, %mul3A_140 : i32
      %dma_wait3A_142 = arith.constant 0 : i32
      %dma_wait3A_143 = arith.constant 0 : i32
      %dma_wait3A_144 = tpu.memref_slice %arg2[%dma_wait3A_142, %dma_wait3A_143] : memref<10000x128xf32, #tpu.memory_space<hbm>> -> memref<10000x128xf32, #tpu.memory_space<hbm>>
      tpu.wait_indirect_dma semaphore(%arg28 : memref<!tpu.dma_semaphore, #tpu.memory_space<semaphore_mem>>) src(%dma_wait3A_144 : memref<10000x128xf32, #tpu.memory_space<hbm>>) dst(%arg10 : memref<40x128xf32, #tpu.memory_space<vmem>>)
      %dma_wait3A_145 = arith.constant 0 : i32
      %dma_wait3A_146 = arith.constant 0 : i32
      %dma_wait3A_147 = tpu.memref_slice %arg3[%dma_wait3A_145, %dma_wait3A_146] : memref<10000x128xf32, #tpu.memory_space<hbm>> -> memref<10000x128xf32, #tpu.memory_space<hbm>>
      tpu.wait_indirect_dma semaphore(%arg28 : memref<!tpu.dma_semaphore, #tpu.memory_space<semaphore_mem>>) src(%dma_wait3A_147 : memref<10000x128xf32, #tpu.memory_space<hbm>>) dst(%arg11 : memref<40x128xf32, #tpu.memory_space<vmem>>)
      %dma_start3A_148 = arith.constant 0 : i32
      %dma_start3A_149 = tpu.memref_slice %arg6[%add3A_141, %dma_start3A_148] : memref<160000x128xf32, #tpu.memory_space<hbm>> -> memref<40x128xf32, #tpu.memory_space<hbm>>
      %dma_start3A_150 = arith.constant 0 : i32
      %dma_start3A_151 = tpu.memref_slice %arg6[%add3A_141, %dma_start3A_150] : memref<160000x128xf32, #tpu.memory_space<hbm>> -> memref<40x128xf32, #tpu.memory_space<hbm>>
      tpu.enqueue_dma source(%arg10 : memref<40x128xf32, #tpu.memory_space<vmem>>) target(%dma_start3A_151 : memref<40x128xf32, #tpu.memory_space<hbm>>) target_semaphore(%arg32 : memref<!tpu.dma_semaphore, #tpu.memory_space<semaphore_mem>>)
      %dma_start3A_152 = arith.constant 0 : i32
      %dma_start3A_153 = tpu.memref_slice %arg7[%add3A_141, %dma_start3A_152] : memref<160000x128xf32, #tpu.memory_space<hbm>> -> memref<40x128xf32, #tpu.memory_space<hbm>>
      %dma_start3A_154 = arith.constant 0 : i32
      %dma_start3A_155 = tpu.memref_slice %arg7[%add3A_141, %dma_start3A_154] : memref<160000x128xf32, #tpu.memory_space<hbm>> -> memref<40x128xf32, #tpu.memory_space<hbm>>
      tpu.enqueue_dma source(%arg11 : memref<40x128xf32, #tpu.memory_space<vmem>>) target(%dma_start3A_155 : memref<40x128xf32, #tpu.memory_space<hbm>>) target_semaphore(%arg32 : memref<!tpu.dma_semaphore, #tpu.memory_space<semaphore_mem>>)
      %mul3A_156 = arith.constant 5000 : i32
      %mul3A_157 = arith.muli %add3A, %mul3A_156 : i32
      %add3A_158 = arith.constant 1 : i32
      %add3A_159 = arith.addi %add3A_34, %add3A_158 : i32
      %mul3A_160 = arith.constant 40 : i32
      %mul3A_161 = arith.muli %add3A_159, %mul3A_160 : i32
      %add3A_162 = arith.addi %mul3A_157, %mul3A_161 : i32
      %dma_wait3A_163 = arith.constant 0 : i32
      %dma_wait3A_164 = arith.constant 0 : i32
      %dma_wait3A_165 = tpu.memref_slice %arg2[%dma_wait3A_163, %dma_wait3A_164] : memref<10000x128xf32, #tpu.memory_space<hbm>> -> memref<10000x128xf32, #tpu.memory_space<hbm>>
      tpu.wait_indirect_dma semaphore(%arg29 : memref<!tpu.dma_semaphore, #tpu.memory_space<semaphore_mem>>) src(%dma_wait3A_165 : memref<10000x128xf32, #tpu.memory_space<hbm>>) dst(%arg14 : memref<40x128xf32, #tpu.memory_space<vmem>>)
      %dma_wait3A_166 = arith.constant 0 : i32
      %dma_wait3A_167 = arith.constant 0 : i32
      %dma_wait3A_168 = tpu.memref_slice %arg3[%dma_wait3A_166, %dma_wait3A_167] : memref<10000x128xf32, #tpu.memory_space<hbm>> -> memref<10000x128xf32, #tpu.memory_space<hbm>>
      tpu.wait_indirect_dma semaphore(%arg29 : memref<!tpu.dma_semaphore, #tpu.memory_space<semaphore_mem>>) src(%dma_wait3A_168 : memref<10000x128xf32, #tpu.memory_space<hbm>>) dst(%arg15 : memref<40x128xf32, #tpu.memory_space<vmem>>)
      %dma_start3A_169 = arith.constant 0 : i32
      %dma_start3A_170 = tpu.memref_slice %arg6[%add3A_162, %dma_start3A_169] : memref<160000x128xf32, #tpu.memory_space<hbm>> -> memref<40x128xf32, #tpu.memory_space<hbm>>
      %dma_start3A_171 = arith.constant 0 : i32
      %dma_start3A_172 = tpu.memref_slice %arg6[%add3A_162, %dma_start3A_171] : memref<160000x128xf32, #tpu.memory_space<hbm>> -> memref<40x128xf32, #tpu.memory_space<hbm>>
      tpu.enqueue_dma source(%arg14 : memref<40x128xf32, #tpu.memory_space<vmem>>) target(%dma_start3A_172 : memref<40x128xf32, #tpu.memory_space<hbm>>) target_semaphore(%arg33 : memref<!tpu.dma_semaphore, #tpu.memory_space<semaphore_mem>>)
      %dma_start3A_173 = arith.constant 0 : i32
      %dma_start3A_174 = tpu.memref_slice %arg7[%add3A_162, %dma_start3A_173] : memref<160000x128xf32, #tpu.memory_space<hbm>> -> memref<40x128xf32, #tpu.memory_space<hbm>>
      %dma_start3A_175 = arith.constant 0 : i32
      %dma_start3A_176 = tpu.memref_slice %arg7[%add3A_162, %dma_start3A_175] : memref<160000x128xf32, #tpu.memory_space<hbm>> -> memref<40x128xf32, #tpu.memory_space<hbm>>
      tpu.enqueue_dma source(%arg15 : memref<40x128xf32, #tpu.memory_space<vmem>>) target(%dma_start3A_176 : memref<40x128xf32, #tpu.memory_space<hbm>>) target_semaphore(%arg33 : memref<!tpu.dma_semaphore, #tpu.memory_space<semaphore_mem>>)
      %mul3A_177 = arith.constant 5000 : i32
      %mul3A_178 = arith.muli %add3A, %mul3A_177 : i32
      %add3A_179 = arith.constant 2 : i32
      %add3A_180 = arith.addi %add3A_34, %add3A_179 : i32
      %mul3A_181 = arith.constant 40 : i32
      %mul3A_182 = arith.muli %add3A_180, %mul3A_181 : i32
      %add3A_183 = arith.addi %mul3A_178, %mul3A_182 : i32
      %dma_wait3A_184 = arith.constant 0 : i32
      %dma_wait3A_185 = arith.constant 0 : i32
      %dma_wait3A_186 = tpu.memref_slice %arg2[%dma_wait3A_184, %dma_wait3A_185] : memref<10000x128xf32, #tpu.memory_space<hbm>> -> memref<10000x128xf32, #tpu.memory_space<hbm>>
      tpu.wait_indirect_dma semaphore(%arg30 : memref<!tpu.dma_semaphore, #tpu.memory_space<semaphore_mem>>) src(%dma_wait3A_186 : memref<10000x128xf32, #tpu.memory_space<hbm>>) dst(%arg18 : memref<40x128xf32, #tpu.memory_space<vmem>>)
      %dma_wait3A_187 = arith.constant 0 : i32
      %dma_wait3A_188 = arith.constant 0 : i32
      %dma_wait3A_189 = tpu.memref_slice %arg3[%dma_wait3A_187, %dma_wait3A_188] : memref<10000x128xf32, #tpu.memory_space<hbm>> -> memref<10000x128xf32, #tpu.memory_space<hbm>>
      tpu.wait_indirect_dma semaphore(%arg30 : memref<!tpu.dma_semaphore, #tpu.memory_space<semaphore_mem>>) src(%dma_wait3A_189 : memref<10000x128xf32, #tpu.memory_space<hbm>>) dst(%arg19 : memref<40x128xf32, #tpu.memory_space<vmem>>)
      %dma_start3A_190 = arith.constant 0 : i32
      %dma_start3A_191 = tpu.memref_slice %arg6[%add3A_183, %dma_start3A_190] : memref<160000x128xf32, #tpu.memory_space<hbm>> -> memref<40x128xf32, #tpu.memory_space<hbm>>
      %dma_start3A_192 = arith.constant 0 : i32
      %dma_start3A_193 = tpu.memref_slice %arg6[%add3A_183, %dma_start3A_192] : memref<160000x128xf32, #tpu.memory_space<hbm>> -> memref<40x128xf32, #tpu.memory_space<hbm>>
      tpu.enqueue_dma source(%arg18 : memref<40x128xf32, #tpu.memory_space<vmem>>) target(%dma_start3A_193 : memref<40x128xf32, #tpu.memory_space<hbm>>) target_semaphore(%arg34 : memref<!tpu.dma_semaphore, #tpu.memory_space<semaphore_mem>>)
      %dma_start3A_194 = arith.constant 0 : i32
      %dma_start3A_195 = tpu.memref_slice %arg7[%add3A_183, %dma_start3A_194] : memref<160000x128xf32, #tpu.memory_space<hbm>> -> memref<40x128xf32, #tpu.memory_space<hbm>>
      %dma_start3A_196 = arith.constant 0 : i32
      %dma_start3A_197 = tpu.memref_slice %arg7[%add3A_183, %dma_start3A_196] : memref<160000x128xf32, #tpu.memory_space<hbm>> -> memref<40x128xf32, #tpu.memory_space<hbm>>
      tpu.enqueue_dma source(%arg19 : memref<40x128xf32, #tpu.memory_space<vmem>>) target(%dma_start3A_197 : memref<40x128xf32, #tpu.memory_space<hbm>>) target_semaphore(%arg34 : memref<!tpu.dma_semaphore, #tpu.memory_space<semaphore_mem>>)
      %mul3A_198 = arith.constant 5000 : i32
      %mul3A_199 = arith.muli %add3A, %mul3A_198 : i32
      %add3A_200 = arith.constant 3 : i32
      %add3A_201 = arith.addi %add3A_34, %add3A_200 : i32
      %mul3A_202 = arith.constant 40 : i32
      %mul3A_203 = arith.muli %add3A_201, %mul3A_202 : i32
      %add3A_204 = arith.addi %mul3A_199, %mul3A_203 : i32
      %dma_wait3A_205 = arith.constant 0 : i32
      %dma_wait3A_206 = arith.constant 0 : i32
      %dma_wait3A_207 = tpu.memref_slice %arg2[%dma_wait3A_205, %dma_wait3A_206] : memref<10000x128xf32, #tpu.memory_space<hbm>> -> memref<10000x128xf32, #tpu.memory_space<hbm>>
      tpu.wait_indirect_dma semaphore(%arg31 : memref<!tpu.dma_semaphore, #tpu.memory_space<semaphore_mem>>) src(%dma_wait3A_207 : memref<10000x128xf32, #tpu.memory_space<hbm>>) dst(%arg22 : memref<40x128xf32, #tpu.memory_space<vmem>>)
      %dma_wait3A_208 = arith.constant 0 : i32
      %dma_wait3A_209 = arith.constant 0 : i32
      %dma_wait3A_210 = tpu.memref_slice %arg3[%dma_wait3A_208, %dma_wait3A_209] : memref<10000x128xf32, #tpu.memory_space<hbm>> -> memref<10000x128xf32, #tpu.memory_space<hbm>>
      tpu.wait_indirect_dma semaphore(%arg31 : memref<!tpu.dma_semaphore, #tpu.memory_space<semaphore_mem>>) src(%dma_wait3A_210 : memref<10000x128xf32, #tpu.memory_space<hbm>>) dst(%arg23 : memref<40x128xf32, #tpu.memory_space<vmem>>)
      %dma_start3A_211 = arith.constant 0 : i32
      %dma_start3A_212 = tpu.memref_slice %arg6[%add3A_204, %dma_start3A_211] : memref<160000x128xf32, #tpu.memory_space<hbm>> -> memref<40x128xf32, #tpu.memory_space<hbm>>
      %dma_start3A_213 = arith.constant 0 : i32
      %dma_start3A_214 = tpu.memref_slice %arg6[%add3A_204, %dma_start3A_213] : memref<160000x128xf32, #tpu.memory_space<hbm>> -> memref<40x128xf32, #tpu.memory_space<hbm>>
      tpu.enqueue_dma source(%arg22 : memref<40x128xf32, #tpu.memory_space<vmem>>) target(%dma_start3A_214 : memref<40x128xf32, #tpu.memory_space<hbm>>) target_semaphore(%arg35 : memref<!tpu.dma_semaphore, #tpu.memory_space<semaphore_mem>>)
      %dma_start3A_215 = arith.constant 0 : i32
      %dma_start3A_216 = tpu.memref_slice %arg7[%add3A_204, %dma_start3A_215] : memref<160000x128xf32, #tpu.memory_space<hbm>> -> memref<40x128xf32, #tpu.memory_space<hbm>>
      %dma_start3A_217 = arith.constant 0 : i32
      %dma_start3A_218 = tpu.memref_slice %arg7[%add3A_204, %dma_start3A_217] : memref<160000x128xf32, #tpu.memory_space<hbm>> -> memref<40x128xf32, #tpu.memory_space<hbm>>
      tpu.enqueue_dma source(%arg23 : memref<40x128xf32, #tpu.memory_space<vmem>>) target(%dma_start3A_218 : memref<40x128xf32, #tpu.memory_space<hbm>>) target_semaphore(%arg35 : memref<!tpu.dma_semaphore, #tpu.memory_space<semaphore_mem>>)
      %dma_wait3A_219 = arith.constant 0 : i32
      %dma_wait3A_220 = tpu.memref_slice %arg6[%add3A_141, %dma_wait3A_219] : memref<160000x128xf32, #tpu.memory_space<hbm>> -> memref<40x128xf32, #tpu.memory_space<hbm>>
      %dma_wait3A_221 = arith.constant 0 : i32
      %dma_wait3A_222 = tpu.memref_slice %arg6[%add3A_141, %dma_wait3A_221] : memref<160000x128xf32, #tpu.memory_space<hbm>> -> memref<40x128xf32, #tpu.memory_space<hbm>>
      tpu.wait_dma2 semaphore(%arg32 : memref<!tpu.dma_semaphore, #tpu.memory_space<semaphore_mem>>) src(%arg10 : memref<40x128xf32, #tpu.memory_space<vmem>>) dst(%dma_wait3A_222 : memref<40x128xf32, #tpu.memory_space<hbm>>)
      %dma_wait3A_223 = arith.constant 0 : i32
      %dma_wait3A_224 = tpu.memref_slice %arg7[%add3A_141, %dma_wait3A_223] : memref<160000x128xf32, #tpu.memory_space<hbm>> -> memref<40x128xf32, #tpu.memory_space<hbm>>
      %dma_wait3A_225 = arith.constant 0 : i32
      %dma_wait3A_226 = tpu.memref_slice %arg7[%add3A_141, %dma_wait3A_225] : memref<160000x128xf32, #tpu.memory_space<hbm>> -> memref<40x128xf32, #tpu.memory_space<hbm>>
      tpu.wait_dma2 semaphore(%arg32 : memref<!tpu.dma_semaphore, #tpu.memory_space<semaphore_mem>>) src(%arg11 : memref<40x128xf32, #tpu.memory_space<vmem>>) dst(%dma_wait3A_226 : memref<40x128xf32, #tpu.memory_space<hbm>>)
      %dma_wait3A_227 = arith.constant 0 : i32
      %dma_wait3A_228 = tpu.memref_slice %arg6[%add3A_162, %dma_wait3A_227] : memref<160000x128xf32, #tpu.memory_space<hbm>> -> memref<40x128xf32, #tpu.memory_space<hbm>>
      %dma_wait3A_229 = arith.constant 0 : i32
      %dma_wait3A_230 = tpu.memref_slice %arg6[%add3A_162, %dma_wait3A_229] : memref<160000x128xf32, #tpu.memory_space<hbm>> -> memref<40x128xf32, #tpu.memory_space<hbm>>
      tpu.wait_dma2 semaphore(%arg33 : memref<!tpu.dma_semaphore, #tpu.memory_space<semaphore_mem>>) src(%arg14 : memref<40x128xf32, #tpu.memory_space<vmem>>) dst(%dma_wait3A_230 : memref<40x128xf32, #tpu.memory_space<hbm>>)
      %dma_wait3A_231 = arith.constant 0 : i32
      %dma_wait3A_232 = tpu.memref_slice %arg7[%add3A_162, %dma_wait3A_231] : memref<160000x128xf32, #tpu.memory_space<hbm>> -> memref<40x128xf32, #tpu.memory_space<hbm>>
      %dma_wait3A_233 = arith.constant 0 : i32
      %dma_wait3A_234 = tpu.memref_slice %arg7[%add3A_162, %dma_wait3A_233] : memref<160000x128xf32, #tpu.memory_space<hbm>> -> memref<40x128xf32, #tpu.memory_space<hbm>>
      tpu.wait_dma2 semaphore(%arg33 : memref<!tpu.dma_semaphore, #tpu.memory_space<semaphore_mem>>) src(%arg15 : memref<40x128xf32, #tpu.memory_space<vmem>>) dst(%dma_wait3A_234 : memref<40x128xf32, #tpu.memory_space<hbm>>)
      %dma_wait3A_235 = arith.constant 0 : i32
      %dma_wait3A_236 = tpu.memref_slice %arg6[%add3A_183, %dma_wait3A_235] : memref<160000x128xf32, #tpu.memory_space<hbm>> -> memref<40x128xf32, #tpu.memory_space<hbm>>
      %dma_wait3A_237 = arith.constant 0 : i32
      %dma_wait3A_238 = tpu.memref_slice %arg6[%add3A_183, %dma_wait3A_237] : memref<160000x128xf32, #tpu.memory_space<hbm>> -> memref<40x128xf32, #tpu.memory_space<hbm>>
      tpu.wait_dma2 semaphore(%arg34 : memref<!tpu.dma_semaphore, #tpu.memory_space<semaphore_mem>>) src(%arg18 : memref<40x128xf32, #tpu.memory_space<vmem>>) dst(%dma_wait3A_238 : memref<40x128xf32, #tpu.memory_space<hbm>>)
      %dma_wait3A_239 = arith.constant 0 : i32
      %dma_wait3A_240 = tpu.memref_slice %arg7[%add3A_183, %dma_wait3A_239] : memref<160000x128xf32, #tpu.memory_space<hbm>> -> memref<40x128xf32, #tpu.memory_space<hbm>>
      %dma_wait3A_241 = arith.constant 0 : i32
      %dma_wait3A_242 = tpu.memref_slice %arg7[%add3A_183, %dma_wait3A_241] : memref<160000x128xf32, #tpu.memory_space<hbm>> -> memref<40x128xf32, #tpu.memory_space<hbm>>
      tpu.wait_dma2 semaphore(%arg34 : memref<!tpu.dma_semaphore, #tpu.memory_space<semaphore_mem>>) src(%arg19 : memref<40x128xf32, #tpu.memory_space<vmem>>) dst(%dma_wait3A_242 : memref<40x128xf32, #tpu.memory_space<hbm>>)
      %dma_wait3A_243 = arith.constant 0 : i32
      %dma_wait3A_244 = tpu.memref_slice %arg6[%add3A_204, %dma_wait3A_243] : memref<160000x128xf32, #tpu.memory_space<hbm>> -> memref<40x128xf32, #tpu.memory_space<hbm>>
      %dma_wait3A_245 = arith.constant 0 : i32
      %dma_wait3A_246 = tpu.memref_slice %arg6[%add3A_204, %dma_wait3A_245] : memref<160000x128xf32, #tpu.memory_space<hbm>> -> memref<40x128xf32, #tpu.memory_space<hbm>>
      tpu.wait_dma2 semaphore(%arg35 : memref<!tpu.dma_semaphore, #tpu.memory_space<semaphore_mem>>) src(%arg22 : memref<40x128xf32, #tpu.memory_space<vmem>>) dst(%dma_wait3A_246 : memref<40x128xf32, #tpu.memory_space<hbm>>)
      %dma_wait3A_247 = arith.constant 0 : i32
      %dma_wait3A_248 = tpu.memref_slice %arg7[%add3A_204, %dma_wait3A_247] : memref<160000x128xf32, #tpu.memory_space<hbm>> -> memref<40x128xf32, #tpu.memory_space<hbm>>
      %dma_wait3A_249 = arith.constant 0 : i32
      %dma_wait3A_250 = tpu.memref_slice %arg7[%add3A_204, %dma_wait3A_249] : memref<160000x128xf32, #tpu.memory_space<hbm>> -> memref<40x128xf32, #tpu.memory_space<hbm>>
      tpu.wait_dma2 semaphore(%arg35 : memref<!tpu.dma_semaphore, #tpu.memory_space<semaphore_mem>>) src(%arg23 : memref<40x128xf32, #tpu.memory_space<vmem>>) dst(%dma_wait3A_250 : memref<40x128xf32, #tpu.memory_space<hbm>>)
    }
    %scan3A_4 = arith.constant 31 : i32
    %scan3A_5 = arith.constant 0 : i32
    %mul3A_6 = arith.constant 1 : i32
    %mul3A_7 = arith.muli %scan3A_5, %mul3A_6 : i32
    %add3A_8 = arith.constant 124 : i32
    %add3A_9 = arith.addi %add3A_8, %mul3A_7 : i32
    %mul3A_10 = arith.constant 5000 : i32
    %mul3A_11 = arith.muli %add3A, %mul3A_10 : i32
    %mul3A_12 = arith.constant 40 : i32
    %mul3A_13 = arith.muli %add3A_9, %mul3A_12 : i32
    %add3A_14 = arith.addi %mul3A_11, %mul3A_13 : i32
    %add3A_15 = arith.constant 0 : i32
    %add3A_16 = arith.addi %add3A_15, %add3A_14 : i32
    "tpu.region"() ({
      %run_scoped3A = tpu.sem_alloc : memref<!tpu.dma_semaphore, #tpu.memory_space<semaphore_mem>>
      %dma_start3A_30 = tpu.memref_slice %arg4[%add3A_16] : memref<320000xi32, #tpu.memory_space<hbm>> -> memref<40xi32, #tpu.memory_space<hbm>>
      %dma_start3A_31 = tpu.memref_slice %arg4[%add3A_16] : memref<320000xi32, #tpu.memory_space<hbm>> -> memref<40xi32, #tpu.memory_space<hbm>>
      tpu.enqueue_dma source(%dma_start3A_31 : memref<40xi32, #tpu.memory_space<hbm>>) target(%arg8 : memref<40xi32, #tpu.memory_space<vmem>>) target_semaphore(%run_scoped3A : memref<!tpu.dma_semaphore, #tpu.memory_space<semaphore_mem>>)
      %dma_wait3A_32 = tpu.memref_slice %arg4[%add3A_16] : memref<320000xi32, #tpu.memory_space<hbm>> -> memref<40xi32, #tpu.memory_space<hbm>>
      %dma_wait3A_33 = tpu.memref_slice %arg4[%add3A_16] : memref<320000xi32, #tpu.memory_space<hbm>> -> memref<40xi32, #tpu.memory_space<hbm>>
      tpu.wait_dma2 semaphore(%run_scoped3A : memref<!tpu.dma_semaphore, #tpu.memory_space<semaphore_mem>>) src(%dma_wait3A_33 : memref<40xi32, #tpu.memory_space<hbm>>) dst(%arg8 : memref<40xi32, #tpu.memory_space<vmem>>)
      tpu.yield
    }) : () -> ()
    %add3A_17 = arith.constant 0 : i32
    %add3A_18 = arith.addi %add3A_17, %add3A_14 : i32
    "tpu.region"() ({
      %run_scoped3A = tpu.sem_alloc : memref<!tpu.dma_semaphore, #tpu.memory_space<semaphore_mem>>
      %dma_start3A_30 = tpu.memref_slice %arg5[%add3A_18] : memref<320000xi32, #tpu.memory_space<hbm>> -> memref<40xi32, #tpu.memory_space<hbm>>
      %dma_start3A_31 = tpu.memref_slice %arg5[%add3A_18] : memref<320000xi32, #tpu.memory_space<hbm>> -> memref<40xi32, #tpu.memory_space<hbm>>
      tpu.enqueue_dma source(%dma_start3A_31 : memref<40xi32, #tpu.memory_space<hbm>>) target(%arg9 : memref<40xi32, #tpu.memory_space<vmem>>) target_semaphore(%run_scoped3A : memref<!tpu.dma_semaphore, #tpu.memory_space<semaphore_mem>>)
      %dma_wait3A_32 = tpu.memref_slice %arg5[%add3A_18] : memref<320000xi32, #tpu.memory_space<hbm>> -> memref<40xi32, #tpu.memory_space<hbm>>
      %dma_wait3A_33 = tpu.memref_slice %arg5[%add3A_18] : memref<320000xi32, #tpu.memory_space<hbm>> -> memref<40xi32, #tpu.memory_space<hbm>>
      tpu.wait_dma2 semaphore(%run_scoped3A : memref<!tpu.dma_semaphore, #tpu.memory_space<semaphore_mem>>) src(%dma_wait3A_33 : memref<40xi32, #tpu.memory_space<hbm>>) dst(%arg9 : memref<40xi32, #tpu.memory_space<vmem>>)
      tpu.yield
    }) : () -> ()
    %dma_start3A = arith.constant 0 : i32
    %dma_start3A_19 = arith.constant 0 : i32
    %dma_start3A_20 = tpu.memref_slice %arg2[%dma_start3A, %dma_start3A_19] : memref<10000x128xf32, #tpu.memory_space<hbm>> -> memref<10000x128xf32, #tpu.memory_space<hbm>>
    tpu.enqueue_indirect_dma source(%dma_start3A_20 : memref<10000x128xf32, #tpu.memory_space<hbm>>) target(%arg10 : memref<40x128xf32, #tpu.memory_space<vmem>>) offsets(%arg8 : memref<40xi32, #tpu.memory_space<vmem>>) semaphore(%arg28 : memref<!tpu.dma_semaphore, #tpu.memory_space<semaphore_mem>>)
    %dma_start3A_21 = arith.constant 0 : i32
    %dma_start3A_22 = arith.constant 0 : i32
    %dma_start3A_23 = tpu.memref_slice %arg3[%dma_start3A_21, %dma_start3A_22] : memref<10000x128xf32, #tpu.memory_space<hbm>> -> memref<10000x128xf32, #tpu.memory_space<hbm>>
    tpu.enqueue_indirect_dma source(%dma_start3A_23 : memref<10000x128xf32, #tpu.memory_space<hbm>>) target(%arg11 : memref<40x128xf32, #tpu.memory_space<vmem>>) offsets(%arg9 : memref<40xi32, #tpu.memory_space<vmem>>) semaphore(%arg28 : memref<!tpu.dma_semaphore, #tpu.memory_space<semaphore_mem>>)
    %dma_wait3A = arith.constant 0 : i32
    %dma_wait3A_24 = arith.constant 0 : i32
    %dma_wait3A_25 = tpu.memref_slice %arg2[%dma_wait3A, %dma_wait3A_24] : memref<10000x128xf32, #tpu.memory_space<hbm>> -> memref<10000x128xf32, #tpu.memory_space<hbm>>
    tpu.wait_indirect_dma semaphore(%arg28 : memref<!tpu.dma_semaphore, #tpu.memory_space<semaphore_mem>>) src(%dma_wait3A_25 : memref<10000x128xf32, #tpu.memory_space<hbm>>) dst(%arg10 : memref<40x128xf32, #tpu.memory_space<vmem>>)
    %dma_wait3A_26 = arith.constant 0 : i32
    %dma_wait3A_27 = arith.constant 0 : i32
    %dma_wait3A_28 = tpu.memref_slice %arg3[%dma_wait3A_26, %dma_wait3A_27] : memref<10000x128xf32, #tpu.memory_space<hbm>> -> memref<10000x128xf32, #tpu.memory_space<hbm>>
    tpu.wait_indirect_dma semaphore(%arg28 : memref<!tpu.dma_semaphore, #tpu.memory_space<semaphore_mem>>) src(%dma_wait3A_28 : memref<10000x128xf32, #tpu.memory_space<hbm>>) dst(%arg11 : memref<40x128xf32, #tpu.memory_space<vmem>>)
    "tpu.region"() ({
      %run_scoped3A = tpu.sem_alloc : memref<!tpu.dma_semaphore, #tpu.memory_space<semaphore_mem>>
      %dma_start3A_30 = arith.constant 0 : i32
      %dma_start3A_31 = tpu.memref_slice %arg6[%add3A_14, %dma_start3A_30] : memref<160000x128xf32, #tpu.memory_space<hbm>> -> memref<40x128xf32, #tpu.memory_space<hbm>>
      %dma_start3A_32 = arith.constant 0 : i32
      %dma_start3A_33 = tpu.memref_slice %arg6[%add3A_14, %dma_start3A_32] : memref<160000x128xf32, #tpu.memory_space<hbm>> -> memref<40x128xf32, #tpu.memory_space<hbm>>
      tpu.enqueue_dma source(%arg10 : memref<40x128xf32, #tpu.memory_space<vmem>>) target(%dma_start3A_33 : memref<40x128xf32, #tpu.memory_space<hbm>>) target_semaphore(%run_scoped3A : memref<!tpu.dma_semaphore, #tpu.memory_space<semaphore_mem>>)
      %dma_wait3A_34 = arith.constant 0 : i32
      %dma_wait3A_35 = tpu.memref_slice %arg6[%add3A_14, %dma_wait3A_34] : memref<160000x128xf32, #tpu.memory_space<hbm>> -> memref<40x128xf32, #tpu.memory_space<hbm>>
      %dma_wait3A_36 = arith.constant 0 : i32
      %dma_wait3A_37 = tpu.memref_slice %arg6[%add3A_14, %dma_wait3A_36] : memref<160000x128xf32, #tpu.memory_space<hbm>> -> memref<40x128xf32, #tpu.memory_space<hbm>>
      tpu.wait_dma2 semaphore(%run_scoped3A : memref<!tpu.dma_semaphore, #tpu.memory_space<semaphore_mem>>) src(%arg10 : memref<40x128xf32, #tpu.memory_space<vmem>>) dst(%dma_wait3A_37 : memref<40x128xf32, #tpu.memory_space<hbm>>)
      tpu.yield
    }) : () -> ()
    "tpu.region"() ({
      %run_scoped3A = tpu.sem_alloc : memref<!tpu.dma_semaphore, #tpu.memory_space<semaphore_mem>>
      %dma_start3A_30 = arith.constant 0 : i32
      %dma_start3A_31 = tpu.memref_slice %arg7[%add3A_14, %dma_start3A_30] : memref<160000x128xf32, #tpu.memory_space<hbm>> -> memref<40x128xf32, #tpu.memory_space<hbm>>
      %dma_start3A_32 = arith.constant 0 : i32
      %dma_start3A_33 = tpu.memref_slice %arg7[%add3A_14, %dma_start3A_32] : memref<160000x128xf32, #tpu.memory_space<hbm>> -> memref<40x128xf32, #tpu.memory_space<hbm>>
      tpu.enqueue_dma source(%arg11 : memref<40x128xf32, #tpu.memory_space<vmem>>) target(%dma_start3A_33 : memref<40x128xf32, #tpu.memory_space<hbm>>) target_semaphore(%run_scoped3A : memref<!tpu.dma_semaphore, #tpu.memory_space<semaphore_mem>>)
      %dma_wait3A_34 = arith.constant 0 : i32
      %dma_wait3A_35 = tpu.memref_slice %arg7[%add3A_14, %dma_wait3A_34] : memref<160000x128xf32, #tpu.memory_space<hbm>> -> memref<40x128xf32, #tpu.memory_space<hbm>>
      %dma_wait3A_36 = arith.constant 0 : i32
      %dma_wait3A_37 = tpu.memref_slice %arg7[%add3A_14, %dma_wait3A_36] : memref<160000x128xf32, #tpu.memory_space<hbm>> -> memref<40x128xf32, #tpu.memory_space<hbm>>
      tpu.wait_dma2 semaphore(%run_scoped3A : memref<!tpu.dma_semaphore, #tpu.memory_space<semaphore_mem>>) src(%arg11 : memref<40x128xf32, #tpu.memory_space<vmem>>) dst(%dma_wait3A_37 : memref<40x128xf32, #tpu.memory_space<hbm>>)
      tpu.yield
    }) : () -> ()
    %scan3A_29 = arith.constant 1 : i32
    return
  }
}

module attributes {stable_mosaic.version = 14 : i64} {
  func.func @_proj_body(%arg0: i32, %arg1: memref<2000x128xf32, #tpu.memory_space<vmem>>, %arg2: memref<128x128xbf16, #tpu.memory_space<vmem>>, %arg3: memref<128x128xbf16, #tpu.memory_space<vmem>>, %arg4: memref<1x128xf32, #tpu.memory_space<vmem>>, %arg5: memref<2000x128xf32, #tpu.memory_space<vmem>>, %arg6: memref<2000x128xf32, #tpu.memory_space<vmem>>) attributes {dimension_semantics = [#tpu.dimension_semantics<arbitrary>], iteration_bounds = array<i64: 5>, scalar_prefetch = 0 : i64, scratch_operands = 0 : i64, tpu.core_type = #tpu.core_type<tc>, window_params = [{transform_indices = @transform_0, window_bounds = array<i64: 2000, 128>}, {pipeline_mode = #tpu.pipeline_mode<synchronous>, transform_indices = @transform_1, window_bounds = array<i64: 128, 128>}, {pipeline_mode = #tpu.pipeline_mode<synchronous>, transform_indices = @transform_2, window_bounds = array<i64: 128, 128>}, {pipeline_mode = #tpu.pipeline_mode<synchronous>, transform_indices = @transform_3, window_bounds = array<i64: 1, 128>}, {transform_indices = @transform_4, window_bounds = array<i64: 2000, 128>}, {transform_indices = @transform_5, window_bounds = array<i64: 2000, 128>}]} {
    %get3A = arith.constant 0 : index
    %get3A_0 = arith.constant 0 : index
    %get3A_1 = vector.load %arg1[%get3A, %get3A_0] : memref<2000x128xf32, #tpu.memory_space<vmem>>, vector<2000x128xf32>
    %convert_element_type3A = arith.truncf %get3A_1 : vector<2000x128xf32> to vector<2000x128xbf16>
    %get3A_2 = arith.constant 0 : index
    %get3A_3 = arith.constant 0 : index
    %get3A_4 = vector.load %arg2[%get3A_2, %get3A_3] : memref<128x128xbf16, #tpu.memory_space<vmem>>, vector<128x128xbf16>
    %dot_general3A = arith.constant dense<0.000000e+00> : vector<2000x128xf32>
    %dot_general3A_5 = tpu.matmul %convert_element_type3A, %get3A_4, %dot_general3A {dimension_numbers = #tpu.dot_dimension_numbers<[1], [0], [0], [1], [0, 0, 1, 1], [], []>, transpose_lhs_hint = false} : vector<2000x128xbf16>, vector<128x128xbf16>, vector<2000x128xf32> -> vector<2000x128xf32>
    %get3A_6 = arith.constant 0 : index
    %get3A_7 = arith.constant 0 : index
    %get3A_8 = vector.load %arg4[%get3A_6, %get3A_7] : memref<1x128xf32, #tpu.memory_space<vmem>>, vector<1x128xf32>
    %add3A = vector.broadcast %get3A_8 : vector<1x128xf32> to vector<2000x128xf32>
    %add3A_9 = arith.addf %dot_general3A_5, %add3A : vector<2000x128xf32>
    %swap3A = arith.constant 0 : index
    %swap3A_10 = arith.constant 0 : index
    %swap3A_11 = vector.load %arg5[%swap3A, %swap3A_10] : memref<2000x128xf32, #tpu.memory_space<vmem>>, vector<2000x128xf32>
    tpu.vector_store %arg5[%swap3A, %swap3A_10], %add3A_9 {strides = array<i32>} : memref<2000x128xf32, #tpu.memory_space<vmem>>, vector<2000x128xf32>,
    %get3A_12 = arith.constant 0 : index
    %get3A_13 = arith.constant 0 : index
    %get3A_14 = vector.load %arg3[%get3A_12, %get3A_13] : memref<128x128xbf16, #tpu.memory_space<vmem>>, vector<128x128xbf16>
    %dot_general3A_15 = arith.constant dense<0.000000e+00> : vector<2000x128xf32>
    %dot_general3A_16 = tpu.matmul %convert_element_type3A, %get3A_14, %dot_general3A_15 {dimension_numbers = #tpu.dot_dimension_numbers<[1], [0], [0], [1], [0, 0, 1, 1], [], []>, transpose_lhs_hint = false} : vector<2000x128xbf16>, vector<128x128xbf16>, vector<2000x128xf32> -> vector<2000x128xf32>
    %swap3A_17 = arith.constant 0 : index
    %swap3A_18 = arith.constant 0 : index
    %swap3A_19 = vector.load %arg6[%swap3A_17, %swap3A_18] : memref<2000x128xf32, #tpu.memory_space<vmem>>, vector<2000x128xf32>
    tpu.vector_store %arg6[%swap3A_17, %swap3A_18], %dot_general3A_16 {strides = array<i32>} : memref<2000x128xf32, #tpu.memory_space<vmem>>, vector<2000x128xf32>,
    return
  }
  func.func @transform_0(%arg0: i32) -> (i32, i32) {
    %c0_i32 = arith.constant 0 : i32
    %c0_i32_0 = arith.constant 0 : i32
    return %arg0, %c0_i32 : i32, i32
  }
  func.func @transform_1(%arg0: i32) -> (i32, i32) {
    %c0_i32 = arith.constant 0 : i32
    %c0_i32_0 = arith.constant 0 : i32
    %c0_i32_1 = arith.constant 0 : i32
    return %c0_i32, %c0_i32_0 : i32, i32
  }
  func.func @transform_2(%arg0: i32) -> (i32, i32) {
    %c0_i32 = arith.constant 0 : i32
    %c0_i32_0 = arith.constant 0 : i32
    %c0_i32_1 = arith.constant 0 : i32
    return %c0_i32, %c0_i32_0 : i32, i32
  }
  func.func @transform_3(%arg0: i32) -> (i32, i32) {
    %c0_i32 = arith.constant 0 : i32
    %c0_i32_0 = arith.constant 0 : i32
    %c0_i32_1 = arith.constant 0 : i32
    return %c0_i32, %c0_i32_0 : i32, i32
  }
  func.func @transform_4(%arg0: i32) -> (i32, i32) {
    %c0_i32 = arith.constant 0 : i32
    %c0_i32_0 = arith.constant 0 : i32
    return %arg0, %c0_i32 : i32, i32
  }
  func.func @transform_5(%arg0: i32) -> (i32, i32) {
    %c0_i32 = arith.constant 0 : i32
    %c0_i32_0 = arith.constant 0 : i32
    return %arg0, %c0_i32 : i32, i32
  }
}

module attributes {stable_mosaic.version = 14 : i64} {
  func.func @_mlp_body(%arg0: i32, %arg1: memref<6400x128xf32, #tpu.memory_space<vmem>>, %arg2: memref<6400x128xf32, #tpu.memory_space<vmem>>, %arg3: memref<6400x1xf32, #tpu.memory_space<vmem>>, %arg4: memref<3x6400xf32, #tpu.memory_space<vmem>>, %arg5: memref<1x128xf32, #tpu.memory_space<vmem>>, %arg6: memref<128x128xbf16, #tpu.memory_space<vmem>>, %arg7: memref<1x128xf32, #tpu.memory_space<vmem>>, %arg8: memref<1x128xbf16, #tpu.memory_space<vmem>>, %arg9: memref<160000xf32, #tpu.memory_space<vmem>>, %arg10: memref<160000xf32, #tpu.memory_space<vmem>>, %arg11: memref<160000xf32, #tpu.memory_space<vmem>>) attributes {dimension_semantics = [#tpu.dimension_semantics<arbitrary>], iteration_bounds = array<i64: 25>, scalar_prefetch = 0 : i64, scratch_operands = 0 : i64, tpu.core_type = #tpu.core_type<tc>, window_params = [{transform_indices = @transform_0, window_bounds = array<i64: 6400, 128>}, {transform_indices = @transform_1, window_bounds = array<i64: 6400, 128>}, {transform_indices = @transform_2, window_bounds = array<i64: 6400, 1>}, {transform_indices = @transform_3, window_bounds = array<i64: 3, 6400>}, {pipeline_mode = #tpu.pipeline_mode<synchronous>, transform_indices = @transform_4, window_bounds = array<i64: 1, 128>}, {pipeline_mode = #tpu.pipeline_mode<synchronous>, transform_indices = @transform_5, window_bounds = array<i64: 128, 128>}, {pipeline_mode = #tpu.pipeline_mode<synchronous>, transform_indices = @transform_6, window_bounds = array<i64: 1, 128>}, {pipeline_mode = #tpu.pipeline_mode<synchronous>, transform_indices = @transform_7, window_bounds = array<i64: 1, 128>}, {pipeline_mode = #tpu.pipeline_mode<synchronous>, transform_indices = @transform_8, window_bounds = array<i64: 160000>}, {pipeline_mode = #tpu.pipeline_mode<synchronous>, transform_indices = @transform_9, window_bounds = array<i64: 160000>}, {pipeline_mode = #tpu.pipeline_mode<synchronous>, transform_indices = @transform_10, window_bounds = array<i64: 160000>}]} {
    %get3A = arith.constant 0 : index
    %get3A_0 = arith.constant 0 : index
    %get3A_1 = vector.load %arg1[%get3A, %get3A_0] : memref<6400x128xf32, #tpu.memory_space<vmem>>, vector<6400x128xf32>
    %get3A_2 = arith.constant 0 : index
    %get3A_3 = arith.constant 0 : index
    %get3A_4 = vector.load %arg2[%get3A_2, %get3A_3] : memref<6400x128xf32, #tpu.memory_space<vmem>>, vector<6400x128xf32>
    %add3A = arith.addf %get3A_1, %get3A_4 : vector<6400x128xf32>
    %get3A_5 = arith.constant 0 : index
    %get3A_6 = arith.constant 0 : index
    %get3A_7 = vector.load %arg3[%get3A_5, %get3A_6] : memref<6400x1xf32, #tpu.memory_space<vmem>>, vector<6400x1xf32>
    %get3A_8 = arith.constant 0 : index
    %get3A_9 = arith.constant 0 : index
    %get3A_10 = vector.load %arg5[%get3A_8, %get3A_9] : memref<1x128xf32, #tpu.memory_space<vmem>>, vector<1x128xf32>
    %mul3A = vector.broadcast %get3A_7 : vector<6400x1xf32> to vector<6400x128xf32>
    %mul3A_11 = vector.broadcast %get3A_10 : vector<1x128xf32> to vector<6400x128xf32>
    %mul3A_12 = arith.mulf %mul3A, %mul3A_11 : vector<6400x128xf32>
    %add3A_13 = arith.addf %add3A, %mul3A_12 : vector<6400x128xf32>
    %logistic3A = arith.negf %add3A_13 : vector<6400x128xf32>
    %logistic3A_14 = math.exp %logistic3A : vector<6400x128xf32>
    %logistic3A_15 = arith.constant 1.000000e+00 : f32
    %logistic3A_16 = vector.broadcast %logistic3A_15 : f32 to vector<6400x128xf32>
    %logistic3A_17 = arith.addf %logistic3A_16, %logistic3A_14 : vector<6400x128xf32>
    %logistic3A_18 = arith.divf %logistic3A_16, %logistic3A_17 : vector<6400x128xf32>
    %mul3A_19 = arith.mulf %add3A_13, %logistic3A_18 : vector<6400x128xf32>
    %convert_element_type3A = arith.truncf %mul3A_19 : vector<6400x128xf32> to vector<6400x128xbf16>
    %get3A_20 = arith.constant 0 : index
    %get3A_21 = arith.constant 0 : index
    %get3A_22 = vector.load %arg6[%get3A_20, %get3A_21] : memref<128x128xbf16, #tpu.memory_space<vmem>>, vector<128x128xbf16>
    %dot_general3A = arith.constant dense<0.000000e+00> : vector<6400x128xf32>
    %dot_general3A_23 = tpu.matmul %convert_element_type3A, %get3A_22, %dot_general3A {dimension_numbers = #tpu.dot_dimension_numbers<[1], [0], [0], [1], [0, 0, 1, 1], [], []>, transpose_lhs_hint = false} : vector<6400x128xbf16>, vector<128x128xbf16>, vector<6400x128xf32> -> vector<6400x128xf32>
    %get3A_24 = arith.constant 0 : index
    %get3A_25 = arith.constant 0 : index
    %get3A_26 = vector.load %arg7[%get3A_24, %get3A_25] : memref<1x128xf32, #tpu.memory_space<vmem>>, vector<1x128xf32>
    %add3A_27 = vector.broadcast %get3A_26 : vector<1x128xf32> to vector<6400x128xf32>
    %add3A_28 = arith.addf %dot_general3A_23, %add3A_27 : vector<6400x128xf32>
    %logistic3A_29 = arith.negf %add3A_28 : vector<6400x128xf32>
    %logistic3A_30 = math.exp %logistic3A_29 : vector<6400x128xf32>
    %logistic3A_31 = arith.constant 1.000000e+00 : f32
    %logistic3A_32 = vector.broadcast %logistic3A_31 : f32 to vector<6400x128xf32>
    %logistic3A_33 = arith.addf %logistic3A_32, %logistic3A_30 : vector<6400x128xf32>
    %logistic3A_34 = arith.divf %logistic3A_32, %logistic3A_33 : vector<6400x128xf32>
    %mul3A_35 = arith.mulf %add3A_28, %logistic3A_34 : vector<6400x128xf32>
    %get3A_36 = arith.constant 0 : index
    %get3A_37 = arith.constant 0 : index
    %get3A_38 = vector.load %arg8[%get3A_36, %get3A_37] : memref<1x128xbf16, #tpu.memory_space<vmem>>, vector<1x128xbf16>
    %convert_element_type3A_39 = arith.truncf %mul3A_35 : vector<6400x128xf32> to vector<6400x128xbf16>
    %dot_general3A_40 = arith.constant dense<0.000000e+00> : vector<1x6400xf32>
    %dot_general3A_41 = tpu.matmul %get3A_38, %convert_element_type3A_39, %dot_general3A_40 {dimension_numbers = #tpu.dot_dimension_numbers<[1], [1], [0], [0], [0, 0, 1, 0], [], []>, transpose_lhs_hint = false} : vector<1x128xbf16>, vector<6400x128xbf16>, vector<1x6400xf32> -> vector<1x6400xf32>
    %get3A_42 = arith.constant 0 : index
    %get3A_43 = arith.constant 0 : index
    %get3A_44 = vector.load %arg4[%get3A_42, %get3A_43] : memref<3x6400xf32, #tpu.memory_space<vmem>>, vector<3x6400xf32>
    %mul3A_45 = vector.broadcast %dot_general3A_41 : vector<1x6400xf32> to vector<3x6400xf32>
    %mul3A_46 = arith.mulf %get3A_44, %mul3A_45 : vector<3x6400xf32>
    %mul3A_47 = arith.constant 6400 : i32
    %mul3A_48 = arith.muli %arg0, %mul3A_47 : i32
    %slice3A = vector.extract_strided_slice %mul3A_46 {offsets = [0, 0], sizes = [1, 6400], strides = [1, 1]} : vector<3x6400xf32> to vector<1x6400xf32>
    %squeeze3A = vector.shape_cast %slice3A : vector<1x6400xf32> to vector<6400xf32>
    %swap3A = arith.index_cast %mul3A_48 : i32 to index
    %swap3A_49 = vector.load %arg9[%swap3A] : memref<160000xf32, #tpu.memory_space<vmem>>, vector<6400xf32>
    tpu.vector_store %arg9[%swap3A], %squeeze3A {strides = array<i32>} : memref<160000xf32, #tpu.memory_space<vmem>>, vector<6400xf32>,
    %slice3A_50 = vector.extract_strided_slice %mul3A_46 {offsets = [1, 0], sizes = [1, 6400], strides = [1, 1]} : vector<3x6400xf32> to vector<1x6400xf32>
    %squeeze3A_51 = vector.shape_cast %slice3A_50 : vector<1x6400xf32> to vector<6400xf32>
    %swap3A_52 = arith.index_cast %mul3A_48 : i32 to index
    %swap3A_53 = vector.load %arg10[%swap3A_52] : memref<160000xf32, #tpu.memory_space<vmem>>, vector<6400xf32>
    tpu.vector_store %arg10[%swap3A_52], %squeeze3A_51 {strides = array<i32>} : memref<160000xf32, #tpu.memory_space<vmem>>, vector<6400xf32>,
    %slice3A_54 = vector.extract_strided_slice %mul3A_46 {offsets = [2, 0], sizes = [1, 6400], strides = [1, 1]} : vector<3x6400xf32> to vector<1x6400xf32>
    %squeeze3A_55 = vector.shape_cast %slice3A_54 : vector<1x6400xf32> to vector<6400xf32>
    %swap3A_56 = arith.index_cast %mul3A_48 : i32 to index
    %swap3A_57 = vector.load %arg11[%swap3A_56] : memref<160000xf32, #tpu.memory_space<vmem>>, vector<6400xf32>
    tpu.vector_store %arg11[%swap3A_56], %squeeze3A_55 {strides = array<i32>} : memref<160000xf32, #tpu.memory_space<vmem>>, vector<6400xf32>,
    return
  }
  func.func @transform_0(%arg0: i32) -> (i32, i32) {
    %c0_i32 = arith.constant 0 : i32
    %c0_i32_0 = arith.constant 0 : i32
    return %arg0, %c0_i32 : i32, i32
  }
  func.func @transform_1(%arg0: i32) -> (i32, i32) {
    %c0_i32 = arith.constant 0 : i32
    %c0_i32_0 = arith.constant 0 : i32
    return %arg0, %c0_i32 : i32, i32
  }
  func.func @transform_2(%arg0: i32) -> (i32, i32) {
    %add3A = arith.constant 25 : i32
    %add3A_0 = arith.addi %arg0, %add3A : i32
    %c0_i32 = arith.constant 0 : i32
    %c0_i32_1 = arith.constant 0 : i32
    return %add3A_0, %c0_i32 : i32, i32
  }
  func.func @transform_3(%arg0: i32) -> (i32, i32) {
    %add3A = arith.constant 25 : i32
    %add3A_0 = arith.addi %arg0, %add3A : i32
    %c0_i32 = arith.constant 0 : i32
    %c0_i32_1 = arith.constant 0 : i32
    return %c0_i32, %add3A_0 : i32, i32
  }
  func.func @transform_4(%arg0: i32) -> (i32, i32) {
    %c0_i32 = arith.constant 0 : i32
    %c0_i32_0 = arith.constant 0 : i32
    %c0_i32_1 = arith.constant 0 : i32
    return %c0_i32, %c0_i32_0 : i32, i32
  }
  func.func @transform_5(%arg0: i32) -> (i32, i32) {
    %c0_i32 = arith.constant 0 : i32
    %c0_i32_0 = arith.constant 0 : i32
    %c0_i32_1 = arith.constant 0 : i32
    return %c0_i32, %c0_i32_0 : i32, i32
  }
  func.func @transform_6(%arg0: i32) -> (i32, i32) {
    %c0_i32 = arith.constant 0 : i32
    %c0_i32_0 = arith.constant 0 : i32
    %c0_i32_1 = arith.constant 0 : i32
    return %c0_i32, %c0_i32_0 : i32, i32
  }
  func.func @transform_7(%arg0: i32) -> (i32, i32) {
    %c0_i32 = arith.constant 0 : i32
    %c0_i32_0 = arith.constant 0 : i32
    %c0_i32_1 = arith.constant 0 : i32
    return %c0_i32, %c0_i32_0 : i32, i32
  }
  func.func @transform_8(%arg0: i32) -> i32 {
    %c0_i32 = arith.constant 0 : i32
    %c0_i32_0 = arith.constant 0 : i32
    return %c0_i32 : i32
  }
  func.func @transform_9(%arg0: i32) -> i32 {
    %c0_i32 = arith.constant 0 : i32
    %c0_i32_0 = arith.constant 0 : i32
    return %c0_i32 : i32
  }
  func.func @transform_10(%arg0: i32) -> i32 {
    %c0_i32 = arith.constant 0 : i32
    %c0_i32_0 = arith.constant 0 : i32
    return %c0_i32 : i32
  }
}

module attributes {stable_mosaic.version = 14 : i64} {
  func.func @_mlp_body(%arg0: i32, %arg1: memref<6400x128xf32, #tpu.memory_space<vmem>>, %arg2: memref<6400x128xf32, #tpu.memory_space<vmem>>, %arg3: memref<6400x1xf32, #tpu.memory_space<vmem>>, %arg4: memref<3x6400xf32, #tpu.memory_space<vmem>>, %arg5: memref<1x128xf32, #tpu.memory_space<vmem>>, %arg6: memref<128x128xbf16, #tpu.memory_space<vmem>>, %arg7: memref<1x128xf32, #tpu.memory_space<vmem>>, %arg8: memref<1x128xbf16, #tpu.memory_space<vmem>>, %arg9: memref<160000xf32, #tpu.memory_space<vmem>>, %arg10: memref<160000xf32, #tpu.memory_space<vmem>>, %arg11: memref<160000xf32, #tpu.memory_space<vmem>>) attributes {dimension_semantics = [#tpu.dimension_semantics<arbitrary>], iteration_bounds = array<i64: 25>, scalar_prefetch = 0 : i64, scratch_operands = 0 : i64, tpu.core_type = #tpu.core_type<tc>, window_params = [{transform_indices = @transform_0, window_bounds = array<i64: 6400, 128>}, {transform_indices = @transform_1, window_bounds = array<i64: 6400, 128>}, {transform_indices = @transform_2, window_bounds = array<i64: 6400, 1>}, {transform_indices = @transform_3, window_bounds = array<i64: 3, 6400>}, {pipeline_mode = #tpu.pipeline_mode<synchronous>, transform_indices = @transform_4, window_bounds = array<i64: 1, 128>}, {pipeline_mode = #tpu.pipeline_mode<synchronous>, transform_indices = @transform_5, window_bounds = array<i64: 128, 128>}, {pipeline_mode = #tpu.pipeline_mode<synchronous>, transform_indices = @transform_6, window_bounds = array<i64: 1, 128>}, {pipeline_mode = #tpu.pipeline_mode<synchronous>, transform_indices = @transform_7, window_bounds = array<i64: 1, 128>}, {pipeline_mode = #tpu.pipeline_mode<synchronous>, transform_indices = @transform_8, window_bounds = array<i64: 160000>}, {pipeline_mode = #tpu.pipeline_mode<synchronous>, transform_indices = @transform_9, window_bounds = array<i64: 160000>}, {pipeline_mode = #tpu.pipeline_mode<synchronous>, transform_indices = @transform_10, window_bounds = array<i64: 160000>}]} {
    %get3A = arith.constant 0 : index
    %get3A_0 = arith.constant 0 : index
    %get3A_1 = vector.load %arg1[%get3A, %get3A_0] : memref<6400x128xf32, #tpu.memory_space<vmem>>, vector<6400x128xf32>
    %get3A_2 = arith.constant 0 : index
    %get3A_3 = arith.constant 0 : index
    %get3A_4 = vector.load %arg2[%get3A_2, %get3A_3] : memref<6400x128xf32, #tpu.memory_space<vmem>>, vector<6400x128xf32>
    %add3A = arith.addf %get3A_1, %get3A_4 : vector<6400x128xf32>
    %get3A_5 = arith.constant 0 : index
    %get3A_6 = arith.constant 0 : index
    %get3A_7 = vector.load %arg3[%get3A_5, %get3A_6] : memref<6400x1xf32, #tpu.memory_space<vmem>>, vector<6400x1xf32>
    %get3A_8 = arith.constant 0 : index
    %get3A_9 = arith.constant 0 : index
    %get3A_10 = vector.load %arg5[%get3A_8, %get3A_9] : memref<1x128xf32, #tpu.memory_space<vmem>>, vector<1x128xf32>
    %mul3A = vector.broadcast %get3A_7 : vector<6400x1xf32> to vector<6400x128xf32>
    %mul3A_11 = vector.broadcast %get3A_10 : vector<1x128xf32> to vector<6400x128xf32>
    %mul3A_12 = arith.mulf %mul3A, %mul3A_11 : vector<6400x128xf32>
    %add3A_13 = arith.addf %add3A, %mul3A_12 : vector<6400x128xf32>
    %logistic3A = arith.negf %add3A_13 : vector<6400x128xf32>
    %logistic3A_14 = math.exp %logistic3A : vector<6400x128xf32>
    %logistic3A_15 = arith.constant 1.000000e+00 : f32
    %logistic3A_16 = vector.broadcast %logistic3A_15 : f32 to vector<6400x128xf32>
    %logistic3A_17 = arith.addf %logistic3A_16, %logistic3A_14 : vector<6400x128xf32>
    %logistic3A_18 = arith.divf %logistic3A_16, %logistic3A_17 : vector<6400x128xf32>
    %mul3A_19 = arith.mulf %add3A_13, %logistic3A_18 : vector<6400x128xf32>
    %convert_element_type3A = arith.truncf %mul3A_19 : vector<6400x128xf32> to vector<6400x128xbf16>
    %get3A_20 = arith.constant 0 : index
    %get3A_21 = arith.constant 0 : index
    %get3A_22 = vector.load %arg6[%get3A_20, %get3A_21] : memref<128x128xbf16, #tpu.memory_space<vmem>>, vector<128x128xbf16>
    %dot_general3A = arith.constant dense<0.000000e+00> : vector<6400x128xf32>
    %dot_general3A_23 = tpu.matmul %convert_element_type3A, %get3A_22, %dot_general3A {dimension_numbers = #tpu.dot_dimension_numbers<[1], [0], [0], [1], [0, 0, 1, 1], [], []>, transpose_lhs_hint = false} : vector<6400x128xbf16>, vector<128x128xbf16>, vector<6400x128xf32> -> vector<6400x128xf32>
    %get3A_24 = arith.constant 0 : index
    %get3A_25 = arith.constant 0 : index
    %get3A_26 = vector.load %arg7[%get3A_24, %get3A_25] : memref<1x128xf32, #tpu.memory_space<vmem>>, vector<1x128xf32>
    %add3A_27 = vector.broadcast %get3A_26 : vector<1x128xf32> to vector<6400x128xf32>
    %add3A_28 = arith.addf %dot_general3A_23, %add3A_27 : vector<6400x128xf32>
    %logistic3A_29 = arith.negf %add3A_28 : vector<6400x128xf32>
    %logistic3A_30 = math.exp %logistic3A_29 : vector<6400x128xf32>
    %logistic3A_31 = arith.constant 1.000000e+00 : f32
    %logistic3A_32 = vector.broadcast %logistic3A_31 : f32 to vector<6400x128xf32>
    %logistic3A_33 = arith.addf %logistic3A_32, %logistic3A_30 : vector<6400x128xf32>
    %logistic3A_34 = arith.divf %logistic3A_32, %logistic3A_33 : vector<6400x128xf32>
    %mul3A_35 = arith.mulf %add3A_28, %logistic3A_34 : vector<6400x128xf32>
    %get3A_36 = arith.constant 0 : index
    %get3A_37 = arith.constant 0 : index
    %get3A_38 = vector.load %arg8[%get3A_36, %get3A_37] : memref<1x128xbf16, #tpu.memory_space<vmem>>, vector<1x128xbf16>
    %convert_element_type3A_39 = arith.truncf %mul3A_35 : vector<6400x128xf32> to vector<6400x128xbf16>
    %dot_general3A_40 = arith.constant dense<0.000000e+00> : vector<1x6400xf32>
    %dot_general3A_41 = tpu.matmul %get3A_38, %convert_element_type3A_39, %dot_general3A_40 {dimension_numbers = #tpu.dot_dimension_numbers<[1], [1], [0], [0], [0, 0, 1, 0], [], []>, transpose_lhs_hint = false} : vector<1x128xbf16>, vector<6400x128xbf16>, vector<1x6400xf32> -> vector<1x6400xf32>
    %get3A_42 = arith.constant 0 : index
    %get3A_43 = arith.constant 0 : index
    %get3A_44 = vector.load %arg4[%get3A_42, %get3A_43] : memref<3x6400xf32, #tpu.memory_space<vmem>>, vector<3x6400xf32>
    %mul3A_45 = vector.broadcast %dot_general3A_41 : vector<1x6400xf32> to vector<3x6400xf32>
    %mul3A_46 = arith.mulf %get3A_44, %mul3A_45 : vector<3x6400xf32>
    %mul3A_47 = arith.constant 6400 : i32
    %mul3A_48 = arith.muli %arg0, %mul3A_47 : i32
    %slice3A = vector.extract_strided_slice %mul3A_46 {offsets = [0, 0], sizes = [1, 6400], strides = [1, 1]} : vector<3x6400xf32> to vector<1x6400xf32>
    %squeeze3A = vector.shape_cast %slice3A : vector<1x6400xf32> to vector<6400xf32>
    %swap3A = arith.index_cast %mul3A_48 : i32 to index
    %swap3A_49 = vector.load %arg9[%swap3A] : memref<160000xf32, #tpu.memory_space<vmem>>, vector<6400xf32>
    tpu.vector_store %arg9[%swap3A], %squeeze3A {strides = array<i32>} : memref<160000xf32, #tpu.memory_space<vmem>>, vector<6400xf32>,
    %slice3A_50 = vector.extract_strided_slice %mul3A_46 {offsets = [1, 0], sizes = [1, 6400], strides = [1, 1]} : vector<3x6400xf32> to vector<1x6400xf32>
    %squeeze3A_51 = vector.shape_cast %slice3A_50 : vector<1x6400xf32> to vector<6400xf32>
    %swap3A_52 = arith.index_cast %mul3A_48 : i32 to index
    %swap3A_53 = vector.load %arg10[%swap3A_52] : memref<160000xf32, #tpu.memory_space<vmem>>, vector<6400xf32>
    tpu.vector_store %arg10[%swap3A_52], %squeeze3A_51 {strides = array<i32>} : memref<160000xf32, #tpu.memory_space<vmem>>, vector<6400xf32>,
    %slice3A_54 = vector.extract_strided_slice %mul3A_46 {offsets = [2, 0], sizes = [1, 6400], strides = [1, 1]} : vector<3x6400xf32> to vector<1x6400xf32>
    %squeeze3A_55 = vector.shape_cast %slice3A_54 : vector<1x6400xf32> to vector<6400xf32>
    %swap3A_56 = arith.index_cast %mul3A_48 : i32 to index
    %swap3A_57 = vector.load %arg11[%swap3A_56] : memref<160000xf32, #tpu.memory_space<vmem>>, vector<6400xf32>
    tpu.vector_store %arg11[%swap3A_56], %squeeze3A_55 {strides = array<i32>} : memref<160000xf32, #tpu.memory_space<vmem>>, vector<6400xf32>,
    return
  }
  func.func @transform_0(%arg0: i32) -> (i32, i32) {
    %c0_i32 = arith.constant 0 : i32
    %c0_i32_0 = arith.constant 0 : i32
    return %arg0, %c0_i32 : i32, i32
  }
  func.func @transform_1(%arg0: i32) -> (i32, i32) {
    %c0_i32 = arith.constant 0 : i32
    %c0_i32_0 = arith.constant 0 : i32
    return %arg0, %c0_i32 : i32, i32
  }
  func.func @transform_2(%arg0: i32) -> (i32, i32) {
    %add3A = arith.constant 0 : i32
    %add3A_0 = arith.addi %arg0, %add3A : i32
    %c0_i32 = arith.constant 0 : i32
    %c0_i32_1 = arith.constant 0 : i32
    return %add3A_0, %c0_i32 : i32, i32
  }
  func.func @transform_3(%arg0: i32) -> (i32, i32) {
    %add3A = arith.constant 0 : i32
    %add3A_0 = arith.addi %arg0, %add3A : i32
    %c0_i32 = arith.constant 0 : i32
    %c0_i32_1 = arith.constant 0 : i32
    return %c0_i32, %add3A_0 : i32, i32
  }
  func.func @transform_4(%arg0: i32) -> (i32, i32) {
    %c0_i32 = arith.constant 0 : i32
    %c0_i32_0 = arith.constant 0 : i32
    %c0_i32_1 = arith.constant 0 : i32
    return %c0_i32, %c0_i32_0 : i32, i32
  }
  func.func @transform_5(%arg0: i32) -> (i32, i32) {
    %c0_i32 = arith.constant 0 : i32
    %c0_i32_0 = arith.constant 0 : i32
    %c0_i32_1 = arith.constant 0 : i32
    return %c0_i32, %c0_i32_0 : i32, i32
  }
  func.func @transform_6(%arg0: i32) -> (i32, i32) {
    %c0_i32 = arith.constant 0 : i32
    %c0_i32_0 = arith.constant 0 : i32
    %c0_i32_1 = arith.constant 0 : i32
    return %c0_i32, %c0_i32_0 : i32, i32
  }
  func.func @transform_7(%arg0: i32) -> (i32, i32) {
    %c0_i32 = arith.constant 0 : i32
    %c0_i32_0 = arith.constant 0 : i32
    %c0_i32_1 = arith.constant 0 : i32
    return %c0_i32, %c0_i32_0 : i32, i32
  }
  func.func @transform_8(%arg0: i32) -> i32 {
    %c0_i32 = arith.constant 0 : i32
    %c0_i32_0 = arith.constant 0 : i32
    return %c0_i32 : i32
  }
  func.func @transform_9(%arg0: i32) -> i32 {
    %c0_i32 = arith.constant 0 : i32
    %c0_i32_0 = arith.constant 0 : i32
    return %c0_i32 : i32
  }
  func.func @transform_10(%arg0: i32) -> i32 {
    %c0_i32 = arith.constant 0 : i32
    %c0_i32_0 = arith.constant 0 : i32
    return %c0_i32 : i32
  }
}

module attributes {stable_mosaic.version = 14 : i64} {
  func.func @_combine_body(%arg0: memref<3x10000xf32, #tpu.memory_space<vmem>>, %arg1: memref<32x10000xf32, #tpu.memory_space<vmem>>, %arg2: memref<32x10000xf32, #tpu.memory_space<vmem>>, %arg3: memref<32x10000xf32, #tpu.memory_space<vmem>>, %arg4: memref<3x10000xf32, #tpu.memory_space<vmem>>) attributes {dimension_semantics = [], scalar_prefetch = 0 : i64, scratch_operands = 0 : i64, tpu.core_type = #tpu.core_type<tc>} {
    %get3A = arith.constant 0 : index
    %get3A_0 = arith.constant 0 : index
    %get3A_1 = vector.load %arg1[%get3A, %get3A_0] : memref<32x10000xf32, #tpu.memory_space<vmem>>, vector<32x10000xf32>
    %reduce_sum3A = arith.constant dense<0.000000e+00> : vector<10000xf32>
    %reduce_sum3A_2 = vector.multi_reduction <add>, %get3A_1, %reduce_sum3A [0] : vector<32x10000xf32> to vector<10000xf32>
    %broadcast_in_dim3A = vector.shape_cast %reduce_sum3A_2 : vector<10000xf32> to vector<1x10000xf32>
    %get3A_3 = arith.constant 0 : index
    %get3A_4 = arith.constant 0 : index
    %get3A_5 = vector.load %arg2[%get3A_3, %get3A_4] : memref<32x10000xf32, #tpu.memory_space<vmem>>, vector<32x10000xf32>
    %reduce_sum3A_6 = arith.constant dense<0.000000e+00> : vector<10000xf32>
    %reduce_sum3A_7 = vector.multi_reduction <add>, %get3A_5, %reduce_sum3A_6 [0] : vector<32x10000xf32> to vector<10000xf32>
    %broadcast_in_dim3A_8 = vector.shape_cast %reduce_sum3A_7 : vector<10000xf32> to vector<1x10000xf32>
    %get3A_9 = arith.constant 0 : index
    %get3A_10 = arith.constant 0 : index
    %get3A_11 = vector.load %arg3[%get3A_9, %get3A_10] : memref<32x10000xf32, #tpu.memory_space<vmem>>, vector<32x10000xf32>
    %reduce_sum3A_12 = arith.constant dense<0.000000e+00> : vector<10000xf32>
    %reduce_sum3A_13 = vector.multi_reduction <add>, %get3A_11, %reduce_sum3A_12 [0] : vector<32x10000xf32> to vector<10000xf32>
    %broadcast_in_dim3A_14 = vector.shape_cast %reduce_sum3A_13 : vector<10000xf32> to vector<1x10000xf32>
    %concatenate3A = tpu.concatenate %broadcast_in_dim3A, %broadcast_in_dim3A_8, %broadcast_in_dim3A_14 in 0 : vector<1x10000xf32>, vector<1x10000xf32>, vector<1x10000xf32> -> vector<3x10000xf32>
    %get3A_15 = arith.constant 0 : index
    %get3A_16 = arith.constant 0 : index
    %get3A_17 = vector.load %arg0[%get3A_15, %get3A_16] : memref<3x10000xf32, #tpu.memory_space<vmem>>, vector<3x10000xf32>
    %mul3A = arith.constant 0.00999999977 : f32
    %mul3A_18 = vector.broadcast %mul3A : f32 to vector<3x10000xf32>
    %mul3A_19 = arith.mulf %concatenate3A, %mul3A_18 : vector<3x10000xf32>
    %add3A = arith.addf %get3A_17, %mul3A_19 : vector<3x10000xf32>
    %swap3A = arith.constant 0 : index
    %swap3A_20 = arith.constant 0 : index
    %swap3A_21 = vector.load %arg4[%swap3A, %swap3A_20] : memref<3x10000xf32, #tpu.memory_space<vmem>>, vector<3x10000xf32>
    tpu.vector_store %arg4[%swap3A, %swap3A_20], %add3A {strides = array<i32>} : memref<3x10000xf32, #tpu.memory_space<vmem>>, vector<3x10000xf32>,
    return
  }
}

</mosaic_0001>

<sc_bundles>
// kernel: kernel.12.cloned.1.call-start
scs
__scs_entry_jumppad:
0x0: {  	(pc) =	sbr.rel $0x88, $3  }
0x1: {  	(tag) =	ssettag $0x0;
	lr =	simm.s32 $0x1  }
0x2: {  	[smem:$0x3F97] =	sst lr;
	_ =	strace $0xD0000000  }
0x3: {  	_ = 	snop  }
0x4: {  	_ = 	snop  }
0x5: {  	_ = 	snop  }
0x6: {  	_ = 	snop  }
0x7: {  	_ = 	snop  }
__scs_overlays_trampoline_lowered:
0x8: {  	[smem:$0x3FA6] =	sst s0  }
0x9: {  	[smem:$0x3FA7] =	sst s1  }
0xa: {  	[smem:$0x3FA8] =	sst s2  }
0xb: {  	[smem:$0x3FA9] =	sst s3  }
0xc: {  	[smem:$0x3FAA] =	sst s4  }
0xd: {  	[smem:$0x3FAB] =	sst s5  }
0xe: {  	[smem:$0x3FAC] =	sst s6  }
0xf: {  	[smem:$0x3FAD] =	sst s7  }
0x10: {  	[smem:$0x3FAE] =	sst s8  }
0x11: {  	[smem:$0x3FAF] =	sst s9;
	s0 =	simm.s32 @!p0 $0x0  }
0x12: {  	s1 =	sld [smem:$0x3F95];
	s0 =	simm.s32 @p0 $0x1  }
0x13: {  	[smem:$0x3FB0] =	sst s0;
	s0 =	simm.s32 @!p1 $0x0  }
0x14: {  	s2 =	sld [smem:$0x3F94];
	s0 =	simm.s32 @p1 $0x1  }
0x15: {  	[smem:$0x3FB1] =	sst s0;
	s0 =	simm.s32 @!p2 $0x0  }
0x16: {  	s3 =	sld [smem:$0x3FDB];
	s0 =	simm.s32 @p2 $0x1  }
0x17: {  	s4 =	simm.s32 $0x1BF5;
	[smem:$0x3FB3] =	sst s0  }
0x18: {  	s0 =	sld [smem:$0x3F96];
	_ =	swait.ge [sflag:s4], $0x0  }
0x19: {  	s7 =	sld [smem:$0x3F97]  }
0x1a: {  	s8 =	sadd.s32 $0xFFFFE003, lr  }
0x1b: {  	s9 =	sadd.s32 $0xFFFFFEF7, lr;
	s5 =	simm.s32 $0xFFFFFFFF;
	p2 =	slt.u32 s8, $0xFFFFF086  }
0x1c: {  	p1 =	slt.u32 s9, $0xF7A;
	s5 =	simm.s32 @!p2 $0x0  }
0x1d: {  	s5 =	simm.s32 @p1 $0x1;
	p0 =	seq.s32 s7, s2  }
0x1e: {  	s7 =	smul.u32 @!p0 $0xF7A, s2;
	p2 =	seq.s32 @!p0 s5, $0x0  }
0x1f: {  	s9 =	smul.u32 $0xF7A, s1;
	s8 =	simm.s32 @!p0 $0x1BF5;
	p2 =	por !p2, p0  }
0x20: {  	[sflag:s8] =	ssyncset.s32 @!p0 $0xFFFFF086;
	s6 =	sadd.s32 @!p0 s3, s7;
	s7 =	simm.s32 @!p0 $0x108  }
0x21: {  	s3 =	sadd.s32 s3, s9;
	s6 =	sadd.s32 @!p0 $0x88, s6;
	s7 =	simm.s32 @p2 $0x1082  }
0x22: {  	[simem:s7], [sflag:s8] =	dma.local @!p0 [hbm:s6], $0xF7A  }
0x23: {  	s9 =	sor.u32 $0xD0000000, s2;
	s6 =	simm.s32 $0x108;
	_ =	swait.ge @!p0 [sflag:s8], $0x0  }
0x24: {  	s3 =	sadd.s32 $0x88, s3;
	s6 =	simm.s32 @!p1 $0x1082;
	[sflag:s4] =	ssyncset.s32 $0xFFFFF086  }
0x25: {  	[simem:s6], [sflag:s4] =	dma.local [hbm:s3], $0xF7A  }
0x26: {  	[smem:$0x3F97] =	sst s1;
	(tag) =	ssettag s2;
	_ =	strace s9  }
0x27: {  	s1 =	sld [smem:$0x3FA7]  }
0x28: {  	s2 =	sld [smem:$0x3FA8]  }
0x29: {  	s4 =	sld [smem:$0x3FAA]  }
0x2a: {  	p0 =	seq.s32 s5, $0x0;
	s5 =	sld [smem:$0x3FAB]  }
0x2b: {  	s6 =	sld [smem:$0x3FAC]  }
0x2c: {  	s7 =	sld [smem:$0x3FAD]  }
0x2d: {  	s3 =	simm.s32 $0x108;
	s8 =	sld [smem:$0x3FAE]  }
0x2e: {  	s3 =	simm.s32 @!p0 $0x1082;
	s9 =	sld [smem:$0x3FAF]  }
0x2f: {  	lr =	sadd.s32 s0, s3;
	s0 =	sld [smem:$0x3FA6]  }
0x30: {  	s3 =	sld [smem:$0x3FA9]  }
0x31: {  	[smem:$0x3FB2] =	sst s10  }
0x32: {  	s10 =	sld [smem:$0x3FB0];
	_ =	sdelay $0x3  }
0x33: {  	p0 =	seq.s32 s10, $0x1;
	s10 =	sld [smem:$0x3FB2];
	_ =	sdelay $0x3  }
0x34: {  	[smem:$0x3FB2] =	sst s10  }
0x35: {  	s10 =	sld [smem:$0x3FB1];
	_ =	sdelay $0x3  }
0x36: {  	p1 =	seq.s32 s10, $0x1;
	s10 =	sld [smem:$0x3FB2];
	_ =	sdelay $0x3  }
0x37: {  	[smem:$0x3FB2] =	sst s10  }
0x38: {  	s10 =	sld [smem:$0x3FB3]  }
0x39: {  	_ = 	snop;
	(pc) =	sbr.ind lr, $3  }
0x3a: {  	_ = 	snop  }
0x3b: {  	_ = 	snop  }
0x3c: {  	p2 =	seq.s32 s10, $0x1;
	s10 =	sld [smem:$0x3FB2]  }
0x3d: {  	_ =	shalt  }
0x3e: {  	_ =	shalt  }
0x3f: {  	_ =	shalt  }
0x40: {  	_ =	shalt  }
0x41: {  	_ =	shalt  }
0x42: {  	_ =	shalt  }
0x43: {  	_ =	shalt  }
0x44: {  	_ =	shalt  }
0x45: {  	_ =	shalt  }
0x46: {  	_ =	shalt  }
0x47: {  	_ =	shalt  }
0x48: {  	_ =	shalt  }
0x49: {  	_ =	shalt  }
0x4a: {  	_ =	shalt  }
0x4b: {  	_ =	shalt  }
0x4c: {  	_ =	shalt  }
0x4d: {  	_ =	shalt  }
0x4e: {  	_ =	shalt  }
0x4f: {  	_ =	shalt  }
0x50: {  	_ =	shalt  }
0x51: {  	_ =	shalt  }
0x52: {  	_ =	shalt  }
0x53: {  	_ =	shalt  }
0x54: {  	_ =	shalt  }
0x55: {  	_ =	shalt  }
0x56: {  	_ =	shalt  }
0x57: {  	_ =	shalt  }
0x58: {  	_ =	shalt  }
0x59: {  	_ =	shalt  }
0x5a: {  	_ =	shalt  }
0x5b: {  	_ =	shalt  }
0x5c: {  	_ =	shalt  }
0x5d: {  	_ =	shalt  }
0x5e: {  	_ =	shalt  }
0x5f: {  	_ =	shalt  }
0x60: {  	_ =	shalt  }
0x61: {  	_ =	shalt  }
0x62: {  	_ =	shalt  }
0x63: {  	_ =	shalt  }
0x64: {  	_ =	shalt  }
0x65: {  	_ =	shalt  }
0x66: {  	_ =	shalt  }
0x67: {  	_ =	shalt  }
0x68: {  	_ =	shalt  }
0x69: {  	_ =	shalt  }
0x6a: {  	_ =	shalt  }
0x6b: {  	_ =	shalt  }
0x6c: {  	_ =	shalt  }
0x6d: {  	_ =	shalt  }
0x6e: {  	_ =	shalt  }
0x6f: {  	_ =	shalt  }
0x70: {  	_ =	shalt  }
0x71: {  	_ =	shalt  }
0x72: {  	_ =	shalt  }
0x73: {  	_ =	shalt  }
0x74: {  	_ =	shalt  }
0x75: {  	_ =	shalt  }
0x76: {  	_ =	shalt  }
0x77: {  	_ =	shalt  }
0x78: {  	_ =	shalt  }
0x79: {  	_ =	shalt  }
0x7a: {  	_ =	shalt  }
0x7b: {  	_ =	shalt  }
0x7c: {  	_ =	shalt  }
0x7d: {  	_ =	shalt  }
0x7e: {  	_ =	shalt  }
0x7f: {  	_ =	shalt  }
0x80: {  	_ =	shalt  }
0x81: {  	_ =	shalt  }
0x82: {  	_ =	shalt  }
0x83: {  	_ =	shalt  }
0x84: {  	_ =	shalt  }
0x85: {  	_ =	shalt  }
0x86: {  	_ =	shalt  }
0x87: {  	_ =	shalt  }
.Lfunc_end0:
.L_simem_size_0:
called_computation.1_lowered:
.L_overlay_start_0:
0x88: {  	s2 =	sld [smem:$0x3FD9]  }
0x89: {  	s3 =	sld [smem:$0x3FFE];
	_ =	sdelay $0x1  }
0x8a: {  	s1 =	srdreg.scid  }
0x8b: {  	s0 =	sand.u32 $0x1, s1  }
0x8c: {  	s16 =	sshll.u32 s0, $0xA;
	s2 =	sadd.s32 s3, s2  }
0x8d: {  	s2 =	sadd.s32 s2, s16  }
0x8e: {  	[smem:$0x3FBE] =	sst s2  }
0x8f: {  	_ = 	snop  }
0x90: {  	(tm) =	ssettm $0x1  }
0x91: {  	s17 =	sld [smem:$0x3FFB];
	_ =	sdelay $0x3  }
0x92: {  	_ =	strace s17  }
0x93: {  	s2 =	sld [smem:$0x3FFC];
	_ =	sdelay $0x3  }
0x94: {  	_ =	strace s2  }
0x95: {  	s2 =	sld [smem:$0x3FFD];
	_ =	sdelay $0x3  }
0x96: {  	_ =	strace s2  }
0x97: {  	_ =	strace $0x8FFFFFFF  }
0x98: {  	s18 =	sld [smem:$0x3FDB];
	_ =	sdelay $0x1  }
0x99: {  	s19 =	simm.s32 $_scs_section_size  }
0x9a: {  	s4 =	simm.s32 $_size__tile_overlayer_lowered;
	s5 =	simm.s32 $_tile_overlayer_lowered  }
0x9b: {  	s22 =	simm.s32 $0x1BFF;
	s21 =	sshll.u32 s5, $0x1;
	s2 =	sadd.s32 s19, s18  }
0x9c: {  	s6 =	simm.s32 $0x0;
	s20 =	sshll.u32 s4, $0x1;
	s4 =	sadd.s32 s21, s2  }
0x9d: {  	[timem:s6], [sflag:s22] =	dma.local [hbm:s4], s20  }
0x9e: {  	_ =	swait.ge [sflag:s22], s20  }
0x9f: {  	s3 =	ssub.s32 $0x0, s20;
	[sflag:s22] =	ssyncset.done $0x0  }
0xa0: {  	[sflag:s22] =	ssyncadd.s32 s3;
	_ =	sdelay $0x1  }
0xa1: {  	s23 =	simm.s32 $0x1B8B  }
0xa2: {  	_ =	swait.ge [sflag:s23], $0x1  }
0xa3: {  	[sflag:s23] =	ssyncset.done $0x0  }
0xa4: {  	s25 =	simm.s32 $0x1B8E;
	s24 =	sld [smem:$0x3FFE];
	[sflag:s23] =	ssyncadd.s32 $0xFFFFFFFF  }
0xa5: {  	s26 =	simm.s32 $execute0_lowered;
	[smem:$0x3FD2] =	sst s25  }
0xa6: {  	s4 =	sshll.u32 s26, $0x1;
	_ =	strace $0x80000046;
	[dreg:$0x1] =	wrdreg $0xFFFFFFFF  }
0xa7: {  	s28 =	simm.s32 $_size_execute0_lowered;
	s2 =	sadd.s32 s2, s4;
	[dreg:$0x0] =	wrdreg $0x0  }
0xa8: {  	s4 =	sshll.u32 s28, $0x1;
	[dreg:$0x2] =	wrdreg s2  }
0xa9: {  	[dreg:$0x3] =	wrdreg s4  }
0xaa: {  	[dreg:$0x4] =	wrdreg $0xC0  }
0xab: {  	_ =	task [dreg:s6], $0x5FFFF  }
0xac: {  	[dreg:$0x1] =	wrdreg $0xFFFFFFFF  }
0xad: {  	[dreg:$0x0] =	wrdreg $0x60  }
0xae: {  	[dreg:$0x2] =	wrdreg s24  }
0xaf: {  	[dreg:$0x3] =	wrdreg $0xA  }
0xb0: {  	_ =	task.clear_ibuf [dreg:s6], $0x4FFFF;
	_ =	strace $0x90000046  }
0xb1: {  	s29 =	simm.s32 $0xA;
	_ =	strace $0x80000048  }
0xb2: {  	_ =	swait.ge [sflag:s29], $0x1  }
0xb3: {  	[sflag:s29] =	ssyncadd.s32 $0xFFFFFFFF  }
0xb4: {  	_ =	strace $0x90000048  }
0xb5: {  	_ =	sfence  }
0xb6: {  	s30 =	sld [smem:$0x0];
	_ =	sdelay $0x2  }
0xb7: {  	s31 =	sshll.u32 s1, $0xD;
	s1 =	sshrl.u32 s1, $0x2  }
0xb8: {  	s3 =	sand.u32 $0x4000, s31;
	s1 =	sadd.s32 s1, s30  }
0xb9: {  	s0 =	sor.u32 s3, s0;
	s1 =	sshll.u32 s1, $0x11  }
0xba: {  	s0 =	sor.u32 s1, s0  }
0xbb: {  	s0 =	sadd.s32 $0x8F2B, s0  }
0xbc: {  	[sflag:s0] =	ssyncadd.remote.s32 $0x1  }
0xbd: {  	_ =	sfence.sel $0xFFFF  }
0xbe: {  	[dreg:$0x0] =	wrdreg $0xFFFFFFFF;
	(pc) =	sbr.abs _section_cstart, $3  }
0xbf: {  	[dreg:$0x1] =	wrdreg $0xFFFFFFFF  }
0xc0: {  	_ =	task.clear_ibuf [dreg:s6], $0x2FFFF;
	_ =	strace $0x9FFFFFFF  }
0xc1: {  	(tm) =	ssettm $0x7FFFFFFF  }
tec
execute0_lowered:
.L_overlay_start_1:
0x0: {  	(tag) =	ssettag $0x1  }
0x1: {  	s0 =	rddreg [dreg:$0x0];
	s2 =	simm.s32 $0x0;
	s1 =	srdreg.scid  }
0x2: {  	s14 =	stileid.u32;
	s28 =	simm.s32 $0x3;
	s31 =	simm.s32 $0x4  }
0x3: {  	[smem:$0x7FF] =	sst s2;
	s1 =	sand.u32 $0x1, s1;
	s3 =	sshll.u32 s14, $0x1  }
0x4: {  	s4 =	sadd.s32 $0x3E600, s0;
	s7 =	sadd.s32 $0xD600, s0;
	s11 =	smul.u32 $0x2710, s14  }
0x5: {  	s8 =	sadd.s32 $0x3800, s0;
	s5 =	sor.u32 s1, s3;
	s13 =	smul.u32 $0x1388, s1  }
0x6: {  	s9 =	sadd.s32 $0x65800, s0;
	s10 =	ssub.s32 $0x2, s1;
	s6 =	smul.u32 $0x1388, s5  }
0x7: {  	_ =	strace $0x80000047;
	s5 =	smul.u32 $0x9C400, s5;
	s12 =	sshrl.u32 s10, $0x1  }
0x8: {  	s3 =	sadd.s32 $0x17400, s0;
	s0 =	sadd.s32 $0x2D6800, s0;
	s10 =	ssub.s32 s10, s12  }
0x9: {  	s11 =	sadd.s32 s13, s11;
	s6 =	sshrl.u32 s6, $0x3;
	s5 =	sshrl.u32 s5, $0x3  }
0xa: {  	s26 =	sadd.s32 $0x27178, s11;
	s12 =	smax.u32 s10, $0x1;
	s15 =	sadd.s32 $0x27150, s11  }
0xb: {  	s18 =	sadd.s32 $0x27128, s11;
	s22 =	sadd.s32 $0x27100, s11;
	s10 =	smul.u32 $0x13880, s1  }
0xc: {  	s11 =	simm.s32 $0xA;
	s1 =	simm.s32 $0x0;
	s6 =	sadd.s32 $0x508C, s6  }
0xd: {  	s5 =	sadd.s32 $0x13600, s5;
	[dreg:$0xe] =	wrdreg s12;
	s25 =	sadd.s32 s7, s6  }
0xe: {  	s30 =	sshrl.u32 s26, $0x3;
	s6 =	sadd.s32 s8, s6;
	[dreg:$0xa] =	wrdreg s25  }
0xf: {  	s16 =	sshrl.u32 s15, $0x3;
	s29 =	sadd.s32 s9, s5;
	[dreg:$0xb] =	wrdreg s6  }
0x10: {  	s20 =	sshrl.u32 s18, $0x3;
	s5 =	sadd.s32 s0, s5;
	[dreg:$0xc] =	wrdreg s29  }
0x11: {  	s24 =	sshrl.u32 s22, $0x3;
	s13 =	sadd.s32 s30, s8;
	[dreg:$0xd] =	wrdreg s5  }
0x12: {  	s12 =	simm.s32 $0xB;
	s17 =	sadd.s32 s16, s8;
	[dreg:$0x2] =	wrdreg s13  }
0x13: {  	s19 =	sadd.s32 s16, s7;
	s21 =	sadd.s32 s20, s8;
	[dreg:$0x4] =	wrdreg s17  }
0x14: {  	s23 =	sadd.s32 s20, s7;
	s26 =	sadd.s32 s24, s8;
	[dreg:$0x5] =	wrdreg s19  }
0x15: {  	s20 =	simm.s32 $0x1;
	s8 =	simm.s32 $0x8;
	[dreg:$0x6] =	wrdreg s21  }
0x16: {  	s5 =	sadd.s32 s30, s7;
	s25 =	smul.u32 $0x27100, s14;
	[dreg:$0x7] =	wrdreg s23  }
0x17: {  	[dreg:$0x8] =	wrdreg s26;
	s29 =	sadd.s32 s24, s7;
	s21 =	simm.s32 $0x28  }
0x18: {  	s24 =	simm.s32 $0x2;
	s6 =	simm.s32 $0x6;
	[dreg:$0x3] =	wrdreg s5  }
0x19: {  	s7 =	simm.s32 $0x7;
	[dreg:$0x9] =	wrdreg s29;
	s30 =	sadd.s32 s25, s9  }
0x1a: {  	s13 =	simm.s32 $0xC;
	s0 =	sadd.s32 s25, s0;
	[dreg:$0xf] =	wrdreg s30  }
0x1b: {  	s5 =	simm.s32 $0x5;
	s9 =	simm.s32 $0x9;
	[dreg:$0x10] =	wrdreg s0  }
.LBB2_1:
0x1c: {  	[dreg:$0x11] =	wrdreg s1  }
0x1d: {  	s14 =	rddreg [dreg:$0x9]  }
0x1e: {  	s15 =	rddreg [dreg:$0x8];
	s14 =	sadd.s32 $0x0, s14  }
0x1f: {  	[tilespmem:s2], [sflag:$0x1] =	stream.linear.gather [hbm4b:s14+s2], $0x28, $0x38;
	[tilespmem:$0xA400] =	vst v63  }
0x20: {  	s16 =	rddreg [dreg:$0x7];
	s17 =	simm.s32 $0x80;
	s29 =	sadd.s32 $0x0, s15  }
0x21: {  	[tilespmem:s17], [sflag:$0x1] =	stream.linear.gather [hbm4b:s29+s2], $0x28, $0x38;
	[tilespmem:$0xA400] =	vst v63  }
0x22: {  	s30 =	rddreg [dreg:$0x6];
	s18 =	simm.s32 $0x2900;
	s0 =	sadd.s32 $0x0, s16  }
0x23: {  	[tilespmem:s18], [sflag:$0x2] =	stream.linear.gather [hbm4b:s0+s2], $0x28, $0x38;
	[tilespmem:$0xA400] =	vst v63  }
0x24: {  	s1 =	rddreg [dreg:$0x5];
	s19 =	simm.s32 $0x2980;
	s22 =	sadd.s32 $0x0, s30  }
0x25: {  	[tilespmem:s19], [sflag:$0x2] =	stream.linear.gather [hbm4b:s22+s2], $0x28, $0x38;
	[tilespmem:$0xA400] =	vst v63  }
0x26: {  	s23 =	rddreg [dreg:$0x4];
	s25 =	sadd.s32 $0x0, s1;
	s22 =	simm.s32 $0x5200  }
0x27: {  	[tilespmem:s22], [sflag:$0x3] =	stream.linear.gather [hbm4b:s25+s2], $0x28, $0x38;
	[tilespmem:$0xA400] =	vst v63  }
0x28: {  	s26 =	rddreg [dreg:$0x3];
	s29 =	sadd.s32 $0x0, s23;
	s23 =	simm.s32 $0x5280  }
0x29: {  	[tilespmem:s23], [sflag:$0x3] =	stream.linear.gather [hbm4b:s29+s2], $0x28, $0x38;
	[tilespmem:$0xA400] =	vst v63  }
0x2a: {  	s30 =	rddreg [dreg:$0x2];
	s1 =	sadd.s32 $0x0, s26;
	s0 =	simm.s32 $0x7B00  }
0x2b: {  	[tilespmem:s0], [sflag:$0x4] =	stream.linear.gather [hbm4b:s1+s2], $0x28, $0x38;
	[tilespmem:$0xA400] =	vst v63  }
0x2c: {  	s16 =	simm.s32 $0x7B80;
	s15 =	sadd.s32 $0x0, s30  }
0x2d: {  	[tilespmem:s16], [sflag:$0x4] =	stream.linear.gather [hbm4b:s15+s2], $0x28, $0x38;
	[tilespmem:$0xA400] =	vst v63  }
0x2e: {  	_ =	swait.ge [sflag:s20], $0x28  }
0x2f: {  	[sflag:s20] =	ssyncset.done $0x0  }
0x30: {  	[sflag:s20] =	ssyncadd.s32 $0xFFFFFFD8  }
0x31: {  	_ =	swait.ge [sflag:s20], $0x28  }
0x32: {  	[sflag:s20] =	ssyncset.done $0x0  }
0x33: {  	s30 =	simm.s32 $0x100;
	[sflag:s20] =	ssyncadd.s32 $0xFFFFFFD8  }
0x34: {  	[tilespmem:s30], [sflag:$0x5] =	stream.indirect.gather [hbm4b:s3+s21], $0x80, s2, s21, $0xb8;
	[tilespmem:$0xA400] =	vst v63  }
0x35: {  	s1 =	simm.s32 $0x1500  }
0x36: {  	[tilespmem:s1], [sflag:$0x5] =	stream.indirect.gather [hbm4b:s4+s21], $0x80, s17, s21, $0xb8;
	[tilespmem:$0xA400] =	vst v63  }
0x37: {  	_ =	swait.ge [sflag:s24], $0x28  }
0x38: {  	[sflag:s24] =	ssyncset.done $0x0  }
0x39: {  	[sflag:s24] =	ssyncadd.s32 $0xFFFFFFD8  }
0x3a: {  	_ =	swait.ge [sflag:s24], $0x28  }
0x3b: {  	[sflag:s24] =	ssyncset.done $0x0  }
0x3c: {  	s29 =	simm.s32 $0x2A00;
	[sflag:s24] =	ssyncadd.s32 $0xFFFFFFD8  }
0x3d: {  	[tilespmem:s29], [sflag:$0x6] =	stream.indirect.gather [hbm4b:s3+s21], $0x80, s18, s21, $0xb8;
	[tilespmem:$0xA400] =	vst v63  }
0x3e: {  	s14 =	simm.s32 $0x3E00  }
0x3f: {  	[tilespmem:s14], [sflag:$0x6] =	stream.indirect.gather [hbm4b:s4+s21], $0x80, s19, s21, $0xb8;
	[tilespmem:$0xA400] =	vst v63  }
0x40: {  	_ =	swait.ge [sflag:s28], $0x28  }
0x41: {  	[sflag:s28] =	ssyncset.done $0x0  }
0x42: {  	[sflag:s28] =	ssyncadd.s32 $0xFFFFFFD8  }
0x43: {  	_ =	swait.ge [sflag:s28], $0x28  }
0x44: {  	[sflag:s28] =	ssyncset.done $0x0  }
0x45: {  	s25 =	simm.s32 $0x5300;
	[sflag:s28] =	ssyncadd.s32 $0xFFFFFFD8  }
0x46: {  	[tilespmem:s25], [sflag:$0x7] =	stream.indirect.gather [hbm4b:s3+s21], $0x80, s22, s21, $0xb8;
	[tilespmem:$0xA400] =	vst v63  }
0x47: {  	s26 =	simm.s32 $0x6700  }
0x48: {  	[tilespmem:s26], [sflag:$0x7] =	stream.indirect.gather [hbm4b:s4+s21], $0x80, s23, s21, $0xb8;
	[tilespmem:$0xA400] =	vst v63  }
0x49: {  	_ =	swait.ge [sflag:s31], $0x28  }
0x4a: {  	[sflag:s31] =	ssyncset.done $0x0  }
0x4b: {  	[sflag:s31] =	ssyncadd.s32 $0xFFFFFFD8  }
0x4c: {  	_ =	swait.ge [sflag:s31], $0x28  }
0x4d: {  	[sflag:s31] =	ssyncset.done $0x0  }
0x4e: {  	s23 =	simm.s32 $0x7C00;
	[sflag:s31] =	ssyncadd.s32 $0xFFFFFFD8  }
0x4f: {  	[tilespmem:s23], [sflag:$0x8] =	stream.indirect.gather [hbm4b:s3+s21], $0x80, s0, s21, $0xb8;
	[tilespmem:$0xA400] =	vst v63  }
0x50: {  	s0 =	simm.s32 $0x9000  }
0x51: {  	[tilespmem:s0], [sflag:$0x8] =	stream.indirect.gather [hbm4b:s4+s21], $0x80, s16, s21, $0xb8;
	[tilespmem:$0xA400] =	vst v63  }
0x52: {  	_ =	swait.ge [sflag:s5], $0x1400  }
0x53: {  	[sflag:s5] =	ssyncset.done $0x0  }
0x54: {  	[sflag:s5] =	ssyncadd.s32 $0xFFFFEC00  }
0x55: {  	_ =	swait.ge [sflag:s5], $0x1400  }
0x56: {  	[sflag:s5] =	ssyncset.done $0x0;
	s19 =	rddreg [dreg:$0xf]  }
0x57: {  	s22 =	rddreg [dreg:$0x10];
	[sflag:s5] =	ssyncadd.s32 $0xFFFFEC00;
	s15 =	sadd.s32 s19, s10  }
0x58: {  	[hbm4b:s15+s2] =	stream.linear.scatter [tilespmem:s30], [sflag:$0x9], $0x1400, $0x38;
	[tilespmem:$0xA400] =	vst v63  }
0x59: {  	s30 =	sadd.s32 s22, s10  }
0x5a: {  	[hbm4b:s30+s2] =	stream.linear.scatter [tilespmem:s1], [sflag:$0x9], $0x1400, $0x38;
	[tilespmem:$0xA400] =	vst v63  }
0x5b: {  	_ =	swait.ge [sflag:s6], $0x1400  }
0x5c: {  	[sflag:s6] =	ssyncset.done $0x0  }
0x5d: {  	[sflag:s6] =	ssyncadd.s32 $0xFFFFEC00  }
0x5e: {  	_ =	swait.ge [sflag:s6], $0x1400  }
0x5f: {  	[sflag:s6] =	ssyncset.done $0x0  }
0x60: {  	s1 =	sadd.s32 $0x280, s15;
	[sflag:s6] =	ssyncadd.s32 $0xFFFFEC00  }
0x61: {  	[hbm4b:s1+s2] =	stream.linear.scatter [tilespmem:s29], [sflag:$0xA], $0x1400, $0x38;
	[tilespmem:$0xA400] =	vst v63  }
0x62: {  	s17 =	sadd.s32 $0x280, s30  }
0x63: {  	[hbm4b:s17+s2] =	stream.linear.scatter [tilespmem:s14], [sflag:$0xA], $0x1400, $0x38;
	[tilespmem:$0xA400] =	vst v63  }
0x64: {  	_ =	swait.ge [sflag:s7], $0x1400  }
0x65: {  	[sflag:s7] =	ssyncset.done $0x0  }
0x66: {  	[sflag:s7] =	ssyncadd.s32 $0xFFFFEC00  }
0x67: {  	_ =	swait.ge [sflag:s7], $0x1400  }
0x68: {  	[sflag:s7] =	ssyncset.done $0x0  }
0x69: {  	s18 =	sadd.s32 $0x500, s15;
	[sflag:s7] =	ssyncadd.s32 $0xFFFFEC00  }
0x6a: {  	[hbm4b:s18+s2] =	stream.linear.scatter [tilespmem:s25], [sflag:$0xB], $0x1400, $0x38;
	[tilespmem:$0xA400] =	vst v63  }
0x6b: {  	s29 =	sadd.s32 $0x500, s30  }
0x6c: {  	[hbm4b:s29+s2] =	stream.linear.scatter [tilespmem:s26], [sflag:$0xB], $0x1400, $0x38;
	[tilespmem:$0xA400] =	vst v63  }
0x6d: {  	_ =	swait.ge [sflag:s8], $0x1400  }
0x6e: {  	[sflag:s8] =	ssyncset.done $0x0  }
0x6f: {  	[sflag:s8] =	ssyncadd.s32 $0xFFFFEC00  }
0x70: {  	_ =	swait.ge [sflag:s8], $0x1400  }
0x71: {  	[sflag:s8] =	ssyncset.done $0x0  }
0x72: {  	s14 =	sadd.s32 $0x780, s15;
	[sflag:s8] =	ssyncadd.s32 $0xFFFFEC00  }
0x73: {  	[hbm4b:s14+s2] =	stream.linear.scatter [tilespmem:s23], [sflag:$0xC], $0x1400, $0x38;
	[tilespmem:$0xA400] =	vst v63  }
0x74: {  	s30 =	sadd.s32 $0x780, s30  }
0x75: {  	[hbm4b:s30+s2] =	stream.linear.scatter [tilespmem:s0], [sflag:$0xC], $0x1400, $0x38;
	[tilespmem:$0xA400] =	vst v63  }
0x76: {  	_ =	swait.ge [sflag:s9], $0x1400  }
0x77: {  	[sflag:s9] =	ssyncset.done $0x0  }
0x78: {  	[sflag:s9] =	ssyncadd.s32 $0xFFFFEC00  }
0x79: {  	_ =	swait.ge [sflag:s9], $0x1400  }
0x7a: {  	[sflag:s9] =	ssyncset.done $0x0  }
0x7b: {  	[sflag:s9] =	ssyncadd.s32 $0xFFFFEC00  }
0x7c: {  	_ =	swait.ge [sflag:s11], $0x1400  }
0x7d: {  	[sflag:s11] =	ssyncset.done $0x0  }
0x7e: {  	[sflag:s11] =	ssyncadd.s32 $0xFFFFEC00  }
0x7f: {  	_ =	swait.ge [sflag:s11], $0x1400  }
0x80: {  	[sflag:s11] =	ssyncset.done $0x0  }
0x81: {  	[sflag:s11] =	ssyncadd.s32 $0xFFFFEC00  }
0x82: {  	_ =	swait.ge [sflag:s12], $0x1400  }
0x83: {  	[sflag:s12] =	ssyncset.done $0x0  }
0x84: {  	[sflag:s12] =	ssyncadd.s32 $0xFFFFEC00  }
0x85: {  	_ =	swait.ge [sflag:s12], $0x1400  }
0x86: {  	[sflag:s12] =	ssyncset.done $0x0  }
0x87: {  	[sflag:s12] =	ssyncadd.s32 $0xFFFFEC00  }
0x88: {  	_ =	swait.ge [sflag:s13], $0x1400  }
0x89: {  	[sflag:s13] =	ssyncset.done $0x0  }
0x8a: {  	s16 =	simm.s32 $0x14;
	[sflag:s13] =	ssyncadd.s32 $0xFFFFEC00  }
0x8b: {  	s17 =	simm.s32 $0x28;
	s15 =	smov.u32 s19;
	_ =	swait.ge [sflag:s13], $0x1400  }
0x8c: {  	s14 =	smov.u32 s22;
	s18 =	rddreg [dreg:$0x9];
	[sflag:s13] =	ssyncset.done $0x0  }
.LBB2_2:
0x8d: {  	[sflag:s13] =	ssyncadd.s32 $0xFFFFEC00  }
0x8e: {  	s19 =	smov.u32 s17;
	s22 =	rddreg [dreg:$0x8];
	s18 =	sadd.s32 s16, s18  }
0x8f: {  	[tilespmem:s2], [sflag:$0x1] =	stream.linear.gather [hbm4b:s18+s2], $0x28, $0x38;
	[tilespmem:$0xA400] =	vst v63  }
0x90: {  	s23 =	rddreg [dreg:$0x7];
	s25 =	simm.s32 $0x80;
	s0 =	sadd.s32 s16, s22  }
0x91: {  	[tilespmem:s25], [sflag:$0x1] =	stream.linear.gather [hbm4b:s0+s2], $0x28, $0x38;
	[tilespmem:$0xA400] =	vst v63  }
0x92: {  	s1 =	rddreg [dreg:$0x6];
	s26 =	simm.s32 $0x2900;
	s29 =	sadd.s32 s16, s23  }
0x93: {  	[tilespmem:s26], [sflag:$0x2] =	stream.linear.gather [hbm4b:s29+s2], $0x28, $0x38;
	[tilespmem:$0xA400] =	vst v63  }
0x94: {  	s30 =	rddreg [dreg:$0x5];
	s0 =	sadd.s32 s16, s1;
	s29 =	simm.s32 $0x2980  }
0x95: {  	[tilespmem:s29], [sflag:$0x2] =	stream.linear.gather [hbm4b:s0+s2], $0x28, $0x38;
	[tilespmem:$0xA400] =	vst v63  }
0x96: {  	s1 =	rddreg [dreg:$0x4];
	s0 =	sadd.s32 s16, s30;
	s30 =	simm.s32 $0x5200  }
0x97: {  	[tilespmem:s30], [sflag:$0x3] =	stream.linear.gather [hbm4b:s0+s2], $0x28, $0x38;
	[tilespmem:$0xA400] =	vst v63  }
0x98: {  	s23 =	rddreg [dreg:$0x3];
	s1 =	sadd.s32 s16, s1;
	s0 =	simm.s32 $0x5280  }
0x99: {  	[tilespmem:s0], [sflag:$0x3] =	stream.linear.gather [hbm4b:s1+s2], $0x28, $0x38;
	[tilespmem:$0xA400] =	vst v63  }
0x9a: {  	s22 =	rddreg [dreg:$0x2];
	s1 =	sadd.s32 s16, s23;
	s23 =	simm.s32 $0x7B00  }
0x9b: {  	[tilespmem:s23], [sflag:$0x4] =	stream.linear.gather [hbm4b:s1+s2], $0x28, $0x38;
	[tilespmem:$0xA400] =	vst v63  }
0x9c: {  	s22 =	sadd.s32 s16, s22;
	s16 =	smov.u32 s19;
	s19 =	simm.s32 $0x7B80  }
0x9d: {  	[tilespmem:s19], [sflag:$0x4] =	stream.linear.gather [hbm4b:s22+s2], $0x28, $0x38;
	[tilespmem:$0xA400] =	vst v63  }
0x9e: {  	_ =	swait.ge [sflag:s20], $0x28  }
0x9f: {  	[sflag:s20] =	ssyncset.done $0x0  }
0xa0: {  	[sflag:s20] =	ssyncadd.s32 $0xFFFFFFD8  }
0xa1: {  	_ =	swait.ge [sflag:s20], $0x28  }
0xa2: {  	[sflag:s20] =	ssyncset.done $0x0  }
0xa3: {  	s22 =	simm.s32 $0x100;
	[sflag:s20] =	ssyncadd.s32 $0xFFFFFFD8  }
0xa4: {  	[tilespmem:s22], [sflag:$0x5] =	stream.indirect.gather [hbm4b:s3+s21], $0x80, s2, s21, $0xb8;
	[tilespmem:$0xA400] =	vst v63  }
0xa5: {  	s1 =	simm.s32 $0x1500  }
0xa6: {  	[tilespmem:s1], [sflag:$0x5] =	stream.indirect.gather [hbm4b:s4+s21], $0x80, s25, s21, $0xb8;
	[tilespmem:$0xA400] =	vst v63  }
0xa7: {  	_ =	swait.ge [sflag:s24], $0x28  }
0xa8: {  	[sflag:s24] =	ssyncset.done $0x0  }
0xa9: {  	[sflag:s24] =	ssyncadd.s32 $0xFFFFFFD8  }
0xaa: {  	_ =	swait.ge [sflag:s24], $0x28  }
0xab: {  	[sflag:s24] =	ssyncset.done $0x0  }
0xac: {  	s25 =	simm.s32 $0x2A00;
	[sflag:s24] =	ssyncadd.s32 $0xFFFFFFD8  }
0xad: {  	[tilespmem:s25], [sflag:$0x6] =	stream.indirect.gather [hbm4b:s3+s21], $0x80, s26, s21, $0xb8;
	[tilespmem:$0xA400] =	vst v63  }
0xae: {  	s26 =	simm.s32 $0x3E00  }
0xaf: {  	[tilespmem:s26], [sflag:$0x6] =	stream.indirect.gather [hbm4b:s4+s21], $0x80, s29, s21, $0xb8;
	[tilespmem:$0xA400] =	vst v63  }
0xb0: {  	_ =	swait.ge [sflag:s28], $0x28  }
0xb1: {  	[sflag:s28] =	ssyncset.done $0x0  }
0xb2: {  	[sflag:s28] =	ssyncadd.s32 $0xFFFFFFD8  }
0xb3: {  	_ =	swait.ge [sflag:s28], $0x28  }
0xb4: {  	[sflag:s28] =	ssyncset.done $0x0  }
0xb5: {  	s29 =	simm.s32 $0x5300;
	[sflag:s28] =	ssyncadd.s32 $0xFFFFFFD8  }
0xb6: {  	[tilespmem:s29], [sflag:$0x7] =	stream.indirect.gather [hbm4b:s3+s21], $0x80, s30, s21, $0xb8;
	[tilespmem:$0xA400] =	vst v63  }
0xb7: {  	s30 =	simm.s32 $0x6700  }
0xb8: {  	[tilespmem:s30], [sflag:$0x7] =	stream.indirect.gather [hbm4b:s4+s21], $0x80, s0, s21, $0xb8;
	[tilespmem:$0xA400] =	vst v63  }
0xb9: {  	_ =	swait.ge [sflag:s31], $0x28  }
0xba: {  	[sflag:s31] =	ssyncset.done $0x0  }
0xbb: {  	[sflag:s31] =	ssyncadd.s32 $0xFFFFFFD8  }
0xbc: {  	_ =	swait.ge [sflag:s31], $0x28  }
0xbd: {  	[sflag:s31] =	ssyncset.done $0x0  }
0xbe: {  	s0 =	simm.s32 $0x7C00;
	[sflag:s31] =	ssyncadd.s32 $0xFFFFFFD8  }
0xbf: {  	[tilespmem:s0], [sflag:$0x8] =	stream.indirect.gather [hbm4b:s3+s21], $0x80, s23, s21, $0xb8;
	[tilespmem:$0xA400] =	vst v63  }
0xc0: {  	s23 =	simm.s32 $0x9000  }
0xc1: {  	[tilespmem:s23], [sflag:$0x8] =	stream.indirect.gather [hbm4b:s4+s21], $0x80, s19, s21, $0xb8;
	[tilespmem:$0xA400] =	vst v63  }
0xc2: {  	_ =	swait.ge [sflag:s5], $0x1400  }
0xc3: {  	[sflag:s5] =	ssyncset.done $0x0  }
0xc4: {  	[sflag:s5] =	ssyncadd.s32 $0xFFFFEC00  }
0xc5: {  	_ =	swait.ge [sflag:s5], $0x1400  }
0xc6: {  	s15 =	sadd.s32 $0xA00, s15;
	[sflag:s5] =	ssyncset.done $0x0  }
0xc7: {  	s14 =	sadd.s32 $0xA00, s14;
	s18 =	sadd.s32 s15, s10;
	[sflag:s5] =	ssyncadd.s32 $0xFFFFEC00  }
0xc8: {  	[hbm4b:s18+s2] =	stream.linear.scatter [tilespmem:s22], [sflag:$0x9], $0x1400, $0x38;
	[tilespmem:$0xA400] =	vst v63  }
0xc9: {  	s19 =	sadd.s32 s14, s10  }
0xca: {  	[hbm4b:s19+s2] =	stream.linear.scatter [tilespmem:s1], [sflag:$0x9], $0x1400, $0x38;
	[tilespmem:$0xA400] =	vst v63  }
0xcb: {  	_ =	swait.ge [sflag:s6], $0x1400  }
0xcc: {  	[sflag:s6] =	ssyncset.done $0x0  }
0xcd: {  	[sflag:s6] =	ssyncadd.s32 $0xFFFFEC00  }
0xce: {  	_ =	swait.ge [sflag:s6], $0x1400  }
0xcf: {  	[sflag:s6] =	ssyncset.done $0x0  }
0xd0: {  	s1 =	sadd.s32 $0x280, s18;
	[sflag:s6] =	ssyncadd.s32 $0xFFFFEC00  }
0xd1: {  	[hbm4b:s1+s2] =	stream.linear.scatter [tilespmem:s25], [sflag:$0xA], $0x1400, $0x38;
	[tilespmem:$0xA400] =	vst v63  }
0xd2: {  	s25 =	sadd.s32 $0x280, s19  }
0xd3: {  	[hbm4b:s25+s2] =	stream.linear.scatter [tilespmem:s26], [sflag:$0xA], $0x1400, $0x38;
	[tilespmem:$0xA400] =	vst v63  }
0xd4: {  	_ =	swait.ge [sflag:s7], $0x1400  }
0xd5: {  	[sflag:s7] =	ssyncset.done $0x0  }
0xd6: {  	[sflag:s7] =	ssyncadd.s32 $0xFFFFEC00  }
0xd7: {  	_ =	swait.ge [sflag:s7], $0x1400  }
0xd8: {  	[sflag:s7] =	ssyncset.done $0x0  }
0xd9: {  	s26 =	sadd.s32 $0x500, s18;
	[sflag:s7] =	ssyncadd.s32 $0xFFFFEC00  }
0xda: {  	[hbm4b:s26+s2] =	stream.linear.scatter [tilespmem:s29], [sflag:$0xB], $0x1400, $0x38;
	[tilespmem:$0xA400] =	vst v63  }
0xdb: {  	s29 =	sadd.s32 $0x500, s19  }
0xdc: {  	[hbm4b:s29+s2] =	stream.linear.scatter [tilespmem:s30], [sflag:$0xB], $0x1400, $0x38;
	[tilespmem:$0xA400] =	vst v63  }
0xdd: {  	_ =	swait.ge [sflag:s8], $0x1400  }
0xde: {  	[sflag:s8] =	ssyncset.done $0x0  }
0xdf: {  	[sflag:s8] =	ssyncadd.s32 $0xFFFFEC00  }
0xe0: {  	_ =	swait.ge [sflag:s8], $0x1400  }
0xe1: {  	[sflag:s8] =	ssyncset.done $0x0  }
0xe2: {  	s18 =	sadd.s32 $0x780, s18;
	[sflag:s8] =	ssyncadd.s32 $0xFFFFEC00  }
0xe3: {  	[hbm4b:s18+s2] =	stream.linear.scatter [tilespmem:s0], [sflag:$0xC], $0x1400, $0x38;
	[tilespmem:$0xA400] =	vst v63  }
0xe4: {  	s30 =	sadd.s32 $0x780, s19  }
0xe5: {  	[hbm4b:s30+s2] =	stream.linear.scatter [tilespmem:s23], [sflag:$0xC], $0x1400, $0x38;
	[tilespmem:$0xA400] =	vst v63  }
0xe6: {  	_ =	swait.ge [sflag:s9], $0x1400  }
0xe7: {  	[sflag:s9] =	ssyncset.done $0x0  }
0xe8: {  	[sflag:s9] =	ssyncadd.s32 $0xFFFFEC00  }
0xe9: {  	_ =	swait.ge [sflag:s9], $0x1400  }
0xea: {  	[sflag:s9] =	ssyncset.done $0x0  }
0xeb: {  	[sflag:s9] =	ssyncadd.s32 $0xFFFFEC00  }
0xec: {  	_ =	swait.ge [sflag:s11], $0x1400  }
0xed: {  	[sflag:s11] =	ssyncset.done $0x0  }
0xee: {  	[sflag:s11] =	ssyncadd.s32 $0xFFFFEC00  }
0xef: {  	_ =	swait.ge [sflag:s11], $0x1400  }
0xf0: {  	[sflag:s11] =	ssyncset.done $0x0  }
0xf1: {  	[sflag:s11] =	ssyncadd.s32 $0xFFFFEC00  }
0xf2: {  	_ =	swait.ge [sflag:s12], $0x1400  }
0xf3: {  	[sflag:s12] =	ssyncset.done $0x0  }
0xf4: {  	[sflag:s12] =	ssyncadd.s32 $0xFFFFEC00  }
0xf5: {  	_ =	swait.ge [sflag:s12], $0x1400  }
0xf6: {  	[sflag:s12] =	ssyncset.done $0x0  }
0xf7: {  	p0 =	sne.s32 s17, $0x258;
	[sflag:s12] =	ssyncadd.s32 $0xFFFFEC00  }
.Ltmp0:
0xf8: {  	_ =	swait.ge [sflag:s13], $0x1400;
	(pc) =	sbr.rel @p0 .LBB2_2-.Ltmp0, $4  }
0xf9: {  	[sflag:s13] =	ssyncset.done $0x0  }
0xfa: {  	[sflag:s13] =	ssyncadd.s32 $0xFFFFEC00  }
0xfb: {  	_ =	swait.ge [sflag:s13], $0x1400  }
0xfc: {  	s17 =	sadd.s32 $0x14, s17;
	s18 =	rddreg [dreg:$0x9];
	[sflag:s13] =	ssyncset.done $0x0  }
0xfd: {  	s17 =	rddreg [dreg:$0x8];
	[sflag:s13] =	ssyncadd.s32 $0xFFFFEC00;
	s18 =	sadd.s32 s16, s18  }
0xfe: {  	[tilespmem:s2], [sflag:$0x1] =	stream.linear.gather [hbm4b:s18+s2], $0x28, $0x38;
	[tilespmem:$0xA400] =	vst v63  }
0xff: {  	s23 =	rddreg [dreg:$0x7];
	s19 =	simm.s32 $0x80;
	s17 =	sadd.s32 s16, s17  }
0x100: {  	[tilespmem:s19], [sflag:$0x1] =	stream.linear.gather [hbm4b:s17+s2], $0x28, $0x38;
	[tilespmem:$0xA400] =	vst v63  }
0x101: {  	s25 =	rddreg [dreg:$0x6];
	s22 =	simm.s32 $0x2900;
	s18 =	sadd.s32 s16, s23  }
0x102: {  	[tilespmem:s22], [sflag:$0x2] =	stream.linear.gather [hbm4b:s18+s2], $0x28, $0x38;
	[tilespmem:$0xA400] =	vst v63  }
0x103: {  	s26 =	rddreg [dreg:$0x5];
	s23 =	simm.s32 $0x2980;
	s17 =	sadd.s32 s16, s25  }
0x104: {  	[tilespmem:s23], [sflag:$0x2] =	stream.linear.gather [hbm4b:s17+s2], $0x28, $0x38;
	[tilespmem:$0xA400] =	vst v63  }
0x105: {  	s29 =	rddreg [dreg:$0x4];
	s25 =	simm.s32 $0x5200;
	s18 =	sadd.s32 s16, s26  }
0x106: {  	[tilespmem:s25], [sflag:$0x3] =	stream.linear.gather [hbm4b:s18+s2], $0x28, $0x38;
	[tilespmem:$0xA400] =	vst v63  }
0x107: {  	s30 =	rddreg [dreg:$0x3];
	s0 =	simm.s32 $0x5280;
	s17 =	sadd.s32 s16, s29  }
0x108: {  	[tilespmem:s0], [sflag:$0x3] =	stream.linear.gather [hbm4b:s17+s2], $0x28, $0x38;
	[tilespmem:$0xA400] =	vst v63  }
0x109: {  	s1 =	rddreg [dreg:$0x2];
	s26 =	simm.s32 $0x7B00;
	s18 =	sadd.s32 s16, s30  }
0x10a: {  	[tilespmem:s26], [sflag:$0x4] =	stream.linear.gather [hbm4b:s18+s2], $0x28, $0x38;
	[tilespmem:$0xA400] =	vst v63  }
0x10b: {  	s29 =	sadd.s32 s16, s1;
	s30 =	simm.s32 $0x7B80  }
0x10c: {  	[tilespmem:s30], [sflag:$0x4] =	stream.linear.gather [hbm4b:s29+s2], $0x28, $0x38;
	[tilespmem:$0xA400] =	vst v63  }
0x10d: {  	_ =	swait.ge [sflag:s20], $0x28  }
0x10e: {  	[sflag:s20] =	ssyncset.done $0x0  }
0x10f: {  	[sflag:s20] =	ssyncadd.s32 $0xFFFFFFD8  }
0x110: {  	_ =	swait.ge [sflag:s20], $0x28  }
0x111: {  	[sflag:s20] =	ssyncset.done $0x0  }
0x112: {  	s18 =	simm.s32 $0x100;
	[sflag:s20] =	ssyncadd.s32 $0xFFFFFFD8  }
0x113: {  	[tilespmem:s18], [sflag:$0x5] =	stream.indirect.gather [hbm4b:s3+s21], $0x80, s2, s21, $0xb8;
	[tilespmem:$0xA400] =	vst v63  }
0x114: {  	s29 =	simm.s32 $0x1500  }
0x115: {  	[tilespmem:s29], [sflag:$0x5] =	stream.indirect.gather [hbm4b:s4+s21], $0x80, s19, s21, $0xb8;
	[tilespmem:$0xA400] =	vst v63  }
0x116: {  	_ =	swait.ge [sflag:s24], $0x28  }
0x117: {  	[sflag:s24] =	ssyncset.done $0x0  }
0x118: {  	[sflag:s24] =	ssyncadd.s32 $0xFFFFFFD8  }
0x119: {  	_ =	swait.ge [sflag:s24], $0x28  }
0x11a: {  	[sflag:s24] =	ssyncset.done $0x0  }
0x11b: {  	s1 =	simm.s32 $0x2A00;
	[sflag:s24] =	ssyncadd.s32 $0xFFFFFFD8  }
0x11c: {  	[tilespmem:s1], [sflag:$0x6] =	stream.indirect.gather [hbm4b:s3+s21], $0x80, s22, s21, $0xb8;
	[tilespmem:$0xA400] =	vst v63  }
0x11d: {  	s22 =	simm.s32 $0x3E00  }
0x11e: {  	[tilespmem:s22], [sflag:$0x6] =	stream.indirect.gather [hbm4b:s4+s21], $0x80, s23, s21, $0xb8;
	[tilespmem:$0xA400] =	vst v63  }
0x11f: {  	_ =	swait.ge [sflag:s28], $0x28  }
0x120: {  	[sflag:s28] =	ssyncset.done $0x0  }
0x121: {  	[sflag:s28] =	ssyncadd.s32 $0xFFFFFFD8  }
0x122: {  	_ =	swait.ge [sflag:s28], $0x28  }
0x123: {  	[sflag:s28] =	ssyncset.done $0x0  }
0x124: {  	s23 =	simm.s32 $0x5300;
	[sflag:s28] =	ssyncadd.s32 $0xFFFFFFD8  }
0x125: {  	[tilespmem:s23], [sflag:$0x7] =	stream.indirect.gather [hbm4b:s3+s21], $0x80, s25, s21, $0xb8;
	[tilespmem:$0xA400] =	vst v63  }
0x126: {  	s25 =	simm.s32 $0x6700  }
0x127: {  	[tilespmem:s25], [sflag:$0x7] =	stream.indirect.gather [hbm4b:s4+s21], $0x80, s0, s21, $0xb8;
	[tilespmem:$0xA400] =	vst v63  }
0x128: {  	_ =	swait.ge [sflag:s31], $0x28  }
0x129: {  	[sflag:s31] =	ssyncset.done $0x0  }
0x12a: {  	[sflag:s31] =	ssyncadd.s32 $0xFFFFFFD8  }
0x12b: {  	_ =	swait.ge [sflag:s31], $0x28  }
0x12c: {  	[sflag:s31] =	ssyncset.done $0x0  }
0x12d: {  	s0 =	simm.s32 $0x7C00;
	[sflag:s31] =	ssyncadd.s32 $0xFFFFFFD8  }
0x12e: {  	[tilespmem:s0], [sflag:$0x8] =	stream.indirect.gather [hbm4b:s3+s21], $0x80, s26, s21, $0xb8;
	[tilespmem:$0xA400] =	vst v63  }
0x12f: {  	s26 =	simm.s32 $0x9000  }
0x130: {  	[tilespmem:s26], [sflag:$0x8] =	stream.indirect.gather [hbm4b:s4+s21], $0x80, s30, s21, $0xb8;
	[tilespmem:$0xA400] =	vst v63  }
0x131: {  	_ =	swait.ge [sflag:s5], $0x1400  }
0x132: {  	[sflag:s5] =	ssyncset.done $0x0  }
0x133: {  	[sflag:s5] =	ssyncadd.s32 $0xFFFFEC00  }
0x134: {  	_ =	swait.ge [sflag:s5], $0x1400  }
0x135: {  	s15 =	sadd.s32 $0xA00, s15;
	[sflag:s5] =	ssyncset.done $0x0  }
0x136: {  	s14 =	sadd.s32 $0xA00, s14;
	s15 =	sadd.s32 s15, s10;
	[sflag:s5] =	ssyncadd.s32 $0xFFFFEC00  }
0x137: {  	[hbm4b:s15+s2] =	stream.linear.scatter [tilespmem:s18], [sflag:$0x9], $0x1400, $0x38;
	[tilespmem:$0xA400] =	vst v63  }
0x138: {  	s14 =	sadd.s32 s14, s10  }
0x139: {  	[hbm4b:s14+s2] =	stream.linear.scatter [tilespmem:s29], [sflag:$0x9], $0x1400, $0x38;
	[tilespmem:$0xA400] =	vst v63  }
0x13a: {  	_ =	swait.ge [sflag:s6], $0x1400  }
0x13b: {  	[sflag:s6] =	ssyncset.done $0x0  }
0x13c: {  	[sflag:s6] =	ssyncadd.s32 $0xFFFFEC00  }
0x13d: {  	_ =	swait.ge [sflag:s6], $0x1400  }
0x13e: {  	[sflag:s6] =	ssyncset.done $0x0  }
0x13f: {  	s30 =	sadd.s32 $0x280, s15;
	[sflag:s6] =	ssyncadd.s32 $0xFFFFEC00  }
0x140: {  	[hbm4b:s30+s2] =	stream.linear.scatter [tilespmem:s1], [sflag:$0xA], $0x1400, $0x38;
	[tilespmem:$0xA400] =	vst v63  }
0x141: {  	s17 =	sadd.s32 $0x280, s14  }
0x142: {  	[hbm4b:s17+s2] =	stream.linear.scatter [tilespmem:s22], [sflag:$0xA], $0x1400, $0x38;
	[tilespmem:$0xA400] =	vst v63  }
0x143: {  	_ =	swait.ge [sflag:s7], $0x1400  }
0x144: {  	[sflag:s7] =	ssyncset.done $0x0  }
0x145: {  	[sflag:s7] =	ssyncadd.s32 $0xFFFFEC00  }
0x146: {  	_ =	swait.ge [sflag:s7], $0x1400  }
0x147: {  	[sflag:s7] =	ssyncset.done $0x0  }
0x148: {  	s30 =	sadd.s32 $0x500, s15;
	[sflag:s7] =	ssyncadd.s32 $0xFFFFEC00  }
0x149: {  	[hbm4b:s30+s2] =	stream.linear.scatter [tilespmem:s23], [sflag:$0xB], $0x1400, $0x38;
	[tilespmem:$0xA400] =	vst v63  }
0x14a: {  	s1 =	sadd.s32 $0x500, s14  }
0x14b: {  	[hbm4b:s1+s2] =	stream.linear.scatter [tilespmem:s25], [sflag:$0xB], $0x1400, $0x38;
	[tilespmem:$0xA400] =	vst v63  }
0x14c: {  	_ =	swait.ge [sflag:s8], $0x1400  }
0x14d: {  	[sflag:s8] =	ssyncset.done $0x0  }
0x14e: {  	[sflag:s8] =	ssyncadd.s32 $0xFFFFEC00  }
0x14f: {  	_ =	swait.ge [sflag:s8], $0x1400  }
0x150: {  	[sflag:s8] =	ssyncset.done $0x0  }
0x151: {  	s15 =	sadd.s32 $0x780, s15;
	[sflag:s8] =	ssyncadd.s32 $0xFFFFEC00  }
0x152: {  	[hbm4b:s15+s2] =	stream.linear.scatter [tilespmem:s0], [sflag:$0xC], $0x1400, $0x38;
	[tilespmem:$0xA400] =	vst v63  }
0x153: {  	s14 =	sadd.s32 $0x780, s14  }
0x154: {  	[hbm4b:s14+s2] =	stream.linear.scatter [tilespmem:s26], [sflag:$0xC], $0x1400, $0x38;
	[tilespmem:$0xA400] =	vst v63  }
0x155: {  	_ =	swait.ge [sflag:s9], $0x1400  }
0x156: {  	[sflag:s9] =	ssyncset.done $0x0  }
0x157: {  	[sflag:s9] =	ssyncadd.s32 $0xFFFFEC00  }
0x158: {  	_ =	swait.ge [sflag:s9], $0x1400  }
0x159: {  	[sflag:s9] =	ssyncset.done $0x0  }
0x15a: {  	[sflag:s9] =	ssyncadd.s32 $0xFFFFEC00  }
0x15b: {  	_ =	swait.ge [sflag:s11], $0x1400  }
0x15c: {  	[sflag:s11] =	ssyncset.done $0x0  }
0x15d: {  	[sflag:s11] =	ssyncadd.s32 $0xFFFFEC00  }
0x15e: {  	_ =	swait.ge [sflag:s11], $0x1400  }
0x15f: {  	[sflag:s11] =	ssyncset.done $0x0  }
0x160: {  	[sflag:s11] =	ssyncadd.s32 $0xFFFFEC00  }
0x161: {  	_ =	swait.ge [sflag:s12], $0x1400  }
0x162: {  	[sflag:s12] =	ssyncset.done $0x0  }
0x163: {  	[sflag:s12] =	ssyncadd.s32 $0xFFFFEC00  }
0x164: {  	_ =	swait.ge [sflag:s12], $0x1400  }
0x165: {  	[sflag:s12] =	ssyncset.done $0x0  }
0x166: {  	[sflag:s12] =	ssyncadd.s32 $0xFFFFEC00  }
0x167: {  	_ =	swait.ge [sflag:s13], $0x1400  }
0x168: {  	[sflag:s13] =	ssyncset.done $0x0  }
0x169: {  	[sflag:s13] =	ssyncadd.s32 $0xFFFFEC00  }
0x16a: {  	_ =	swait.ge [sflag:s13], $0x1400  }
0x16b: {  	[sflag:s13] =	ssyncset.done $0x0  }
0x16c: {  	s22 =	simm.s32 $0xD;
	s17 =	rddreg [dreg:$0xa];
	[sflag:s13] =	ssyncadd.s32 $0xFFFFEC00  }
0x16d: {  	[tilespmem:s2], [sflag:$0xD] =	stream.linear.gather [hbm4b:s17+s2], $0x28, $0x38;
	[tilespmem:$0xA400] =	vst v63  }
0x16e: {  	_ =	swait.ge [sflag:s22], $0x28  }
0x16f: {  	[sflag:s22] =	ssyncset.done $0x0  }
0x170: {  	s23 =	rddreg [dreg:$0xb];
	[sflag:s22] =	ssyncadd.s32 $0xFFFFFFD8  }
0x171: {  	[tilespmem:s19], [sflag:$0xD] =	stream.linear.gather [hbm4b:s23+s2], $0x28, $0x38;
	[tilespmem:$0xA400] =	vst v63  }
0x172: {  	_ =	swait.ge [sflag:s22], $0x28  }
0x173: {  	[sflag:s22] =	ssyncset.done $0x0  }
0x174: {  	[sflag:s22] =	ssyncadd.s32 $0xFFFFFFD8  }
0x175: {  	[tilespmem:s18], [sflag:$0x5] =	stream.indirect.gather [hbm4b:s3+s21], $0x80, s2, s21, $0xb8;
	[tilespmem:$0xA400] =	vst v63  }
0x176: {  	_ = 	snop  }
0x177: {  	[tilespmem:s29], [sflag:$0x5] =	stream.indirect.gather [hbm4b:s4+s21], $0x80, s19, s21, $0xb8;
	[tilespmem:$0xA400] =	vst v63  }
0x178: {  	_ =	swait.ge [sflag:s5], $0x1400  }
0x179: {  	[sflag:s5] =	ssyncset.done $0x0  }
0x17a: {  	[sflag:s5] =	ssyncadd.s32 $0xFFFFEC00  }
0x17b: {  	_ =	swait.ge [sflag:s5], $0x1400  }
0x17c: {  	[sflag:s5] =	ssyncset.done $0x0  }
0x17d: {  	s25 =	rddreg [dreg:$0xc];
	[sflag:s5] =	ssyncadd.s32 $0xFFFFEC00  }
0x17e: {  	[hbm4b:s25+s2] =	stream.linear.scatter [tilespmem:s18], [sflag:$0xD], $0x1400, $0x38;
	[tilespmem:$0xA400] =	vst v63  }
0x17f: {  	_ =	swait.ge [sflag:s22], $0x1400  }
0x180: {  	[sflag:s22] =	ssyncset.done $0x0  }
0x181: {  	s26 =	rddreg [dreg:$0xd];
	[sflag:s22] =	ssyncadd.s32 $0xFFFFEC00  }
0x182: {  	[hbm4b:s26+s2] =	stream.linear.scatter [tilespmem:s29], [sflag:$0xD], $0x1400, $0x38;
	[tilespmem:$0xA400] =	vst v63  }
0x183: {  	_ =	swait.ge [sflag:s22], $0x1400  }
0x184: {  	s29 =	rddreg [dreg:$0x11]  }
0x185: {  	s30 =	rddreg [dreg:$0xe];
	s1 =	sadd.s32 $0x1, s29  }
0x186: {  	p0 =	sne.s32 s1, s30  }
.Ltmp1:
0x187: {  	_ = 	snop;
	(pc) =	sbr.rel @p0 .LBB2_1-.Ltmp1, $3  }
0x188: {  	_ =	sdelay $0x1  }
0x189: {  	[sflag:s22] =	ssyncset.done $0x0  }
0x18a: {  	[sflag:s22] =	ssyncadd.s32 $0xFFFFEC00  }
0x18b: {  	_ =	sfence.sel $0x180000  }
0x18c: {  	[bflag:$0x0] =	sbarrier.arrive $0xFFFF  }
0x18d: {  	_ =	strace $0x90000047  }
0x18e: {  	s0 =	stileid.u32;
	[bflag:$0x2] =	sbarrier.arrive $0xFFFF  }
0x18f: {  	p0 =	sne.s32 s0, $0x0;
	s0 =	rddreg [dreg:$0x1]  }
0x190: {  	s0 =	sadd.s32 @!p0 $0x100000, s0  }
0x191: {  	[sflag:s0] =	ssyncadd.tile.s32 @!p0 $0x1;
	_ =	shalt  }
.Lfunc_end2:
_tile_overlayer_lowered:
.L_overlay_start_2:
0x192: {  	(tag) =	ssettag $0x2  }
0x193: {  	s0 =	rddreg [dreg:$0x0];
	s2 =	stileid.u32  }
0x194: {  	s1 =	rddreg [dreg:$0x1];
	p0 =	sne.s32 s2, $0x0  }
0x195: {  	s3 =	rddreg [dreg:$0x2];
	[bflag:$0x3] =	sbarrier.arrive $0xFFFF;
	s2 =	simm.s32 @!p0 $0x1C0D  }
0x196: {  	[timem:s3], [sflag:s2] =	dma.local @!p0 [hbm:s0], s1  }
0x197: {  	s0 =	simm.s32 @!p0 $0xD  }
0x198: {  	_ =	swait.ge @!p0 [sflag:s0], s1  }
0x199: {  	s1 =	ssub.s32 @!p0 $0x0, s1;
	[sflag:s0] =	ssyncset.done @!p0 $0x0  }
0x19a: {  	[sflag:s0] =	ssyncadd.s32 @!p0 s1  }
0x19b: {  	[bflag:$0x3] =	sbarrier.arrive $0xFFFF  }
0x19c: {  	_ =	shalt  }

// kernel: kernel.15.cloned.1.call-start
scs
__scs_entry_jumppad:
0x0: {  	(pc) =	sbr.rel $0x88, $3  }
0x1: {  	(tag) =	ssettag $0x0;
	lr =	simm.s32 $0x1  }
0x2: {  	[smem:$0x3F97] =	sst lr;
	_ =	strace $0xD0000000  }
0x3: {  	_ = 	snop  }
0x4: {  	_ = 	snop  }
0x5: {  	_ = 	snop  }
0x6: {  	_ = 	snop  }
0x7: {  	_ = 	snop  }
__scs_overlays_trampoline_lowered:
0x8: {  	[smem:$0x3FA6] =	sst s0  }
0x9: {  	[smem:$0x3FA7] =	sst s1  }
0xa: {  	[smem:$0x3FA8] =	sst s2  }
0xb: {  	[smem:$0x3FA9] =	sst s3  }
0xc: {  	[smem:$0x3FAA] =	sst s4  }
0xd: {  	[smem:$0x3FAB] =	sst s5  }
0xe: {  	[smem:$0x3FAC] =	sst s6  }
0xf: {  	[smem:$0x3FAD] =	sst s7  }
0x10: {  	[smem:$0x3FAE] =	sst s8  }
0x11: {  	[smem:$0x3FAF] =	sst s9;
	s0 =	simm.s32 @!p0 $0x0  }
0x12: {  	s1 =	sld [smem:$0x3F95];
	s0 =	simm.s32 @p0 $0x1  }
0x13: {  	[smem:$0x3FB0] =	sst s0;
	s0 =	simm.s32 @!p1 $0x0  }
0x14: {  	s2 =	sld [smem:$0x3F94];
	s0 =	simm.s32 @p1 $0x1  }
0x15: {  	[smem:$0x3FB1] =	sst s0;
	s0 =	simm.s32 @!p2 $0x0  }
0x16: {  	s3 =	sld [smem:$0x3FDB];
	s0 =	simm.s32 @p2 $0x1  }
0x17: {  	s4 =	simm.s32 $0x1BF5;
	[smem:$0x3FB3] =	sst s0  }
0x18: {  	s0 =	sld [smem:$0x3F96];
	_ =	swait.ge [sflag:s4], $0x0  }
0x19: {  	s7 =	sld [smem:$0x3F97]  }
0x1a: {  	s8 =	sadd.s32 $0xFFFFE003, lr  }
0x1b: {  	s9 =	sadd.s32 $0xFFFFFEF7, lr;
	s5 =	simm.s32 $0xFFFFFFFF;
	p2 =	slt.u32 s8, $0xFFFFF086  }
0x1c: {  	p1 =	slt.u32 s9, $0xF7A;
	s5 =	simm.s32 @!p2 $0x0  }
0x1d: {  	s5 =	simm.s32 @p1 $0x1;
	p0 =	seq.s32 s7, s2  }
0x1e: {  	s7 =	smul.u32 @!p0 $0xF7A, s2;
	p2 =	seq.s32 @!p0 s5, $0x0  }
0x1f: {  	s9 =	smul.u32 $0xF7A, s1;
	s8 =	simm.s32 @!p0 $0x1BF5;
	p2 =	por !p2, p0  }
0x20: {  	[sflag:s8] =	ssyncset.s32 @!p0 $0xFFFFF086;
	s6 =	sadd.s32 @!p0 s3, s7;
	s7 =	simm.s32 @!p0 $0x108  }
0x21: {  	s3 =	sadd.s32 s3, s9;
	s6 =	sadd.s32 @!p0 $0x88, s6;
	s7 =	simm.s32 @p2 $0x1082  }
0x22: {  	[simem:s7], [sflag:s8] =	dma.local @!p0 [hbm:s6], $0xF7A  }
0x23: {  	s9 =	sor.u32 $0xD0000000, s2;
	s6 =	simm.s32 $0x108;
	_ =	swait.ge @!p0 [sflag:s8], $0x0  }
0x24: {  	s3 =	sadd.s32 $0x88, s3;
	s6 =	simm.s32 @!p1 $0x1082;
	[sflag:s4] =	ssyncset.s32 $0xFFFFF086  }
0x25: {  	[simem:s6], [sflag:s4] =	dma.local [hbm:s3], $0xF7A  }
0x26: {  	[smem:$0x3F97] =	sst s1;
	(tag) =	ssettag s2;
	_ =	strace s9  }
0x27: {  	s1 =	sld [smem:$0x3FA7]  }
0x28: {  	s2 =	sld [smem:$0x3FA8]  }
0x29: {  	s4 =	sld [smem:$0x3FAA]  }
0x2a: {  	p0 =	seq.s32 s5, $0x0;
	s5 =	sld [smem:$0x3FAB]  }
0x2b: {  	s6 =	sld [smem:$0x3FAC]  }
0x2c: {  	s7 =	sld [smem:$0x3FAD]  }
0x2d: {  	s3 =	simm.s32 $0x108;
	s8 =	sld [smem:$0x3FAE]  }
0x2e: {  	s3 =	simm.s32 @!p0 $0x1082;
	s9 =	sld [smem:$0x3FAF]  }
0x2f: {  	lr =	sadd.s32 s0, s3;
	s0 =	sld [smem:$0x3FA6]  }
0x30: {  	s3 =	sld [smem:$0x3FA9]  }
0x31: {  	[smem:$0x3FB2] =	sst s10  }
0x32: {  	s10 =	sld [smem:$0x3FB0];
	_ =	sdelay $0x3  }
0x33: {  	p0 =	seq.s32 s10, $0x1;
	s10 =	sld [smem:$0x3FB2];
	_ =	sdelay $0x3  }
0x34: {  	[smem:$0x3FB2] =	sst s10  }
0x35: {  	s10 =	sld [smem:$0x3FB1];
	_ =	sdelay $0x3  }
0x36: {  	p1 =	seq.s32 s10, $0x1;
	s10 =	sld [smem:$0x3FB2];
	_ =	sdelay $0x3  }
0x37: {  	[smem:$0x3FB2] =	sst s10  }
0x38: {  	s10 =	sld [smem:$0x3FB3]  }
0x39: {  	_ = 	snop;
	(pc) =	sbr.ind lr, $3  }
0x3a: {  	_ = 	snop  }
0x3b: {  	_ = 	snop  }
0x3c: {  	p2 =	seq.s32 s10, $0x1;
	s10 =	sld [smem:$0x3FB2]  }
0x3d: {  	_ =	shalt  }
0x3e: {  	_ =	shalt  }
0x3f: {  	_ =	shalt  }
0x40: {  	_ =	shalt  }
0x41: {  	_ =	shalt  }
0x42: {  	_ =	shalt  }
0x43: {  	_ =	shalt  }
0x44: {  	_ =	shalt  }
0x45: {  	_ =	shalt  }
0x46: {  	_ =	shalt  }
0x47: {  	_ =	shalt  }
0x48: {  	_ =	shalt  }
0x49: {  	_ =	shalt  }
0x4a: {  	_ =	shalt  }
0x4b: {  	_ =	shalt  }
0x4c: {  	_ =	shalt  }
0x4d: {  	_ =	shalt  }
0x4e: {  	_ =	shalt  }
0x4f: {  	_ =	shalt  }
0x50: {  	_ =	shalt  }
0x51: {  	_ =	shalt  }
0x52: {  	_ =	shalt  }
0x53: {  	_ =	shalt  }
0x54: {  	_ =	shalt  }
0x55: {  	_ =	shalt  }
0x56: {  	_ =	shalt  }
0x57: {  	_ =	shalt  }
0x58: {  	_ =	shalt  }
0x59: {  	_ =	shalt  }
0x5a: {  	_ =	shalt  }
0x5b: {  	_ =	shalt  }
0x5c: {  	_ =	shalt  }
0x5d: {  	_ =	shalt  }
0x5e: {  	_ =	shalt  }
0x5f: {  	_ =	shalt  }
0x60: {  	_ =	shalt  }
0x61: {  	_ =	shalt  }
0x62: {  	_ =	shalt  }
0x63: {  	_ =	shalt  }
0x64: {  	_ =	shalt  }
0x65: {  	_ =	shalt  }
0x66: {  	_ =	shalt  }
0x67: {  	_ =	shalt  }
0x68: {  	_ =	shalt  }
0x69: {  	_ =	shalt  }
0x6a: {  	_ =	shalt  }
0x6b: {  	_ =	shalt  }
0x6c: {  	_ =	shalt  }
0x6d: {  	_ =	shalt  }
0x6e: {  	_ =	shalt  }
0x6f: {  	_ =	shalt  }
0x70: {  	_ =	shalt  }
0x71: {  	_ =	shalt  }
0x72: {  	_ =	shalt  }
0x73: {  	_ =	shalt  }
0x74: {  	_ =	shalt  }
0x75: {  	_ =	shalt  }
0x76: {  	_ =	shalt  }
0x77: {  	_ =	shalt  }
0x78: {  	_ =	shalt  }
0x79: {  	_ =	shalt  }
0x7a: {  	_ =	shalt  }
0x7b: {  	_ =	shalt  }
0x7c: {  	_ =	shalt  }
0x7d: {  	_ =	shalt  }
0x7e: {  	_ =	shalt  }
0x7f: {  	_ =	shalt  }
0x80: {  	_ =	shalt  }
0x81: {  	_ =	shalt  }
0x82: {  	_ =	shalt  }
0x83: {  	_ =	shalt  }
0x84: {  	_ =	shalt  }
0x85: {  	_ =	shalt  }
0x86: {  	_ =	shalt  }
0x87: {  	_ =	shalt  }
.Lfunc_end0:
.L_simem_size_0:
called_computation.2_lowered:
.L_overlay_start_0:
0x88: {  	s2 =	sld [smem:$0x3FD9]  }
0x89: {  	s3 =	sld [smem:$0x3FFE];
	_ =	sdelay $0x1  }
0x8a: {  	s1 =	srdreg.scid  }
0x8b: {  	s0 =	sand.u32 $0x1, s1  }
0x8c: {  	s16 =	sshll.u32 s0, $0xA;
	s2 =	sadd.s32 s3, s2  }
0x8d: {  	s2 =	sadd.s32 s2, s16  }
0x8e: {  	[smem:$0x3FBE] =	sst s2  }
0x8f: {  	_ = 	snop  }
0x90: {  	(tm) =	ssettm $0x1  }
0x91: {  	s17 =	sld [smem:$0x3FFB];
	_ =	sdelay $0x3  }
0x92: {  	_ =	strace s17  }
0x93: {  	s2 =	sld [smem:$0x3FFC];
	_ =	sdelay $0x3  }
0x94: {  	_ =	strace s2  }
0x95: {  	s2 =	sld [smem:$0x3FFD];
	_ =	sdelay $0x3  }
0x96: {  	_ =	strace s2  }
0x97: {  	_ =	strace $0x8FFFFFFF  }
0x98: {  	s18 =	sld [smem:$0x3FDB];
	_ =	sdelay $0x1  }
0x99: {  	s19 =	simm.s32 $_scs_section_size  }
0x9a: {  	s4 =	simm.s32 $_size__tile_overlayer_lowered;
	s5 =	simm.s32 $_tile_overlayer_lowered  }
0x9b: {  	s22 =	simm.s32 $0x1BFF;
	s21 =	sshll.u32 s5, $0x1;
	s2 =	sadd.s32 s19, s18  }
0x9c: {  	s6 =	simm.s32 $0x0;
	s20 =	sshll.u32 s4, $0x1;
	s4 =	sadd.s32 s21, s2  }
0x9d: {  	[timem:s6], [sflag:s22] =	dma.local [hbm:s4], s20  }
0x9e: {  	_ =	swait.ge [sflag:s22], s20  }
0x9f: {  	s3 =	ssub.s32 $0x0, s20;
	[sflag:s22] =	ssyncset.done $0x0  }
0xa0: {  	[sflag:s22] =	ssyncadd.s32 s3;
	_ =	sdelay $0x1  }
0xa1: {  	s23 =	simm.s32 $0x1B8B  }
0xa2: {  	_ =	swait.ge [sflag:s23], $0x1  }
0xa3: {  	[sflag:s23] =	ssyncset.done $0x0  }
0xa4: {  	s25 =	simm.s32 $0x1B8E;
	s24 =	sld [smem:$0x3FFE];
	[sflag:s23] =	ssyncadd.s32 $0xFFFFFFFF  }
0xa5: {  	s26 =	simm.s32 $execute0_lowered;
	[smem:$0x3FD2] =	sst s25  }
0xa6: {  	s4 =	sshll.u32 s26, $0x1;
	_ =	strace $0x8000004C;
	[dreg:$0x1] =	wrdreg $0xFFFFFFFF  }
0xa7: {  	s28 =	simm.s32 $_size_execute0_lowered;
	s2 =	sadd.s32 s2, s4;
	[dreg:$0x0] =	wrdreg $0x0  }
0xa8: {  	s4 =	sshll.u32 s28, $0x1;
	[dreg:$0x2] =	wrdreg s2  }
0xa9: {  	[dreg:$0x3] =	wrdreg s4  }
0xaa: {  	[dreg:$0x4] =	wrdreg $0xC0  }
0xab: {  	_ =	task [dreg:s6], $0x5FFFF  }
0xac: {  	[dreg:$0x1] =	wrdreg $0xFFFFFFFF  }
0xad: {  	[dreg:$0x0] =	wrdreg $0x60  }
0xae: {  	[dreg:$0x2] =	wrdreg s24  }
0xaf: {  	[dreg:$0x3] =	wrdreg $0x9  }
0xb0: {  	_ =	task.clear_ibuf [dreg:s6], $0x4FFFF;
	_ =	strace $0x9000004C  }
0xb1: {  	s29 =	simm.s32 $0x9;
	_ =	strace $0x8000004E  }
0xb2: {  	_ =	swait.ge [sflag:s29], $0x1  }
0xb3: {  	[sflag:s29] =	ssyncadd.s32 $0xFFFFFFFF  }
0xb4: {  	_ =	strace $0x9000004E  }
0xb5: {  	_ =	sfence  }
0xb6: {  	s30 =	sld [smem:$0x0];
	_ =	sdelay $0x2  }
0xb7: {  	s31 =	sshll.u32 s1, $0xD;
	s1 =	sshrl.u32 s1, $0x2  }
0xb8: {  	s3 =	sand.u32 $0x4000, s31;
	s1 =	sadd.s32 s1, s30  }
0xb9: {  	s0 =	sor.u32 s3, s0;
	s1 =	sshll.u32 s1, $0x11  }
0xba: {  	s0 =	sor.u32 s1, s0  }
0xbb: {  	s0 =	sadd.s32 $0x8F2B, s0  }
0xbc: {  	[sflag:s0] =	ssyncadd.remote.s32 $0x1  }
0xbd: {  	_ =	sfence.sel $0xFFFF  }
0xbe: {  	[dreg:$0x0] =	wrdreg $0xFFFFFFFF;
	(pc) =	sbr.abs _section_cstart, $3  }
0xbf: {  	[dreg:$0x1] =	wrdreg $0xFFFFFFFF  }
0xc0: {  	_ =	task.clear_ibuf [dreg:s6], $0x2FFFF;
	_ =	strace $0x9FFFFFFF  }
0xc1: {  	(tm) =	ssettm $0x7FFFFFFF  }
tec
execute0_lowered:
.L_overlay_start_1:
0x0: {  	(tag) =	ssettag $0x1  }
0x1: {  	s7 =	rddreg [dreg:$0x0]  }
0x2: {  	s0 =	rddreg [dreg:$0x1]  }
0x3: {  	s2 =	simm.s32 $0x0;
	s3 =	srdreg.scid;
	s1 =	stileid.u32  }
0x4: {  	s13 =	simm.s32 $0x800;
	s14 =	simm.s32 $0x1000;
	s15 =	simm.s32 $0x1800  }
0x5: {  	s16 =	simm.s32 $0x2000;
	s17 =	simm.s32 $0x4780;
	s18 =	simm.s32 $0x6F00  }
0x6: {  	s19 =	simm.s32 $0x0;
	s5 =	sand.u32 $0x1, s3;
	s4 =	sshll.u32 s1, $0x1  }
0x7: {  	[smem:$0x7FF] =	sst s2;
	s3 =	sadd.s32 $0x17400, s7;
	s8 =	sor.u32 s5, s4  }
0x8: {  	s6 =	sadd.s32 $0xD600, s7;
	s10 =	ssub.s32 $0x2, s5;
	s9 =	smul.u32 $0x4F0, s8  }
0x9: {  	_ =	strace $0x8000004D;
	s4 =	sadd.s32 $0x21200, s7;
	s11 =	sshrl.u32 s10, $0x1  }
0xa: {  	s5 =	sadd.s32 $0x3800, s7;
	s11 =	ssub.s32 s10, s11;
	s12 =	sadd.s32 s9, s7  }
0xb: {  	s7 =	smul.u32 $0x2710, s8;
	s11 =	smax.u32 s11, $0x1;
	s8 =	sadd.s32 $0x2B000, s12  }
0xc: {  	v0 =	vimm.f32 $0.0e+00;
	s9 =	sadd.s32 $0x34E00, s12;
	s10 =	sadd.s32 $0x3EC00, s12;
	s12 =	simm.s32 $0x1  }
.LBB2_1:
0xd: {  	s20 =	simm.s32 $0x40;
	s21 =	simm.s32 $0x0  }
.LBB2_2:
0xe: {  	p0 =	sne.s32 s20, $0x9C00;
	[tilespmem:s21+$0x6F00] =	vst v0;
	s22 =	smov.u32 s20;
	s20 =	sadd.s32 $0x40, s20  }
.Ltmp0:
0xf: {  	[tilespmem:s21+$0x2000] =	vst v0;
	(pc) =	sbr.rel @p0 .LBB2_2-.Ltmp0, $2  }
0x10: {  	[tilespmem:s21+$0x4780] =	vst v0;
	_ =	sdelay $0x2  }
0x11: {  	s21 =	sshra.s32 s22, $0x2  }
0x12: {  	[tilespmem:s21+$0x6F00] =	vst v0  }
0x13: {  	[tilespmem:s21+$0x2000] =	vst v0  }
0x14: {  	s20 =	simm.s32 $0x0;
	[tilespmem:s21+$0x4780] =	vst v0;
	s21 =	simm.s32 $0x0  }
.LBB2_4:
0x15: {  	s22 =	smul.u32 $0x7D0, s21;
	_ =	sdelay $0x1  }
0x16: {  	s22 =	sadd.s32 s7, s22  }
0x17: {  	s22 =	sshrl.u32 s22, $0x3  }
0x18: {  	s23 =	sadd.s32 s6, s22  }
0x19: {  	[tilespmem:s20], [sflag:$0x1] =	stream.linear.gather [hbm4b:s23+s20], $0x7D0, $0x38;
	[tilespmem:$0x9680] =	vst v63  }
0x1a: {  	_ =	swait.ge [sflag:s12], $0x7D0  }
0x1b: {  	[sflag:s12] =	ssyncset.done $0x0  }
0x1c: {  	s30 =	sadd.s32 s3, s22;
	[sflag:s12] =	ssyncadd.s32 $0xFFFFF830  }
0x1d: {  	[tilespmem:s13], [sflag:$0x1] =	stream.linear.gather [hbm4b:s30+s20], $0x7D0, $0x38;
	[tilespmem:$0x9680] =	vst v63  }
0x1e: {  	_ =	swait.ge [sflag:s12], $0x7D0  }
0x1f: {  	[sflag:s12] =	ssyncset.done $0x0  }
0x20: {  	s31 =	sadd.s32 s4, s22;
	[sflag:s12] =	ssyncadd.s32 $0xFFFFF830  }
0x21: {  	[tilespmem:s14], [sflag:$0x1] =	stream.linear.gather [hbm4b:s31+s20], $0x7D0, $0x38;
	[tilespmem:$0x9680] =	vst v63  }
0x22: {  	_ =	swait.ge [sflag:s12], $0x7D0  }
0x23: {  	[sflag:s12] =	ssyncset.done $0x0  }
0x24: {  	s22 =	sadd.s32 s5, s22;
	[sflag:s12] =	ssyncadd.s32 $0xFFFFF830  }
0x25: {  	[tilespmem:s15], [sflag:$0x1] =	stream.linear.gather [hbm4b:s22+s20], $0x7D0, $0x38;
	[tilespmem:$0x9680] =	vst v63  }
0x26: {  	_ =	swait.ge [sflag:s12], $0x7D0  }
0x27: {  	[sflag:s12] =	ssyncset.done $0x0  }
0x28: {  	s24 =	simm.s32 $0x0;
	[sflag:s12] =	ssyncadd.s32 $0xFFFFF830  }
0x29: {  	v1 =	vld [tilespmem:s24+$0x0];
	_ =	sdelay $0x2  }
0x2a: {  	v2 =	vld [tilespmem:s24+$0x800];
	_ =	sdelay $0x4  }
0x2b: {  	[tilespmem:v1+s16+$0x0] =	vst.idx.add.f32.msk $0xffff, v2  }
0x2c: {  	v2 =	vld [tilespmem:s24+$0x1000];
	_ =	sdelay $0x4  }
0x2d: {  	[tilespmem:v1+s17+$0x0] =	vst.idx.add.f32.msk $0xffff, v2  }
0x2e: {  	s23 =	simm.s32 $0x80;
	s22 =	simm.s32 $0x40;
	v2 =	vld [tilespmem:s24+$0x1800]  }
.LBB2_5:
0x2f: {  	_ =	sdelay $0x2  }
0x30: {  	p0 =	sne.s32 s23, $0x1F00  }
0x31: {  	s24 =	sshra.s32 s22, $0x2;
	s22 =	smov.u32 s23;
	s23 =	sadd.s32 $0x40, s23;
	[tilespmem:v1+s18+$0x0] =	vst.idx.add.f32.msk $0xffff, v2  }
0x32: {  	v1 =	vld [tilespmem:s24+$0x0];
	_ =	sdelay $0x2  }
0x33: {  	v2 =	vld [tilespmem:s24+$0x800];
	_ =	sdelay $0x4  }
0x34: {  	[tilespmem:v1+s16+$0x0] =	vst.idx.add.f32.msk $0xffff, v2  }
0x35: {  	v2 =	vld [tilespmem:s24+$0x1000];
	_ =	sdelay $0x1  }
.Ltmp1:
0x36: {  	(pc) =	sbr.rel @p0 .LBB2_5-.Ltmp1, $3  }
0x37: {  	_ =	sdelay $0x1  }
0x38: {  	[tilespmem:v1+s17+$0x0] =	vst.idx.add.f32.msk $0xffff, v2  }
0x39: {  	v2 =	vld [tilespmem:s24+$0x1800]  }
0x3a: {  	_ =	sdelay $0x3  }
0x3b: {  	s22 =	sshra.s32 s22, $0x2;
	[tilespmem:v1+s18+$0x0] =	vst.idx.add.f32.msk $0xffff, v2  }
0x3c: {  	v1 =	vld [tilespmem:s22+$0x0];
	_ =	sdelay $0x2  }
0x3d: {  	v2 =	vld [tilespmem:s22+$0x800];
	_ =	sdelay $0x4  }
0x3e: {  	[tilespmem:v1+s16+$0x0] =	vst.idx.add.f32.msk $0xffff, v2  }
0x3f: {  	v2 =	vld [tilespmem:s22+$0x1000];
	_ =	sdelay $0x4  }
0x40: {  	s21 =	sadd.s32 $0x1, s21;
	[tilespmem:v1+s17+$0x0] =	vst.idx.add.f32.msk $0xffff, v2  }
0x41: {  	p0 =	sne.s32 s21, $0x5;
	v2 =	vld [tilespmem:s22+$0x1800]  }
.Ltmp2:
0x42: {  	_ = 	snop;
	(pc) =	sbr.rel @p0 .LBB2_4-.Ltmp2, $2  }
0x43: {  	_ =	sdelay $0x2  }
0x44: {  	[tilespmem:v1+s18+$0x0] =	vst.idx.add.f32.msk $0xffff, v2  }
0x45: {  	[hbm4b:s8+s2] =	stream.linear.scatter [tilespmem:s16], [sflag:$0x1], $0x2780, $0x38;
	[tilespmem:$0x9680] =	vst v63  }
0x46: {  	_ =	swait.ge [sflag:s12], $0x2780  }
0x47: {  	[sflag:s12] =	ssyncset.done $0x0  }
0x48: {  	[sflag:s12] =	ssyncadd.s32 $0xFFFFD880  }
0x49: {  	[hbm4b:s9+s2] =	stream.linear.scatter [tilespmem:s17], [sflag:$0x1], $0x2780, $0x38;
	[tilespmem:$0x9680] =	vst v63  }
0x4a: {  	s19 =	sadd.s32 $0x1, s19;
	_ =	swait.ge [sflag:s12], $0x2780  }
0x4b: {  	p0 =	sne.s32 s19, s11;
	[sflag:s12] =	ssyncset.done $0x0  }
.Ltmp3:
0x4c: {  	[sflag:s12] =	ssyncadd.s32 $0xFFFFD880;
	(pc) =	sbr.rel @p0 .LBB2_1-.Ltmp3, $4  }
0x4d: {  	[hbm4b:s10+s2] =	stream.linear.scatter [tilespmem:s18], [sflag:$0x1], $0x2780, $0x38;
	[tilespmem:$0x9680] =	vst v63  }
0x4e: {  	_ =	swait.ge [sflag:s12], $0x2780  }
0x4f: {  	[sflag:s12] =	ssyncset.done $0x0  }
0x50: {  	[sflag:s12] =	ssyncadd.s32 $0xFFFFD880  }
0x51: {  	_ =	sfence.sel $0x180000  }
0x52: {  	[bflag:$0x0] =	sbarrier.arrive $0xFFFF  }
0x53: {  	p0 =	sne.s32 s1, $0x0;
	_ =	strace $0x9000004D  }
0x54: {  	s0 =	sadd.s32 @!p0 $0x100000, s0;
	[bflag:$0x2] =	sbarrier.arrive $0xFFFF  }
0x55: {  	[sflag:s0] =	ssyncadd.tile.s32 @!p0 $0x1;
	_ =	shalt  }
.Lfunc_end2:
_tile_overlayer_lowered:
.L_overlay_start_2:
0x56: {  	(tag) =	ssettag $0x2  }
0x57: {  	s0 =	rddreg [dreg:$0x0];
	s2 =	stileid.u32  }
0x58: {  	s1 =	rddreg [dreg:$0x1];
	p0 =	sne.s32 s2, $0x0  }
0x59: {  	s3 =	rddreg [dreg:$0x2];
	[bflag:$0x3] =	sbarrier.arrive $0xFFFF;
	s2 =	simm.s32 @!p0 $0x1C01  }
0x5a: {  	[timem:s3], [sflag:s2] =	dma.local @!p0 [hbm:s0], s1  }
0x5b: {  	s0 =	simm.s32 @!p0 $0x1  }
0x5c: {  	_ =	swait.ge @!p0 [sflag:s0], s1  }
0x5d: {  	s1 =	ssub.s32 @!p0 $0x0, s1;
	[sflag:s0] =	ssyncset.done @!p0 $0x0  }
0x5e: {  	[sflag:s0] =	ssyncadd.s32 @!p0 s1  }
0x5f: {  	[bflag:$0x3] =	sbarrier.arrive $0xFFFF  }
0x60: {  	_ =	shalt  }

// kernel: kernel.9.cloned.1.call-start
scs
__scs_entry_jumppad:
0x0: {  	(pc) =	sbr.rel $0x88, $3  }
0x1: {  	(tag) =	ssettag $0x0;
	lr =	simm.s32 $0x1  }
0x2: {  	[smem:$0x3F97] =	sst lr;
	_ =	strace $0xD0000000  }
0x3: {  	_ = 	snop  }
0x4: {  	_ = 	snop  }
0x5: {  	_ = 	snop  }
0x6: {  	_ = 	snop  }
0x7: {  	_ = 	snop  }
__scs_overlays_trampoline_lowered:
0x8: {  	[smem:$0x3FA6] =	sst s0  }
0x9: {  	[smem:$0x3FA7] =	sst s1  }
0xa: {  	[smem:$0x3FA8] =	sst s2  }
0xb: {  	[smem:$0x3FA9] =	sst s3  }
0xc: {  	[smem:$0x3FAA] =	sst s4  }
0xd: {  	[smem:$0x3FAB] =	sst s5  }
0xe: {  	[smem:$0x3FAC] =	sst s6  }
0xf: {  	[smem:$0x3FAD] =	sst s7  }
0x10: {  	[smem:$0x3FAE] =	sst s8  }
0x11: {  	[smem:$0x3FAF] =	sst s9;
	s0 =	simm.s32 @!p0 $0x0  }
0x12: {  	s1 =	sld [smem:$0x3F95];
	s0 =	simm.s32 @p0 $0x1  }
0x13: {  	[smem:$0x3FB0] =	sst s0;
	s0 =	simm.s32 @!p1 $0x0  }
0x14: {  	s2 =	sld [smem:$0x3F94];
	s0 =	simm.s32 @p1 $0x1  }
0x15: {  	[smem:$0x3FB1] =	sst s0;
	s0 =	simm.s32 @!p2 $0x0  }
0x16: {  	s3 =	sld [smem:$0x3FDB];
	s0 =	simm.s32 @p2 $0x1  }
0x17: {  	s4 =	simm.s32 $0x1BF5;
	[smem:$0x3FB3] =	sst s0  }
0x18: {  	s0 =	sld [smem:$0x3F96];
	_ =	swait.ge [sflag:s4], $0x0  }
0x19: {  	s7 =	sld [smem:$0x3F97]  }
0x1a: {  	s8 =	sadd.s32 $0xFFFFE003, lr  }
0x1b: {  	s9 =	sadd.s32 $0xFFFFFEF7, lr;
	s5 =	simm.s32 $0xFFFFFFFF;
	p2 =	slt.u32 s8, $0xFFFFF086  }
0x1c: {  	p1 =	slt.u32 s9, $0xF7A;
	s5 =	simm.s32 @!p2 $0x0  }
0x1d: {  	s5 =	simm.s32 @p1 $0x1;
	p0 =	seq.s32 s7, s2  }
0x1e: {  	s7 =	smul.u32 @!p0 $0xF7A, s2;
	p2 =	seq.s32 @!p0 s5, $0x0  }
0x1f: {  	s9 =	smul.u32 $0xF7A, s1;
	s8 =	simm.s32 @!p0 $0x1BF5;
	p2 =	por !p2, p0  }
0x20: {  	[sflag:s8] =	ssyncset.s32 @!p0 $0xFFFFF086;
	s6 =	sadd.s32 @!p0 s3, s7;
	s7 =	simm.s32 @!p0 $0x108  }
0x21: {  	s3 =	sadd.s32 s3, s9;
	s6 =	sadd.s32 @!p0 $0x88, s6;
	s7 =	simm.s32 @p2 $0x1082  }
0x22: {  	[simem:s7], [sflag:s8] =	dma.local @!p0 [hbm:s6], $0xF7A  }
0x23: {  	s9 =	sor.u32 $0xD0000000, s2;
	s6 =	simm.s32 $0x108;
	_ =	swait.ge @!p0 [sflag:s8], $0x0  }
0x24: {  	s3 =	sadd.s32 $0x88, s3;
	s6 =	simm.s32 @!p1 $0x1082;
	[sflag:s4] =	ssyncset.s32 $0xFFFFF086  }
0x25: {  	[simem:s6], [sflag:s4] =	dma.local [hbm:s3], $0xF7A  }
0x26: {  	[smem:$0x3F97] =	sst s1;
	(tag) =	ssettag s2;
	_ =	strace s9  }
0x27: {  	s1 =	sld [smem:$0x3FA7]  }
0x28: {  	s2 =	sld [smem:$0x3FA8]  }
0x29: {  	s4 =	sld [smem:$0x3FAA]  }
0x2a: {  	p0 =	seq.s32 s5, $0x0;
	s5 =	sld [smem:$0x3FAB]  }
0x2b: {  	s6 =	sld [smem:$0x3FAC]  }
0x2c: {  	s7 =	sld [smem:$0x3FAD]  }
0x2d: {  	s3 =	simm.s32 $0x108;
	s8 =	sld [smem:$0x3FAE]  }
0x2e: {  	s3 =	simm.s32 @!p0 $0x1082;
	s9 =	sld [smem:$0x3FAF]  }
0x2f: {  	lr =	sadd.s32 s0, s3;
	s0 =	sld [smem:$0x3FA6]  }
0x30: {  	s3 =	sld [smem:$0x3FA9]  }
0x31: {  	[smem:$0x3FB2] =	sst s10  }
0x32: {  	s10 =	sld [smem:$0x3FB0];
	_ =	sdelay $0x3  }
0x33: {  	p0 =	seq.s32 s10, $0x1;
	s10 =	sld [smem:$0x3FB2];
	_ =	sdelay $0x3  }
0x34: {  	[smem:$0x3FB2] =	sst s10  }
0x35: {  	s10 =	sld [smem:$0x3FB1];
	_ =	sdelay $0x3  }
0x36: {  	p1 =	seq.s32 s10, $0x1;
	s10 =	sld [smem:$0x3FB2];
	_ =	sdelay $0x3  }
0x37: {  	[smem:$0x3FB2] =	sst s10  }
0x38: {  	s10 =	sld [smem:$0x3FB3]  }
0x39: {  	_ = 	snop;
	(pc) =	sbr.ind lr, $3  }
0x3a: {  	_ = 	snop  }
0x3b: {  	_ = 	snop  }
0x3c: {  	p2 =	seq.s32 s10, $0x1;
	s10 =	sld [smem:$0x3FB2]  }
0x3d: {  	_ =	shalt  }
0x3e: {  	_ =	shalt  }
0x3f: {  	_ =	shalt  }
0x40: {  	_ =	shalt  }
0x41: {  	_ =	shalt  }
0x42: {  	_ =	shalt  }
0x43: {  	_ =	shalt  }
0x44: {  	_ =	shalt  }
0x45: {  	_ =	shalt  }
0x46: {  	_ =	shalt  }
0x47: {  	_ =	shalt  }
0x48: {  	_ =	shalt  }
0x49: {  	_ =	shalt  }
0x4a: {  	_ =	shalt  }
0x4b: {  	_ =	shalt  }
0x4c: {  	_ =	shalt  }
0x4d: {  	_ =	shalt  }
0x4e: {  	_ =	shalt  }
0x4f: {  	_ =	shalt  }
0x50: {  	_ =	shalt  }
0x51: {  	_ =	shalt  }
0x52: {  	_ =	shalt  }
0x53: {  	_ =	shalt  }
0x54: {  	_ =	shalt  }
0x55: {  	_ =	shalt  }
0x56: {  	_ =	shalt  }
0x57: {  	_ =	shalt  }
0x58: {  	_ =	shalt  }
0x59: {  	_ =	shalt  }
0x5a: {  	_ =	shalt  }
0x5b: {  	_ =	shalt  }
0x5c: {  	_ =	shalt  }
0x5d: {  	_ =	shalt  }
0x5e: {  	_ =	shalt  }
0x5f: {  	_ =	shalt  }
0x60: {  	_ =	shalt  }
0x61: {  	_ =	shalt  }
0x62: {  	_ =	shalt  }
0x63: {  	_ =	shalt  }
0x64: {  	_ =	shalt  }
0x65: {  	_ =	shalt  }
0x66: {  	_ =	shalt  }
0x67: {  	_ =	shalt  }
0x68: {  	_ =	shalt  }
0x69: {  	_ =	shalt  }
0x6a: {  	_ =	shalt  }
0x6b: {  	_ =	shalt  }
0x6c: {  	_ =	shalt  }
0x6d: {  	_ =	shalt  }
0x6e: {  	_ =	shalt  }
0x6f: {  	_ =	shalt  }
0x70: {  	_ =	shalt  }
0x71: {  	_ =	shalt  }
0x72: {  	_ =	shalt  }
0x73: {  	_ =	shalt  }
0x74: {  	_ =	shalt  }
0x75: {  	_ =	shalt  }
0x76: {  	_ =	shalt  }
0x77: {  	_ =	shalt  }
0x78: {  	_ =	shalt  }
0x79: {  	_ =	shalt  }
0x7a: {  	_ =	shalt  }
0x7b: {  	_ =	shalt  }
0x7c: {  	_ =	shalt  }
0x7d: {  	_ =	shalt  }
0x7e: {  	_ =	shalt  }
0x7f: {  	_ =	shalt  }
0x80: {  	_ =	shalt  }
0x81: {  	_ =	shalt  }
0x82: {  	_ =	shalt  }
0x83: {  	_ =	shalt  }
0x84: {  	_ =	shalt  }
0x85: {  	_ =	shalt  }
0x86: {  	_ =	shalt  }
0x87: {  	_ =	shalt  }
.Lfunc_end0:
.L_simem_size_0:
called_computation_lowered:
.L_overlay_start_0:
0x88: {  	s2 =	sld [smem:$0x3FD9]  }
0x89: {  	s3 =	sld [smem:$0x3FFE];
	_ =	sdelay $0x1  }
0x8a: {  	s1 =	srdreg.scid  }
0x8b: {  	s0 =	sand.u32 $0x1, s1  }
0x8c: {  	s17 =	sshll.u32 s0, $0xA;
	s2 =	sadd.s32 s3, s2  }
0x8d: {  	s2 =	sadd.s32 s2, s17  }
0x8e: {  	[smem:$0x3FBE] =	sst s2  }
0x8f: {  	_ = 	snop  }
0x90: {  	(tm) =	ssettm $0x1  }
0x91: {  	s18 =	sld [smem:$0x3FFB];
	_ =	sdelay $0x3  }
0x92: {  	_ =	strace s18  }
0x93: {  	s2 =	sld [smem:$0x3FFC];
	_ =	sdelay $0x3  }
0x94: {  	_ =	strace s2  }
0x95: {  	s2 =	sld [smem:$0x3FFD];
	_ =	sdelay $0x3  }
0x96: {  	_ =	strace s2  }
0x97: {  	_ =	strace $0x8FFFFFFF  }
0x98: {  	s19 =	sld [smem:$0x3FDB];
	_ =	sdelay $0x1  }
0x99: {  	s20 =	simm.s32 $_scs_section_size  }
0x9a: {  	s4 =	simm.s32 $_size__tile_overlayer_lowered;
	s5 =	simm.s32 $_tile_overlayer_lowered  }
0x9b: {  	s6 =	simm.s32 $0x1BFF;
	s21 =	sshll.u32 s5, $0x1;
	s3 =	sadd.s32 s20, s19  }
0x9c: {  	s22 =	simm.s32 $0x0;
	s4 =	sshll.u32 s4, $0x1;
	s5 =	sadd.s32 s21, s3  }
0x9d: {  	[timem:s22], [sflag:s6] =	dma.local [hbm:s5], s4  }
0x9e: {  	_ =	swait.ge [sflag:s6], s4  }
0x9f: {  	s4 =	ssub.s32 $0x0, s4;
	[sflag:s6] =	ssyncset.done $0x0  }
0xa0: {  	[sflag:s6] =	ssyncadd.s32 s4;
	_ =	sdelay $0x1  }
0xa1: {  	s23 =	simm.s32 $0x1B8B  }
0xa2: {  	_ =	swait.ge [sflag:s23], $0x1  }
0xa3: {  	[sflag:s23] =	ssyncset.done $0x0  }
0xa4: {  	[sflag:s23] =	ssyncadd.s32 $0xFFFFFFFF  }
0xa5: {  	s4 =	sld [smem:$0x0]  }
0xa6: {  	s5 =	sand.u32 $0xFFFFFFFE, s1  }
0xa7: {  	p0 =	sne.s32 s1, s5  }
0xa8: {  	s5 =	sshll.u32 @p0 s5, $0xE  }
0xa9: {  	s5 =	sadd.s32 @p0 $0x11B8D, s5;
	s6 =	sshll.u32 @p0 s4, $0x11  }
0xaa: {  	s5 =	sor.u32 @p0 s6, s5  }
0xab: {  	[sflag:s5] =	ssyncadd.remote.s32 @p0 $0x1;
	_ =	sdelay $0x1  }
0xac: {  	s5 =	simm.s32 @p0 $0x1B8D  }
0xad: {  	_ =	swait.eq @p0 [sflag:s5], $0x1  }
0xae: {  	[sflag:s5] =	ssyncadd.s32 @p0 $0xFFFFFFFF  }
0xaf: {  	s6 =	sshll.u32 @!p0 s1, $0xE  }
0xb0: {  	s6 =	sor.u32 @!p0 $0x4000, s6;
	s5 =	simm.s32 @!p0 $0x1B8D  }
0xb1: {  	s4 =	sshll.u32 @!p0 s4, $0x11;
	s6 =	sadd.s32 @!p0 $0x11B8D, s6;
	_ =	swait.eq @!p0 [sflag:s5], $0x1  }
0xb2: {  	s4 =	sor.u32 @!p0 s4, s6;
	[sflag:s5] =	ssyncadd.s32 @!p0 $0xFFFFFFFF  }
0xb3: {  	s25 =	simm.s32 $0x1B8E;
	s24 =	sld [smem:$0x3FFE];
	[sflag:s4] =	ssyncadd.remote.s32 @!p0 $0x1  }
0xb4: {  	s26 =	simm.s32 $execute0_lowered;
	[smem:$0x3FD2] =	sst s25  }
0xb5: {  	s5 =	sshll.u32 s26, $0x1;
	_ =	strace $0x80000049;
	[dreg:$0x1] =	wrdreg $0xFFFFFFFF  }
0xb6: {  	s28 =	simm.s32 $_size_execute0_lowered;
	s3 =	sadd.s32 s3, s5;
	[dreg:$0x0] =	wrdreg $0x0  }
0xb7: {  	s5 =	sshll.u32 s28, $0x1;
	[dreg:$0x2] =	wrdreg s3  }
0xb8: {  	[dreg:$0x3] =	wrdreg s5  }
0xb9: {  	[dreg:$0x4] =	wrdreg $0xC0  }
0xba: {  	_ =	task [dreg:s22], $0x5FFFF  }
0xbb: {  	[dreg:$0x1] =	wrdreg $0xFFFFFFFF  }
0xbc: {  	[dreg:$0x0] =	wrdreg $0x60  }
0xbd: {  	[dreg:$0x2] =	wrdreg s24  }
0xbe: {  	[dreg:$0x3] =	wrdreg $0x9  }
0xbf: {  	_ =	task.clear_ibuf [dreg:s22], $0x4FFFF;
	_ =	strace $0x90000049  }
0xc0: {  	s29 =	simm.s32 $0x9;
	_ =	strace $0x8000004B  }
0xc1: {  	_ =	swait.ge [sflag:s29], $0x1  }
0xc2: {  	[sflag:s29] =	ssyncadd.s32 $0xFFFFFFFF  }
0xc3: {  	_ =	strace $0x9000004B  }
0xc4: {  	_ =	sfence  }
0xc5: {  	s30 =	sld [smem:$0x0];
	_ =	sdelay $0x2  }
0xc6: {  	s31 =	sshll.u32 s1, $0xD;
	s1 =	sshrl.u32 s1, $0x2  }
0xc7: {  	s4 =	sand.u32 $0x4000, s31;
	s1 =	sadd.s32 s1, s30  }
0xc8: {  	s0 =	sor.u32 s4, s0;
	s1 =	sshll.u32 s1, $0x11  }
0xc9: {  	s0 =	sor.u32 s1, s0  }
0xca: {  	s0 =	sadd.s32 $0x8F2B, s0  }
0xcb: {  	[sflag:s0] =	ssyncadd.remote.s32 $0x1  }
0xcc: {  	_ =	sfence.sel $0xFFFF  }
0xcd: {  	[dreg:$0x0] =	wrdreg $0xFFFFFFFF;
	(pc) =	sbr.abs _section_cstart, $3  }
0xce: {  	[dreg:$0x1] =	wrdreg $0xFFFFFFFF  }
0xcf: {  	_ =	task.clear_ibuf [dreg:s22], $0x2FFFF;
	_ =	strace $0x9FFFFFFF  }
0xd0: {  	(tm) =	ssettm $0x7FFFFFFF  }
0xd1: {  	_ =	shalt  }
tec
execute0_lowered:
.L_overlay_start_1:
0x0: {  	(tag) =	ssettag $0x1  }
0x1: {  	s0 =	rddreg [dreg:$0x0];
	s2 =	simm.s32 $0x0;
	s1 =	srdreg.scid  }
0x2: {  	s13 =	stileid.u32;
	s28 =	simm.s32 $0x3;
	s31 =	simm.s32 $0x4  }
0x3: {  	[smem:$0x7FF] =	sst s2;
	s1 =	sand.u32 $0x1, s1;
	s3 =	sshll.u32 s13, $0x1  }
0x4: {  	s4 =	sadd.s32 $0x3E600, s0;
	s6 =	sadd.s32 $0xD600, s0;
	s8 =	smul.u32 $0x2710, s13  }
0x5: {  	s7 =	sadd.s32 $0x3800, s0;
	s9 =	sadd.s32 $0x547800, s0;
	s25 =	smul.u32 $0x27100, s13  }
0x6: {  	s13 =	simm.s32 $0xC;
	s5 =	sor.u32 s1, s3;
	s11 =	smul.u32 $0x1388, s1  }
0x7: {  	_ =	strace $0x8000004A;
	s10 =	ssub.s32 $0x2, s1;
	s5 =	smul.u32 $0x1388, s5  }
0x8: {  	s3 =	sadd.s32 $0x17400, s0;
	s0 =	sadd.s32 $0x7B8800, s0;
	s12 =	sshrl.u32 s10, $0x1  }
0x9: {  	s10 =	ssub.s32 s10, s12;
	s8 =	sadd.s32 s11, s8;
	s5 =	sadd.s32 $0x1360, s5  }
0xa: {  	s30 =	sadd.s32 $0x78, s8;
	s10 =	smax.u32 s10, $0x1;
	s26 =	sshrl.u32 s5, $0x3  }
0xb: {  	s11 =	sshrl.u32 s30, $0x3;
	[dreg:$0xe] =	wrdreg s10;
	s30 =	sadd.s32 s25, s9  }
0xc: {  	s16 =	sadd.s32 $0x50, s8;
	s29 =	sadd.s32 s6, s26;
	[dreg:$0xf] =	wrdreg s30  }
0xd: {  	s5 =	sshll.u32 s5, $0x4;
	s12 =	sadd.s32 s7, s26;
	[dreg:$0xa] =	wrdreg s29  }
0xe: {  	s20 =	sadd.s32 $0x28, s8;
	s14 =	sadd.s32 s9, s5;
	[dreg:$0xb] =	wrdreg s12  }
0xf: {  	s8 =	sshrl.u32 s8, $0x3;
	s5 =	sadd.s32 s0, s5;
	[dreg:$0xc] =	wrdreg s14  }
0x10: {  	s18 =	sshrl.u32 s16, $0x3;
	s15 =	sadd.s32 s11, s7;
	[dreg:$0xd] =	wrdreg s5  }
0x11: {  	s22 =	sshrl.u32 s20, $0x3;
	s17 =	sadd.s32 s11, s6;
	[dreg:$0x2] =	wrdreg s15  }
0x12: {  	s10 =	smul.u32 $0x13880, s1;
	s19 =	sadd.s32 s18, s7;
	[dreg:$0x3] =	wrdreg s17  }
0x13: {  	s20 =	simm.s32 $0x1;
	s21 =	sadd.s32 s18, s6;
	[dreg:$0x4] =	wrdreg s19  }
0x14: {  	s1 =	simm.s32 $0x0;
	s23 =	sadd.s32 s22, s7;
	[dreg:$0x5] =	wrdreg s21  }
0x15: {  	s24 =	sadd.s32 s22, s6;
	s26 =	sadd.s32 s8, s7;
	[dreg:$0x6] =	wrdreg s23  }
0x16: {  	s0 =	sadd.s32 s25, s0;
	s7 =	simm.s32 $0x7;
	[dreg:$0x7] =	wrdreg s24  }
0x17: {  	s9 =	simm.s32 $0x9;
	s11 =	simm.s32 $0xA;
	[dreg:$0x8] =	wrdreg s26  }
0x18: {  	s29 =	sadd.s32 s8, s6;
	[dreg:$0x10] =	wrdreg s0;
	s21 =	simm.s32 $0x28  }
0x19: {  	s24 =	simm.s32 $0x2;
	s5 =	simm.s32 $0x5;
	s6 =	simm.s32 $0x6  }
0x1a: {  	s8 =	simm.s32 $0x8;
	s12 =	simm.s32 $0xB;
	[dreg:$0x9] =	wrdreg s29  }
.LBB2_1:
0x1b: {  	[dreg:$0x11] =	wrdreg s1  }
0x1c: {  	s14 =	rddreg [dreg:$0x9]  }
0x1d: {  	s15 =	rddreg [dreg:$0x8];
	s14 =	sadd.s32 $0x0, s14  }
0x1e: {  	[tilespmem:s2], [sflag:$0x1] =	stream.linear.gather [hbm4b:s14+s2], $0x28, $0x38;
	[tilespmem:$0xA400] =	vst v63  }
0x1f: {  	s16 =	rddreg [dreg:$0x7];
	s17 =	simm.s32 $0x80;
	s29 =	sadd.s32 $0x0, s15  }
0x20: {  	[tilespmem:s17], [sflag:$0x1] =	stream.linear.gather [hbm4b:s29+s2], $0x28, $0x38;
	[tilespmem:$0xA400] =	vst v63  }
0x21: {  	s30 =	rddreg [dreg:$0x6];
	s18 =	simm.s32 $0x2900;
	s0 =	sadd.s32 $0x0, s16  }
0x22: {  	[tilespmem:s18], [sflag:$0x2] =	stream.linear.gather [hbm4b:s0+s2], $0x28, $0x38;
	[tilespmem:$0xA400] =	vst v63  }
0x23: {  	s1 =	rddreg [dreg:$0x5];
	s19 =	simm.s32 $0x2980;
	s22 =	sadd.s32 $0x0, s30  }
0x24: {  	[tilespmem:s19], [sflag:$0x2] =	stream.linear.gather [hbm4b:s22+s2], $0x28, $0x38;
	[tilespmem:$0xA400] =	vst v63  }
0x25: {  	s23 =	rddreg [dreg:$0x4];
	s25 =	sadd.s32 $0x0, s1;
	s22 =	simm.s32 $0x5200  }
0x26: {  	[tilespmem:s22], [sflag:$0x3] =	stream.linear.gather [hbm4b:s25+s2], $0x28, $0x38;
	[tilespmem:$0xA400] =	vst v63  }
0x27: {  	s26 =	rddreg [dreg:$0x3];
	s29 =	sadd.s32 $0x0, s23;
	s23 =	simm.s32 $0x5280  }
0x28: {  	[tilespmem:s23], [sflag:$0x3] =	stream.linear.gather [hbm4b:s29+s2], $0x28, $0x38;
	[tilespmem:$0xA400] =	vst v63  }
0x29: {  	s30 =	rddreg [dreg:$0x2];
	s1 =	sadd.s32 $0x0, s26;
	s0 =	simm.s32 $0x7B00  }
0x2a: {  	[tilespmem:s0], [sflag:$0x4] =	stream.linear.gather [hbm4b:s1+s2], $0x28, $0x38;
	[tilespmem:$0xA400] =	vst v63  }
0x2b: {  	s16 =	simm.s32 $0x7B80;
	s15 =	sadd.s32 $0x0, s30  }
0x2c: {  	[tilespmem:s16], [sflag:$0x4] =	stream.linear.gather [hbm4b:s15+s2], $0x28, $0x38;
	[tilespmem:$0xA400] =	vst v63  }
0x2d: {  	_ =	swait.ge [sflag:s20], $0x28  }
0x2e: {  	[sflag:s20] =	ssyncset.done $0x0  }
0x2f: {  	[sflag:s20] =	ssyncadd.s32 $0xFFFFFFD8  }
0x30: {  	_ =	swait.ge [sflag:s20], $0x28  }
0x31: {  	[sflag:s20] =	ssyncset.done $0x0  }
0x32: {  	s30 =	simm.s32 $0x100;
	[sflag:s20] =	ssyncadd.s32 $0xFFFFFFD8  }
0x33: {  	[tilespmem:s30], [sflag:$0x5] =	stream.indirect.gather [hbm4b:s3+s21], $0x80, s2, s21, $0xb8;
	[tilespmem:$0xA400] =	vst v63  }
0x34: {  	s1 =	simm.s32 $0x1500  }
0x35: {  	[tilespmem:s1], [sflag:$0x5] =	stream.indirect.gather [hbm4b:s4+s21], $0x80, s17, s21, $0xb8;
	[tilespmem:$0xA400] =	vst v63  }
0x36: {  	_ =	swait.ge [sflag:s24], $0x28  }
0x37: {  	[sflag:s24] =	ssyncset.done $0x0  }
0x38: {  	[sflag:s24] =	ssyncadd.s32 $0xFFFFFFD8  }
0x39: {  	_ =	swait.ge [sflag:s24], $0x28  }
0x3a: {  	[sflag:s24] =	ssyncset.done $0x0  }
0x3b: {  	s29 =	simm.s32 $0x2A00;
	[sflag:s24] =	ssyncadd.s32 $0xFFFFFFD8  }
0x3c: {  	[tilespmem:s29], [sflag:$0x6] =	stream.indirect.gather [hbm4b:s3+s21], $0x80, s18, s21, $0xb8;
	[tilespmem:$0xA400] =	vst v63  }
0x3d: {  	s14 =	simm.s32 $0x3E00  }
0x3e: {  	[tilespmem:s14], [sflag:$0x6] =	stream.indirect.gather [hbm4b:s4+s21], $0x80, s19, s21, $0xb8;
	[tilespmem:$0xA400] =	vst v63  }
0x3f: {  	_ =	swait.ge [sflag:s28], $0x28  }
0x40: {  	[sflag:s28] =	ssyncset.done $0x0  }
0x41: {  	[sflag:s28] =	ssyncadd.s32 $0xFFFFFFD8  }
0x42: {  	_ =	swait.ge [sflag:s28], $0x28  }
0x43: {  	[sflag:s28] =	ssyncset.done $0x0  }
0x44: {  	s25 =	simm.s32 $0x5300;
	[sflag:s28] =	ssyncadd.s32 $0xFFFFFFD8  }
0x45: {  	[tilespmem:s25], [sflag:$0x7] =	stream.indirect.gather [hbm4b:s3+s21], $0x80, s22, s21, $0xb8;
	[tilespmem:$0xA400] =	vst v63  }
0x46: {  	s26 =	simm.s32 $0x6700  }
0x47: {  	[tilespmem:s26], [sflag:$0x7] =	stream.indirect.gather [hbm4b:s4+s21], $0x80, s23, s21, $0xb8;
	[tilespmem:$0xA400] =	vst v63  }
0x48: {  	_ =	swait.ge [sflag:s31], $0x28  }
0x49: {  	[sflag:s31] =	ssyncset.done $0x0  }
0x4a: {  	[sflag:s31] =	ssyncadd.s32 $0xFFFFFFD8  }
0x4b: {  	_ =	swait.ge [sflag:s31], $0x28  }
0x4c: {  	[sflag:s31] =	ssyncset.done $0x0  }
0x4d: {  	s23 =	simm.s32 $0x7C00;
	[sflag:s31] =	ssyncadd.s32 $0xFFFFFFD8  }
0x4e: {  	[tilespmem:s23], [sflag:$0x8] =	stream.indirect.gather [hbm4b:s3+s21], $0x80, s0, s21, $0xb8;
	[tilespmem:$0xA400] =	vst v63  }
0x4f: {  	s0 =	simm.s32 $0x9000  }
0x50: {  	[tilespmem:s0], [sflag:$0x8] =	stream.indirect.gather [hbm4b:s4+s21], $0x80, s16, s21, $0xb8;
	[tilespmem:$0xA400] =	vst v63  }
0x51: {  	_ =	swait.ge [sflag:s5], $0x1400  }
0x52: {  	[sflag:s5] =	ssyncset.done $0x0  }
0x53: {  	[sflag:s5] =	ssyncadd.s32 $0xFFFFEC00  }
0x54: {  	_ =	swait.ge [sflag:s5], $0x1400  }
0x55: {  	[sflag:s5] =	ssyncset.done $0x0;
	s19 =	rddreg [dreg:$0xf]  }
0x56: {  	s22 =	rddreg [dreg:$0x10];
	[sflag:s5] =	ssyncadd.s32 $0xFFFFEC00;
	s15 =	sadd.s32 s19, s10  }
0x57: {  	[hbm4b:s15+s2] =	stream.linear.scatter [tilespmem:s30], [sflag:$0x9], $0x1400, $0x38;
	[tilespmem:$0xA400] =	vst v63  }
0x58: {  	s30 =	sadd.s32 s22, s10  }
0x59: {  	[hbm4b:s30+s2] =	stream.linear.scatter [tilespmem:s1], [sflag:$0x9], $0x1400, $0x38;
	[tilespmem:$0xA400] =	vst v63  }
0x5a: {  	_ =	swait.ge [sflag:s6], $0x1400  }
0x5b: {  	[sflag:s6] =	ssyncset.done $0x0  }
0x5c: {  	[sflag:s6] =	ssyncadd.s32 $0xFFFFEC00  }
0x5d: {  	_ =	swait.ge [sflag:s6], $0x1400  }
0x5e: {  	[sflag:s6] =	ssyncset.done $0x0  }
0x5f: {  	s1 =	sadd.s32 $0x280, s15;
	[sflag:s6] =	ssyncadd.s32 $0xFFFFEC00  }
0x60: {  	[hbm4b:s1+s2] =	stream.linear.scatter [tilespmem:s29], [sflag:$0xA], $0x1400, $0x38;
	[tilespmem:$0xA400] =	vst v63  }
0x61: {  	s17 =	sadd.s32 $0x280, s30  }
0x62: {  	[hbm4b:s17+s2] =	stream.linear.scatter [tilespmem:s14], [sflag:$0xA], $0x1400, $0x38;
	[tilespmem:$0xA400] =	vst v63  }
0x63: {  	_ =	swait.ge [sflag:s7], $0x1400  }
0x64: {  	[sflag:s7] =	ssyncset.done $0x0  }
0x65: {  	[sflag:s7] =	ssyncadd.s32 $0xFFFFEC00  }
0x66: {  	_ =	swait.ge [sflag:s7], $0x1400  }
0x67: {  	[sflag:s7] =	ssyncset.done $0x0  }
0x68: {  	s18 =	sadd.s32 $0x500, s15;
	[sflag:s7] =	ssyncadd.s32 $0xFFFFEC00  }
0x69: {  	[hbm4b:s18+s2] =	stream.linear.scatter [tilespmem:s25], [sflag:$0xB], $0x1400, $0x38;
	[tilespmem:$0xA400] =	vst v63  }
0x6a: {  	s29 =	sadd.s32 $0x500, s30  }
0x6b: {  	[hbm4b:s29+s2] =	stream.linear.scatter [tilespmem:s26], [sflag:$0xB], $0x1400, $0x38;
	[tilespmem:$0xA400] =	vst v63  }
0x6c: {  	_ =	swait.ge [sflag:s8], $0x1400  }
0x6d: {  	[sflag:s8] =	ssyncset.done $0x0  }
0x6e: {  	[sflag:s8] =	ssyncadd.s32 $0xFFFFEC00  }
0x6f: {  	_ =	swait.ge [sflag:s8], $0x1400  }
0x70: {  	[sflag:s8] =	ssyncset.done $0x0  }
0x71: {  	s14 =	sadd.s32 $0x780, s15;
	[sflag:s8] =	ssyncadd.s32 $0xFFFFEC00  }
0x72: {  	[hbm4b:s14+s2] =	stream.linear.scatter [tilespmem:s23], [sflag:$0xC], $0x1400, $0x38;
	[tilespmem:$0xA400] =	vst v63  }
0x73: {  	s30 =	sadd.s32 $0x780, s30  }
0x74: {  	[hbm4b:s30+s2] =	stream.linear.scatter [tilespmem:s0], [sflag:$0xC], $0x1400, $0x38;
	[tilespmem:$0xA400] =	vst v63  }
0x75: {  	_ =	swait.ge [sflag:s9], $0x1400  }
0x76: {  	[sflag:s9] =	ssyncset.done $0x0  }
0x77: {  	[sflag:s9] =	ssyncadd.s32 $0xFFFFEC00  }
0x78: {  	_ =	swait.ge [sflag:s9], $0x1400  }
0x79: {  	[sflag:s9] =	ssyncset.done $0x0  }
0x7a: {  	[sflag:s9] =	ssyncadd.s32 $0xFFFFEC00  }
0x7b: {  	_ =	swait.ge [sflag:s11], $0x1400  }
0x7c: {  	[sflag:s11] =	ssyncset.done $0x0  }
0x7d: {  	[sflag:s11] =	ssyncadd.s32 $0xFFFFEC00  }
0x7e: {  	_ =	swait.ge [sflag:s11], $0x1400  }
0x7f: {  	[sflag:s11] =	ssyncset.done $0x0  }
0x80: {  	[sflag:s11] =	ssyncadd.s32 $0xFFFFEC00  }
0x81: {  	_ =	swait.ge [sflag:s12], $0x1400  }
0x82: {  	[sflag:s12] =	ssyncset.done $0x0  }
0x83: {  	[sflag:s12] =	ssyncadd.s32 $0xFFFFEC00  }
0x84: {  	_ =	swait.ge [sflag:s12], $0x1400  }
0x85: {  	[sflag:s12] =	ssyncset.done $0x0  }
0x86: {  	[sflag:s12] =	ssyncadd.s32 $0xFFFFEC00  }
0x87: {  	_ =	swait.ge [sflag:s13], $0x1400  }
0x88: {  	[sflag:s13] =	ssyncset.done $0x0  }
0x89: {  	s16 =	simm.s32 $0x14;
	[sflag:s13] =	ssyncadd.s32 $0xFFFFEC00  }
0x8a: {  	s17 =	simm.s32 $0x28;
	s15 =	smov.u32 s19;
	_ =	swait.ge [sflag:s13], $0x1400  }
0x8b: {  	s14 =	smov.u32 s22;
	s18 =	rddreg [dreg:$0x9];
	[sflag:s13] =	ssyncset.done $0x0  }
.LBB2_2:
0x8c: {  	[sflag:s13] =	ssyncadd.s32 $0xFFFFEC00  }
0x8d: {  	s19 =	smov.u32 s17;
	s22 =	rddreg [dreg:$0x8];
	s18 =	sadd.s32 s16, s18  }
0x8e: {  	[tilespmem:s2], [sflag:$0x1] =	stream.linear.gather [hbm4b:s18+s2], $0x28, $0x38;
	[tilespmem:$0xA400] =	vst v63  }
0x8f: {  	s23 =	rddreg [dreg:$0x7];
	s25 =	simm.s32 $0x80;
	s0 =	sadd.s32 s16, s22  }
0x90: {  	[tilespmem:s25], [sflag:$0x1] =	stream.linear.gather [hbm4b:s0+s2], $0x28, $0x38;
	[tilespmem:$0xA400] =	vst v63  }
0x91: {  	s1 =	rddreg [dreg:$0x6];
	s26 =	simm.s32 $0x2900;
	s29 =	sadd.s32 s16, s23  }
0x92: {  	[tilespmem:s26], [sflag:$0x2] =	stream.linear.gather [hbm4b:s29+s2], $0x28, $0x38;
	[tilespmem:$0xA400] =	vst v63  }
0x93: {  	s30 =	rddreg [dreg:$0x5];
	s0 =	sadd.s32 s16, s1;
	s29 =	simm.s32 $0x2980  }
0x94: {  	[tilespmem:s29], [sflag:$0x2] =	stream.linear.gather [hbm4b:s0+s2], $0x28, $0x38;
	[tilespmem:$0xA400] =	vst v63  }
0x95: {  	s1 =	rddreg [dreg:$0x4];
	s0 =	sadd.s32 s16, s30;
	s30 =	simm.s32 $0x5200  }
0x96: {  	[tilespmem:s30], [sflag:$0x3] =	stream.linear.gather [hbm4b:s0+s2], $0x28, $0x38;
	[tilespmem:$0xA400] =	vst v63  }
0x97: {  	s23 =	rddreg [dreg:$0x3];
	s1 =	sadd.s32 s16, s1;
	s0 =	simm.s32 $0x5280  }
0x98: {  	[tilespmem:s0], [sflag:$0x3] =	stream.linear.gather [hbm4b:s1+s2], $0x28, $0x38;
	[tilespmem:$0xA400] =	vst v63  }
0x99: {  	s22 =	rddreg [dreg:$0x2];
	s1 =	sadd.s32 s16, s23;
	s23 =	simm.s32 $0x7B00  }
0x9a: {  	[tilespmem:s23], [sflag:$0x4] =	stream.linear.gather [hbm4b:s1+s2], $0x28, $0x38;
	[tilespmem:$0xA400] =	vst v63  }
0x9b: {  	s22 =	sadd.s32 s16, s22;
	s16 =	smov.u32 s19;
	s19 =	simm.s32 $0x7B80  }
0x9c: {  	[tilespmem:s19], [sflag:$0x4] =	stream.linear.gather [hbm4b:s22+s2], $0x28, $0x38;
	[tilespmem:$0xA400] =	vst v63  }
0x9d: {  	_ =	swait.ge [sflag:s20], $0x28  }
0x9e: {  	[sflag:s20] =	ssyncset.done $0x0  }
0x9f: {  	[sflag:s20] =	ssyncadd.s32 $0xFFFFFFD8  }
0xa0: {  	_ =	swait.ge [sflag:s20], $0x28  }
0xa1: {  	[sflag:s20] =	ssyncset.done $0x0  }
0xa2: {  	s22 =	simm.s32 $0x100;
	[sflag:s20] =	ssyncadd.s32 $0xFFFFFFD8  }
0xa3: {  	[tilespmem:s22], [sflag:$0x5] =	stream.indirect.gather [hbm4b:s3+s21], $0x80, s2, s21, $0xb8;
	[tilespmem:$0xA400] =	vst v63  }
0xa4: {  	s1 =	simm.s32 $0x1500  }
0xa5: {  	[tilespmem:s1], [sflag:$0x5] =	stream.indirect.gather [hbm4b:s4+s21], $0x80, s25, s21, $0xb8;
	[tilespmem:$0xA400] =	vst v63  }
0xa6: {  	_ =	swait.ge [sflag:s24], $0x28  }
0xa7: {  	[sflag:s24] =	ssyncset.done $0x0  }
0xa8: {  	[sflag:s24] =	ssyncadd.s32 $0xFFFFFFD8  }
0xa9: {  	_ =	swait.ge [sflag:s24], $0x28  }
0xaa: {  	[sflag:s24] =	ssyncset.done $0x0  }
0xab: {  	s25 =	simm.s32 $0x2A00;
	[sflag:s24] =	ssyncadd.s32 $0xFFFFFFD8  }
0xac: {  	[tilespmem:s25], [sflag:$0x6] =	stream.indirect.gather [hbm4b:s3+s21], $0x80, s26, s21, $0xb8;
	[tilespmem:$0xA400] =	vst v63  }
0xad: {  	s26 =	simm.s32 $0x3E00  }
0xae: {  	[tilespmem:s26], [sflag:$0x6] =	stream.indirect.gather [hbm4b:s4+s21], $0x80, s29, s21, $0xb8;
	[tilespmem:$0xA400] =	vst v63  }
0xaf: {  	_ =	swait.ge [sflag:s28], $0x28  }
0xb0: {  	[sflag:s28] =	ssyncset.done $0x0  }
0xb1: {  	[sflag:s28] =	ssyncadd.s32 $0xFFFFFFD8  }
0xb2: {  	_ =	swait.ge [sflag:s28], $0x28  }
0xb3: {  	[sflag:s28] =	ssyncset.done $0x0  }
0xb4: {  	s29 =	simm.s32 $0x5300;
	[sflag:s28] =	ssyncadd.s32 $0xFFFFFFD8  }
0xb5: {  	[tilespmem:s29], [sflag:$0x7] =	stream.indirect.gather [hbm4b:s3+s21], $0x80, s30, s21, $0xb8;
	[tilespmem:$0xA400] =	vst v63  }
0xb6: {  	s30 =	simm.s32 $0x6700  }
0xb7: {  	[tilespmem:s30], [sflag:$0x7] =	stream.indirect.gather [hbm4b:s4+s21], $0x80, s0, s21, $0xb8;
	[tilespmem:$0xA400] =	vst v63  }
0xb8: {  	_ =	swait.ge [sflag:s31], $0x28  }
0xb9: {  	[sflag:s31] =	ssyncset.done $0x0  }
0xba: {  	[sflag:s31] =	ssyncadd.s32 $0xFFFFFFD8  }
0xbb: {  	_ =	swait.ge [sflag:s31], $0x28  }
0xbc: {  	[sflag:s31] =	ssyncset.done $0x0  }
0xbd: {  	s0 =	simm.s32 $0x7C00;
	[sflag:s31] =	ssyncadd.s32 $0xFFFFFFD8  }
0xbe: {  	[tilespmem:s0], [sflag:$0x8] =	stream.indirect.gather [hbm4b:s3+s21], $0x80, s23, s21, $0xb8;
	[tilespmem:$0xA400] =	vst v63  }
0xbf: {  	s23 =	simm.s32 $0x9000  }
0xc0: {  	[tilespmem:s23], [sflag:$0x8] =	stream.indirect.gather [hbm4b:s4+s21], $0x80, s19, s21, $0xb8;
	[tilespmem:$0xA400] =	vst v63  }
0xc1: {  	_ =	swait.ge [sflag:s5], $0x1400  }
0xc2: {  	[sflag:s5] =	ssyncset.done $0x0  }
0xc3: {  	[sflag:s5] =	ssyncadd.s32 $0xFFFFEC00  }
0xc4: {  	_ =	swait.ge [sflag:s5], $0x1400  }
0xc5: {  	s15 =	sadd.s32 $0xA00, s15;
	[sflag:s5] =	ssyncset.done $0x0  }
0xc6: {  	s14 =	sadd.s32 $0xA00, s14;
	s18 =	sadd.s32 s15, s10;
	[sflag:s5] =	ssyncadd.s32 $0xFFFFEC00  }
0xc7: {  	[hbm4b:s18+s2] =	stream.linear.scatter [tilespmem:s22], [sflag:$0x9], $0x1400, $0x38;
	[tilespmem:$0xA400] =	vst v63  }
0xc8: {  	s19 =	sadd.s32 s14, s10  }
0xc9: {  	[hbm4b:s19+s2] =	stream.linear.scatter [tilespmem:s1], [sflag:$0x9], $0x1400, $0x38;
	[tilespmem:$0xA400] =	vst v63  }
0xca: {  	_ =	swait.ge [sflag:s6], $0x1400  }
0xcb: {  	[sflag:s6] =	ssyncset.done $0x0  }
0xcc: {  	[sflag:s6] =	ssyncadd.s32 $0xFFFFEC00  }
0xcd: {  	_ =	swait.ge [sflag:s6], $0x1400  }
0xce: {  	[sflag:s6] =	ssyncset.done $0x0  }
0xcf: {  	s1 =	sadd.s32 $0x280, s18;
	[sflag:s6] =	ssyncadd.s32 $0xFFFFEC00  }
0xd0: {  	[hbm4b:s1+s2] =	stream.linear.scatter [tilespmem:s25], [sflag:$0xA], $0x1400, $0x38;
	[tilespmem:$0xA400] =	vst v63  }
0xd1: {  	s25 =	sadd.s32 $0x280, s19  }
0xd2: {  	[hbm4b:s25+s2] =	stream.linear.scatter [tilespmem:s26], [sflag:$0xA], $0x1400, $0x38;
	[tilespmem:$0xA400] =	vst v63  }
0xd3: {  	_ =	swait.ge [sflag:s7], $0x1400  }
0xd4: {  	[sflag:s7] =	ssyncset.done $0x0  }
0xd5: {  	[sflag:s7] =	ssyncadd.s32 $0xFFFFEC00  }
0xd6: {  	_ =	swait.ge [sflag:s7], $0x1400  }
0xd7: {  	[sflag:s7] =	ssyncset.done $0x0  }
0xd8: {  	s26 =	sadd.s32 $0x500, s18;
	[sflag:s7] =	ssyncadd.s32 $0xFFFFEC00  }
0xd9: {  	[hbm4b:s26+s2] =	stream.linear.scatter [tilespmem:s29], [sflag:$0xB], $0x1400, $0x38;
	[tilespmem:$0xA400] =	vst v63  }
0xda: {  	s29 =	sadd.s32 $0x500, s19  }
0xdb: {  	[hbm4b:s29+s2] =	stream.linear.scatter [tilespmem:s30], [sflag:$0xB], $0x1400, $0x38;
	[tilespmem:$0xA400] =	vst v63  }
0xdc: {  	_ =	swait.ge [sflag:s8], $0x1400  }
0xdd: {  	[sflag:s8] =	ssyncset.done $0x0  }
0xde: {  	[sflag:s8] =	ssyncadd.s32 $0xFFFFEC00  }
0xdf: {  	_ =	swait.ge [sflag:s8], $0x1400  }
0xe0: {  	[sflag:s8] =	ssyncset.done $0x0  }
0xe1: {  	s18 =	sadd.s32 $0x780, s18;
	[sflag:s8] =	ssyncadd.s32 $0xFFFFEC00  }
0xe2: {  	[hbm4b:s18+s2] =	stream.linear.scatter [tilespmem:s0], [sflag:$0xC], $0x1400, $0x38;
	[tilespmem:$0xA400] =	vst v63  }
0xe3: {  	s30 =	sadd.s32 $0x780, s19  }
0xe4: {  	[hbm4b:s30+s2] =	stream.linear.scatter [tilespmem:s23], [sflag:$0xC], $0x1400, $0x38;
	[tilespmem:$0xA400] =	vst v63  }
0xe5: {  	_ =	swait.ge [sflag:s9], $0x1400  }
0xe6: {  	[sflag:s9] =	ssyncset.done $0x0  }
0xe7: {  	[sflag:s9] =	ssyncadd.s32 $0xFFFFEC00  }
0xe8: {  	_ =	swait.ge [sflag:s9], $0x1400  }
0xe9: {  	[sflag:s9] =	ssyncset.done $0x0  }
0xea: {  	[sflag:s9] =	ssyncadd.s32 $0xFFFFEC00  }
0xeb: {  	_ =	swait.ge [sflag:s11], $0x1400  }
0xec: {  	[sflag:s11] =	ssyncset.done $0x0  }
0xed: {  	[sflag:s11] =	ssyncadd.s32 $0xFFFFEC00  }
0xee: {  	_ =	swait.ge [sflag:s11], $0x1400  }
0xef: {  	[sflag:s11] =	ssyncset.done $0x0  }
0xf0: {  	[sflag:s11] =	ssyncadd.s32 $0xFFFFEC00  }
0xf1: {  	_ =	swait.ge [sflag:s12], $0x1400  }
0xf2: {  	[sflag:s12] =	ssyncset.done $0x0  }
0xf3: {  	[sflag:s12] =	ssyncadd.s32 $0xFFFFEC00  }
0xf4: {  	_ =	swait.ge [sflag:s12], $0x1400  }
0xf5: {  	[sflag:s12] =	ssyncset.done $0x0  }
0xf6: {  	p0 =	sne.s32 s17, $0x258;
	[sflag:s12] =	ssyncadd.s32 $0xFFFFEC00  }
.Ltmp0:
0xf7: {  	_ =	swait.ge [sflag:s13], $0x1400;
	(pc) =	sbr.rel @p0 .LBB2_2-.Ltmp0, $4  }
0xf8: {  	[sflag:s13] =	ssyncset.done $0x0  }
0xf9: {  	[sflag:s13] =	ssyncadd.s32 $0xFFFFEC00  }
0xfa: {  	_ =	swait.ge [sflag:s13], $0x1400  }
0xfb: {  	s17 =	sadd.s32 $0x14, s17;
	s18 =	rddreg [dreg:$0x9];
	[sflag:s13] =	ssyncset.done $0x0  }
0xfc: {  	s17 =	rddreg [dreg:$0x8];
	[sflag:s13] =	ssyncadd.s32 $0xFFFFEC00;
	s18 =	sadd.s32 s16, s18  }
0xfd: {  	[tilespmem:s2], [sflag:$0x1] =	stream.linear.gather [hbm4b:s18+s2], $0x28, $0x38;
	[tilespmem:$0xA400] =	vst v63  }
0xfe: {  	s23 =	rddreg [dreg:$0x7];
	s19 =	simm.s32 $0x80;
	s17 =	sadd.s32 s16, s17  }
0xff: {  	[tilespmem:s19], [sflag:$0x1] =	stream.linear.gather [hbm4b:s17+s2], $0x28, $0x38;
	[tilespmem:$0xA400] =	vst v63  }
0x100: {  	s25 =	rddreg [dreg:$0x6];
	s22 =	simm.s32 $0x2900;
	s18 =	sadd.s32 s16, s23  }
0x101: {  	[tilespmem:s22], [sflag:$0x2] =	stream.linear.gather [hbm4b:s18+s2], $0x28, $0x38;
	[tilespmem:$0xA400] =	vst v63  }
0x102: {  	s26 =	rddreg [dreg:$0x5];
	s23 =	simm.s32 $0x2980;
	s17 =	sadd.s32 s16, s25  }
0x103: {  	[tilespmem:s23], [sflag:$0x2] =	stream.linear.gather [hbm4b:s17+s2], $0x28, $0x38;
	[tilespmem:$0xA400] =	vst v63  }
0x104: {  	s29 =	rddreg [dreg:$0x4];
	s25 =	simm.s32 $0x5200;
	s18 =	sadd.s32 s16, s26  }
0x105: {  	[tilespmem:s25], [sflag:$0x3] =	stream.linear.gather [hbm4b:s18+s2], $0x28, $0x38;
	[tilespmem:$0xA400] =	vst v63  }
0x106: {  	s30 =	rddreg [dreg:$0x3];
	s0 =	simm.s32 $0x5280;
	s17 =	sadd.s32 s16, s29  }
0x107: {  	[tilespmem:s0], [sflag:$0x3] =	stream.linear.gather [hbm4b:s17+s2], $0x28, $0x38;
	[tilespmem:$0xA400] =	vst v63  }
0x108: {  	s1 =	rddreg [dreg:$0x2];
	s26 =	simm.s32 $0x7B00;
	s18 =	sadd.s32 s16, s30  }
0x109: {  	[tilespmem:s26], [sflag:$0x4] =	stream.linear.gather [hbm4b:s18+s2], $0x28, $0x38;
	[tilespmem:$0xA400] =	vst v63  }
0x10a: {  	s29 =	sadd.s32 s16, s1;
	s30 =	simm.s32 $0x7B80  }
0x10b: {  	[tilespmem:s30], [sflag:$0x4] =	stream.linear.gather [hbm4b:s29+s2], $0x28, $0x38;
	[tilespmem:$0xA400] =	vst v63  }
0x10c: {  	_ =	swait.ge [sflag:s20], $0x28  }
0x10d: {  	[sflag:s20] =	ssyncset.done $0x0  }
0x10e: {  	[sflag:s20] =	ssyncadd.s32 $0xFFFFFFD8  }
0x10f: {  	_ =	swait.ge [sflag:s20], $0x28  }
0x110: {  	[sflag:s20] =	ssyncset.done $0x0  }
0x111: {  	s18 =	simm.s32 $0x100;
	[sflag:s20] =	ssyncadd.s32 $0xFFFFFFD8  }
0x112: {  	[tilespmem:s18], [sflag:$0x5] =	stream.indirect.gather [hbm4b:s3+s21], $0x80, s2, s21, $0xb8;
	[tilespmem:$0xA400] =	vst v63  }
0x113: {  	s29 =	simm.s32 $0x1500  }
0x114: {  	[tilespmem:s29], [sflag:$0x5] =	stream.indirect.gather [hbm4b:s4+s21], $0x80, s19, s21, $0xb8;
	[tilespmem:$0xA400] =	vst v63  }
0x115: {  	_ =	swait.ge [sflag:s24], $0x28  }
0x116: {  	[sflag:s24] =	ssyncset.done $0x0  }
0x117: {  	[sflag:s24] =	ssyncadd.s32 $0xFFFFFFD8  }
0x118: {  	_ =	swait.ge [sflag:s24], $0x28  }
0x119: {  	[sflag:s24] =	ssyncset.done $0x0  }
0x11a: {  	s1 =	simm.s32 $0x2A00;
	[sflag:s24] =	ssyncadd.s32 $0xFFFFFFD8  }
0x11b: {  	[tilespmem:s1], [sflag:$0x6] =	stream.indirect.gather [hbm4b:s3+s21], $0x80, s22, s21, $0xb8;
	[tilespmem:$0xA400] =	vst v63  }
0x11c: {  	s22 =	simm.s32 $0x3E00  }
0x11d: {  	[tilespmem:s22], [sflag:$0x6] =	stream.indirect.gather [hbm4b:s4+s21], $0x80, s23, s21, $0xb8;
	[tilespmem:$0xA400] =	vst v63  }
0x11e: {  	_ =	swait.ge [sflag:s28], $0x28  }
0x11f: {  	[sflag:s28] =	ssyncset.done $0x0  }
0x120: {  	[sflag:s28] =	ssyncadd.s32 $0xFFFFFFD8  }
0x121: {  	_ =	swait.ge [sflag:s28], $0x28  }
0x122: {  	[sflag:s28] =	ssyncset.done $0x0  }
0x123: {  	s23 =	simm.s32 $0x5300;
	[sflag:s28] =	ssyncadd.s32 $0xFFFFFFD8  }
0x124: {  	[tilespmem:s23], [sflag:$0x7] =	stream.indirect.gather [hbm4b:s3+s21], $0x80, s25, s21, $0xb8;
	[tilespmem:$0xA400] =	vst v63  }
0x125: {  	s25 =	simm.s32 $0x6700  }
0x126: {  	[tilespmem:s25], [sflag:$0x7] =	stream.indirect.gather [hbm4b:s4+s21], $0x80, s0, s21, $0xb8;
	[tilespmem:$0xA400] =	vst v63  }
0x127: {  	_ =	swait.ge [sflag:s31], $0x28  }
0x128: {  	[sflag:s31] =	ssyncset.done $0x0  }
0x129: {  	[sflag:s31] =	ssyncadd.s32 $0xFFFFFFD8  }
0x12a: {  	_ =	swait.ge [sflag:s31], $0x28  }
0x12b: {  	[sflag:s31] =	ssyncset.done $0x0  }
0x12c: {  	s0 =	simm.s32 $0x7C00;
	[sflag:s31] =	ssyncadd.s32 $0xFFFFFFD8  }
0x12d: {  	[tilespmem:s0], [sflag:$0x8] =	stream.indirect.gather [hbm4b:s3+s21], $0x80, s26, s21, $0xb8;
	[tilespmem:$0xA400] =	vst v63  }
0x12e: {  	s26 =	simm.s32 $0x9000  }
0x12f: {  	[tilespmem:s26], [sflag:$0x8] =	stream.indirect.gather [hbm4b:s4+s21], $0x80, s30, s21, $0xb8;
	[tilespmem:$0xA400] =	vst v63  }
0x130: {  	_ =	swait.ge [sflag:s5], $0x1400  }
0x131: {  	[sflag:s5] =	ssyncset.done $0x0  }
0x132: {  	[sflag:s5] =	ssyncadd.s32 $0xFFFFEC00  }
0x133: {  	_ =	swait.ge [sflag:s5], $0x1400  }
0x134: {  	s15 =	sadd.s32 $0xA00, s15;
	[sflag:s5] =	ssyncset.done $0x0  }
0x135: {  	s14 =	sadd.s32 $0xA00, s14;
	s15 =	sadd.s32 s15, s10;
	[sflag:s5] =	ssyncadd.s32 $0xFFFFEC00  }
0x136: {  	[hbm4b:s15+s2] =	stream.linear.scatter [tilespmem:s18], [sflag:$0x9], $0x1400, $0x38;
	[tilespmem:$0xA400] =	vst v63  }
0x137: {  	s14 =	sadd.s32 s14, s10  }
0x138: {  	[hbm4b:s14+s2] =	stream.linear.scatter [tilespmem:s29], [sflag:$0x9], $0x1400, $0x38;
	[tilespmem:$0xA400] =	vst v63  }
0x139: {  	_ =	swait.ge [sflag:s6], $0x1400  }
0x13a: {  	[sflag:s6] =	ssyncset.done $0x0  }
0x13b: {  	[sflag:s6] =	ssyncadd.s32 $0xFFFFEC00  }
0x13c: {  	_ =	swait.ge [sflag:s6], $0x1400  }
0x13d: {  	[sflag:s6] =	ssyncset.done $0x0  }
0x13e: {  	s30 =	sadd.s32 $0x280, s15;
	[sflag:s6] =	ssyncadd.s32 $0xFFFFEC00  }
0x13f: {  	[hbm4b:s30+s2] =	stream.linear.scatter [tilespmem:s1], [sflag:$0xA], $0x1400, $0x38;
	[tilespmem:$0xA400] =	vst v63  }
0x140: {  	s17 =	sadd.s32 $0x280, s14  }
0x141: {  	[hbm4b:s17+s2] =	stream.linear.scatter [tilespmem:s22], [sflag:$0xA], $0x1400, $0x38;
	[tilespmem:$0xA400] =	vst v63  }
0x142: {  	_ =	swait.ge [sflag:s7], $0x1400  }
0x143: {  	[sflag:s7] =	ssyncset.done $0x0  }
0x144: {  	[sflag:s7] =	ssyncadd.s32 $0xFFFFEC00  }
0x145: {  	_ =	swait.ge [sflag:s7], $0x1400  }
0x146: {  	[sflag:s7] =	ssyncset.done $0x0  }
0x147: {  	s30 =	sadd.s32 $0x500, s15;
	[sflag:s7] =	ssyncadd.s32 $0xFFFFEC00  }
0x148: {  	[hbm4b:s30+s2] =	stream.linear.scatter [tilespmem:s23], [sflag:$0xB], $0x1400, $0x38;
	[tilespmem:$0xA400] =	vst v63  }
0x149: {  	s1 =	sadd.s32 $0x500, s14  }
0x14a: {  	[hbm4b:s1+s2] =	stream.linear.scatter [tilespmem:s25], [sflag:$0xB], $0x1400, $0x38;
	[tilespmem:$0xA400] =	vst v63  }
0x14b: {  	_ =	swait.ge [sflag:s8], $0x1400  }
0x14c: {  	[sflag:s8] =	ssyncset.done $0x0  }
0x14d: {  	[sflag:s8] =	ssyncadd.s32 $0xFFFFEC00  }
0x14e: {  	_ =	swait.ge [sflag:s8], $0x1400  }
0x14f: {  	[sflag:s8] =	ssyncset.done $0x0  }
0x150: {  	s15 =	sadd.s32 $0x780, s15;
	[sflag:s8] =	ssyncadd.s32 $0xFFFFEC00  }
0x151: {  	[hbm4b:s15+s2] =	stream.linear.scatter [tilespmem:s0], [sflag:$0xC], $0x1400, $0x38;
	[tilespmem:$0xA400] =	vst v63  }
0x152: {  	s14 =	sadd.s32 $0x780, s14  }
0x153: {  	[hbm4b:s14+s2] =	stream.linear.scatter [tilespmem:s26], [sflag:$0xC], $0x1400, $0x38;
	[tilespmem:$0xA400] =	vst v63  }
0x154: {  	_ =	swait.ge [sflag:s9], $0x1400  }
0x155: {  	[sflag:s9] =	ssyncset.done $0x0  }
0x156: {  	[sflag:s9] =	ssyncadd.s32 $0xFFFFEC00  }
0x157: {  	_ =	swait.ge [sflag:s9], $0x1400  }
0x158: {  	[sflag:s9] =	ssyncset.done $0x0  }
0x159: {  	[sflag:s9] =	ssyncadd.s32 $0xFFFFEC00  }
0x15a: {  	_ =	swait.ge [sflag:s11], $0x1400  }
0x15b: {  	[sflag:s11] =	ssyncset.done $0x0  }
0x15c: {  	[sflag:s11] =	ssyncadd.s32 $0xFFFFEC00  }
0x15d: {  	_ =	swait.ge [sflag:s11], $0x1400  }
0x15e: {  	[sflag:s11] =	ssyncset.done $0x0  }
0x15f: {  	[sflag:s11] =	ssyncadd.s32 $0xFFFFEC00  }
0x160: {  	_ =	swait.ge [sflag:s12], $0x1400  }
0x161: {  	[sflag:s12] =	ssyncset.done $0x0  }
0x162: {  	[sflag:s12] =	ssyncadd.s32 $0xFFFFEC00  }
0x163: {  	_ =	swait.ge [sflag:s12], $0x1400  }
0x164: {  	[sflag:s12] =	ssyncset.done $0x0  }
0x165: {  	[sflag:s12] =	ssyncadd.s32 $0xFFFFEC00  }
0x166: {  	_ =	swait.ge [sflag:s13], $0x1400  }
0x167: {  	[sflag:s13] =	ssyncset.done $0x0  }
0x168: {  	[sflag:s13] =	ssyncadd.s32 $0xFFFFEC00  }
0x169: {  	_ =	swait.ge [sflag:s13], $0x1400  }
0x16a: {  	[sflag:s13] =	ssyncset.done $0x0  }
0x16b: {  	s22 =	simm.s32 $0xD;
	s17 =	rddreg [dreg:$0xa];
	[sflag:s13] =	ssyncadd.s32 $0xFFFFEC00  }
0x16c: {  	[tilespmem:s2], [sflag:$0xD] =	stream.linear.gather [hbm4b:s17+s2], $0x28, $0x38;
	[tilespmem:$0xA400] =	vst v63  }
0x16d: {  	_ =	swait.ge [sflag:s22], $0x28  }
0x16e: {  	[sflag:s22] =	ssyncset.done $0x0  }
0x16f: {  	s23 =	rddreg [dreg:$0xb];
	[sflag:s22] =	ssyncadd.s32 $0xFFFFFFD8  }
0x170: {  	[tilespmem:s19], [sflag:$0xD] =	stream.linear.gather [hbm4b:s23+s2], $0x28, $0x38;
	[tilespmem:$0xA400] =	vst v63  }
0x171: {  	_ =	swait.ge [sflag:s22], $0x28  }
0x172: {  	[sflag:s22] =	ssyncset.done $0x0  }
0x173: {  	[sflag:s22] =	ssyncadd.s32 $0xFFFFFFD8  }
0x174: {  	[tilespmem:s18], [sflag:$0x5] =	stream.indirect.gather [hbm4b:s3+s21], $0x80, s2, s21, $0xb8;
	[tilespmem:$0xA400] =	vst v63  }
0x175: {  	_ = 	snop  }
0x176: {  	[tilespmem:s29], [sflag:$0x5] =	stream.indirect.gather [hbm4b:s4+s21], $0x80, s19, s21, $0xb8;
	[tilespmem:$0xA400] =	vst v63  }
0x177: {  	_ =	swait.ge [sflag:s5], $0x1400  }
0x178: {  	[sflag:s5] =	ssyncset.done $0x0  }
0x179: {  	[sflag:s5] =	ssyncadd.s32 $0xFFFFEC00  }
0x17a: {  	_ =	swait.ge [sflag:s5], $0x1400  }
0x17b: {  	[sflag:s5] =	ssyncset.done $0x0  }
0x17c: {  	s25 =	rddreg [dreg:$0xc];
	[sflag:s5] =	ssyncadd.s32 $0xFFFFEC00  }
0x17d: {  	[hbm4b:s25+s2] =	stream.linear.scatter [tilespmem:s18], [sflag:$0xD], $0x1400, $0x38;
	[tilespmem:$0xA400] =	vst v63  }
0x17e: {  	_ =	swait.ge [sflag:s22], $0x1400  }
0x17f: {  	[sflag:s22] =	ssyncset.done $0x0  }
0x180: {  	s26 =	rddreg [dreg:$0xd];
	[sflag:s22] =	ssyncadd.s32 $0xFFFFEC00  }
0x181: {  	[hbm4b:s26+s2] =	stream.linear.scatter [tilespmem:s29], [sflag:$0xD], $0x1400, $0x38;
	[tilespmem:$0xA400] =	vst v63  }
0x182: {  	_ =	swait.ge [sflag:s22], $0x1400  }
0x183: {  	s29 =	rddreg [dreg:$0x11]  }
0x184: {  	s30 =	rddreg [dreg:$0xe];
	s1 =	sadd.s32 $0x1, s29  }
0x185: {  	p0 =	sne.s32 s1, s30  }
.Ltmp1:
0x186: {  	_ = 	snop;
	(pc) =	sbr.rel @p0 .LBB2_1-.Ltmp1, $3  }
0x187: {  	_ =	sdelay $0x1  }
0x188: {  	[sflag:s22] =	ssyncset.done $0x0  }
0x189: {  	[sflag:s22] =	ssyncadd.s32 $0xFFFFEC00  }
0x18a: {  	_ =	sfence.sel $0x180000  }
0x18b: {  	[bflag:$0x0] =	sbarrier.arrive $0xFFFF  }
0x18c: {  	_ =	strace $0x9000004A  }
0x18d: {  	s0 =	stileid.u32;
	[bflag:$0x2] =	sbarrier.arrive $0xFFFF  }
0x18e: {  	p0 =	sne.s32 s0, $0x0;
	s0 =	rddreg [dreg:$0x1]  }
0x18f: {  	s0 =	sadd.s32 @!p0 $0x100000, s0  }
0x190: {  	[sflag:s0] =	ssyncadd.tile.s32 @!p0 $0x1;
	_ =	shalt  }
.Lfunc_end2:
_tile_overlayer_lowered:
.L_overlay_start_2:
0x191: {  	(tag) =	ssettag $0x2  }
0x192: {  	s0 =	rddreg [dreg:$0x0];
	s2 =	stileid.u32  }
0x193: {  	s1 =	rddreg [dreg:$0x1];
	p0 =	sne.s32 s2, $0x0  }
0x194: {  	s3 =	rddreg [dreg:$0x2];
	[bflag:$0x3] =	sbarrier.arrive $0xFFFF;
	s2 =	simm.s32 @!p0 $0x1C0D  }
0x195: {  	[timem:s3], [sflag:s2] =	dma.local @!p0 [hbm:s0], s1  }
0x196: {  	s0 =	simm.s32 @!p0 $0xD  }
0x197: {  	_ =	swait.ge @!p0 [sflag:s0], s1  }
0x198: {  	s1 =	ssub.s32 @!p0 $0x0, s1;
	[sflag:s0] =	ssyncset.done @!p0 $0x0  }
0x199: {  	[sflag:s0] =	ssyncadd.s32 @!p0 s1  }
0x19a: {  	[bflag:$0x3] =	sbarrier.arrive $0xFFFF  }
0x19b: {  	_ =	shalt  }

</sc_bundles>
